<compile_context>
chip_gen: v7x
topology: tpu7x:2x2x1
jax: 0.10.2.dev20260603
libtpu: 0.0.44.dev20260713+nightly
codegen_flags: <defaults>
</compile_context>

<pallas_src>
import jax
import jax.numpy as jnp
from jax import lax
from jax.experimental import pallas as pl
from jax.experimental.pallas import tpu as pltpu
from jax.experimental.pallas import tpu_sc as plsc

H = 500
W = 500
N = H * W
PS = 5
PPR = W // PS
NP = (H // PS) * PPR
T = 10
CPP = 3 * T * 2
LANES = 16
NWORK = 32
VPW = 489
CH = VPW * LANES
SMAX = N - CH
SPR = 5
SP = SPR * PPR
PRMAX = (NP // PPR) - SPR
SPB = 6


def _body(pix_hbm, coef_hbm, bias_hbm, out_hbm, pix_v, coef_v, bias_v, out_v,
          sem1, sem2, sem3):
    wid = lax.axis_index("s") * 2 + lax.axis_index("c")
    s = jnp.minimum(wid * CH, SMAX)
    pr0 = jnp.minimum(s // (W * PS), PRMAX)

    pr0e = (pr0 // 2) * 2
    cp1 = pltpu.async_copy(pix_hbm.at[pl.ds(2 * s, 2 * CH)], pix_v, sem1)
    cp2 = pltpu.async_copy(
        coef_hbm.at[pl.ds(pr0 * (PPR * CPP), SP * CPP)], coef_v, sem2)
    cp3 = pltpu.async_copy(
        bias_hbm.at[pl.ds(pr0e * (PPR * 3), SPB * PPR * 3)], bias_v, sem3)
    cp1.wait()
    cp2.wait()
    cp3.wait()

    iota = lax.iota(jnp.int32, LANES)
    sm = (s % W) + iota
    wrap0 = sm >= W
    col0 = jnp.where(wrap0, sm - W, sm)
    r0 = jnp.full((LANES,), s // W, jnp.int32)
    row0 = jnp.where(wrap0, r0 + 1, r0)
    ix0 = iota * 2
    base60 = pr0 * (PPR * CPP)
    baseb = pr0e * (PPR * 3)

    @plsc.parallel_loop(0, VPW, carry=(col0, row0, ix0), unroll=16)
    def step(i, carry):
        col, row, ixx = carry
        x = plsc.load_gather(pix_v, [ixx])
        y = plsc.load_gather(pix_v, [ixx + 1])
        pc = (col * 6554) >> 15
        pr = (row * 6554) >> 15
        cidx = pr * (PPR * CPP) + pc * CPP - base60
        bidx = pr * (PPR * 3) + pc * 3 - baseb
        off = i * LANES
        for c in range(3):
            cb = cidx + c * (2 * T) if c else cidx
            sx = plsc.load_gather(coef_v, [cb + 2 * (T - 1)])
            sy = plsc.load_gather(coef_v, [cb + 2 * (T - 1) + 1])
            for t in range(T - 2, -1, -1):
                sx = sx * x + plsc.load_gather(coef_v, [cb + 2 * t])
                sy = sy * y + plsc.load_gather(coef_v, [cb + 2 * t + 1])
            acc = plsc.load_gather(bias_v, [bidx + c if c else bidx])
            out_v[pl.ds(c * CH + off, LANES)] = acc + sx + sy
        colp = col + LANES
        w = colp >= W
        col = jnp.where(w, colp - W, colp)
        row = jnp.where(w, row + 1, row)
        return col, row, ixx + 2 * LANES

    for c in range(3):
        pltpu.sync_copy(out_v.at[pl.ds(c * CH, CH)], out_hbm.at[pl.ds(c * N + s, CH)])


@jax.jit
def kernel(pix_coord, coefficients, bias):
    mesh = plsc.VectorSubcoreMesh(core_axis_name="c", subcore_axis_name="s")
    f = pl.kernel(
        _body,
        out_type=jax.ShapeDtypeStruct((3 * N,), jnp.float32),
        mesh=mesh,
        compiler_params=pltpu.CompilerParams(
            needs_layout_passes=False,
            disable_bounds_checks=True,
            disable_semaphore_checks=True,
        ),
        scratch_types=[
            pltpu.VMEM((2 * CH,), jnp.float32),
            pltpu.VMEM((SP * CPP,), jnp.float32),
            pltpu.VMEM((SPB * PPR * 3,), jnp.float32),
            pltpu.VMEM((3 * CH,), jnp.float32),
            pltpu.SemaphoreType.DMA,
            pltpu.SemaphoreType.DMA,
            pltpu.SemaphoreType.DMA,
        ],
    )
    out = f(pix_coord.reshape(-1), coefficients.reshape(-1), bias.reshape(-1))
    return out.reshape(3, N)

# --- scband reference (transcript-rebuilt; emitter-appended) ---
"""Pipeline reference for scband-tsapproximation-33767032881890 (READ-ONLY COPY).

The authoritative reference and input builder live on the scoring server;
editing this copy changes nothing except your own understanding.
"""

import jax, jax.numpy as jnp
import numpy as np

IMAGE_DIM = (500, 500)
NUM_TERMS = 10
PATCH_SIZE = 5


def setup_inputs(seed: int = 0) -> dict:
    key = jax.random.key(seed)
    k1, k2 = jax.random.split(key)
    num_pixels = IMAGE_DIM[0] * IMAGE_DIM[1]
    num_patches = (IMAGE_DIM[0] // PATCH_SIZE) * (IMAGE_DIM[1] // PATCH_SIZE)
    pix_coord = jax.random.uniform(k1, (num_pixels, 2), dtype=jnp.float32)
    # xavier_uniform for tensor of shape (num_patches, 3, num_terms, 2):
    # receptive = num_terms*2, fan_in = 3*receptive, fan_out = num_patches*receptive
    receptive = NUM_TERMS * 2
    fan_in = 3 * receptive
    fan_out = num_patches * receptive
    bound = float(np.sqrt(6.0 / (fan_in + fan_out)))
    coefficients = jax.random.uniform(k2, (num_patches, 3, NUM_TERMS, 2), minval=-bound, maxval=bound, dtype=jnp.float32)
    bias = jnp.zeros((num_patches, 3), dtype=jnp.float32)
    return {"pix_coord": pix_coord, "coefficients": coefficients, "bias": bias}


def reference(pix_coord, coefficients, bias):
    H, W = IMAGE_DIM
    num_pixels = H * W
    width = IMAGE_DIM[0]  # original uses image_dim[0] as width
    idx = jnp.arange(num_pixels)
    row = idx // width
    col = idx % width
    patch_index = (row // PATCH_SIZE) * (width // PATCH_SIZE) + (col // PATCH_SIZE)
    powers = jnp.arange(NUM_TERMS, dtype=jnp.float32)
    px = pix_coord[:, 0:1] ** powers  # [N, T]
    py = pix_coord[:, 1:2] ** powers  # [N, T]
    coef = jnp.take(coefficients, patch_index, axis=0)  # [N, 3, T, 2]
    b = jnp.take(bias, patch_index, axis=0)             # [N, 3]
    out = (jnp.einsum('nct,nt->cn', coef[..., 0], px)
           + jnp.einsum('nct,nt->cn', coef[..., 1], py)
           + b.T)
    return out  # [3, num_pixels]

if __name__ == "__main__":
    import jax
    _d = setup_inputs()
    print(jax.jit(kernel)(*tuple(_d.values())))

</pallas_src>

<mosaic_0001>
#map = affine_map<(d0, d1) -> (0)>
module attributes {stable_mosaic.version = 14 : i64} {
  func.func @_body(%arg0: i32, %arg1: i32, %arg2: memref<500000xf32, #tpu.memory_space<hbm>>, %arg3: memref<600000xf32, #tpu.memory_space<hbm>>, %arg4: memref<30000xf32, #tpu.memory_space<hbm>>, %arg5: memref<750000xf32, #tpu.memory_space<hbm>>, %arg6: memref<15648xf32, #tpu.memory_space<vmem>>, %arg7: memref<30000xf32, #tpu.memory_space<vmem>>, %arg8: memref<1800xf32, #tpu.memory_space<vmem>>, %arg9: memref<23472xf32, #tpu.memory_space<vmem>>, %arg10: memref<!tpu.dma_semaphore, #tpu.memory_space<semaphore_mem>>, %arg11: memref<!tpu.dma_semaphore, #tpu.memory_space<semaphore_mem>>, %arg12: memref<!tpu.dma_semaphore, #tpu.memory_space<semaphore_mem>>) attributes {dimension_semantics = [#tpu.dimension_semantics<core_parallel>, #tpu.dimension_semantics<subcore_parallel>], iteration_bounds = array<i64: 2, 16>, scalar_prefetch = 0 : i64, scratch_operands = 7 : i64, tpu.core_type = #tpu.core_type<sc_vector_subcore>, window_params = [{transform_indices = #map}, {transform_indices = #map}, {transform_indices = #map}, {transform_indices = #map}]} {
    %mul3A = arith.constant 2 : i32
    %mul3A_0 = arith.muli %arg1, %mul3A : i32
    %add3A = arith.addi %mul3A_0, %arg0 : i32
    %mul3A_1 = arith.constant 7824 : i32
    %mul3A_2 = arith.muli %add3A, %mul3A_1 : i32
    %min3A = arith.constant 242176 : i32
    %min3A_3 = arith.minsi %mul3A_2, %min3A : i32
    %jit3A = arith.constant 2500 : i32
    %div3A = arith.divsi %min3A_3, %jit3A : i32
    %sign3A = arith.constant 0 : i32
    %sign3A_4 = arith.cmpi sgt, %min3A_3, %sign3A : i32
    %sign3A_5 = arith.extui %sign3A_4 : i1 to i32
    %sign3A_6 = arith.constant 0 : i32
    %sign3A_7 = arith.cmpi slt, %min3A_3, %sign3A_6 : i32
    %sign3A_8 = arith.extui %sign3A_7 : i1 to i32
    %sign3A_9 = arith.subi %sign3A_5, %sign3A_8 : i32
    %sign3A_10 = arith.constant 0 : i32
    %sign3A_11 = arith.cmpi sgt, %jit3A, %sign3A_10 : i32
    %sign3A_12 = arith.extui %sign3A_11 : i1 to i32
    %sign3A_13 = arith.constant 0 : i32
    %sign3A_14 = arith.cmpi slt, %jit3A, %sign3A_13 : i32
    %sign3A_15 = arith.extui %sign3A_14 : i1 to i32
    %sign3A_16 = arith.subi %sign3A_12, %sign3A_15 : i32
    %ne3A = arith.cmpi ne, %sign3A_9, %sign3A_16 : i32
    %rem3A = arith.remsi %min3A_3, %jit3A : i32
    %ne3A_17 = arith.constant 0 : i32
    %ne3A_18 = arith.cmpi ne, %rem3A, %ne3A_17 : i32
    %and3A = arith.andi %ne3A, %ne3A_18 : i1
    %sub3A = arith.constant 1 : i32
    %sub3A_19 = arith.subi %div3A, %sub3A : i32
    %select_n3A = arith.select %and3A, %sub3A_19, %div3A : i32
    %min3A_20 = arith.constant 95 : i32
    %min3A_21 = arith.minsi %select_n3A, %min3A_20 : i32
    %jit3A_22 = arith.constant 2 : i32
    %div3A_23 = arith.divsi %min3A_21, %jit3A_22 : i32
    %sign3A_24 = arith.constant 0 : i32
    %sign3A_25 = arith.cmpi sgt, %min3A_21, %sign3A_24 : i32
    %sign3A_26 = arith.extui %sign3A_25 : i1 to i32
    %sign3A_27 = arith.constant 0 : i32
    %sign3A_28 = arith.cmpi slt, %min3A_21, %sign3A_27 : i32
    %sign3A_29 = arith.extui %sign3A_28 : i1 to i32
    %sign3A_30 = arith.subi %sign3A_26, %sign3A_29 : i32
    %sign3A_31 = arith.constant 0 : i32
    %sign3A_32 = arith.cmpi sgt, %jit3A_22, %sign3A_31 : i32
    %sign3A_33 = arith.extui %sign3A_32 : i1 to i32
    %sign3A_34 = arith.constant 0 : i32
    %sign3A_35 = arith.cmpi slt, %jit3A_22, %sign3A_34 : i32
    %sign3A_36 = arith.extui %sign3A_35 : i1 to i32
    %sign3A_37 = arith.subi %sign3A_33, %sign3A_36 : i32
    %ne3A_38 = arith.cmpi ne, %sign3A_30, %sign3A_37 : i32
    %rem3A_39 = arith.remsi %min3A_21, %jit3A_22 : i32
    %ne3A_40 = arith.constant 0 : i32
    %ne3A_41 = arith.cmpi ne, %rem3A_39, %ne3A_40 : i32
    %and3A_42 = arith.andi %ne3A_38, %ne3A_41 : i1
    %sub3A_43 = arith.constant 1 : i32
    %sub3A_44 = arith.subi %div3A_23, %sub3A_43 : i32
    %select_n3A_45 = arith.select %and3A_42, %sub3A_44, %div3A_23 : i32
    %mul3A_46 = arith.constant 2 : i32
    %mul3A_47 = arith.muli %select_n3A_45, %mul3A_46 : i32
    %mul3A_48 = arith.constant 2 : i32
    %mul3A_49 = arith.muli %mul3A_48, %min3A_3 : i32
    %dma_start3A = tpu.memref_slice %arg2[%mul3A_49] : memref<500000xf32, #tpu.memory_space<hbm>> -> memref<15648xf32, #tpu.memory_space<hbm>>
    %dma_start3A_50 = tpu.memref_slice %arg2[%mul3A_49] : memref<500000xf32, #tpu.memory_space<hbm>> -> memref<15648xf32, #tpu.memory_space<hbm>>
    tpu.enqueue_dma source(%dma_start3A_50 : memref<15648xf32, #tpu.memory_space<hbm>>) target(%arg6 : memref<15648xf32, #tpu.memory_space<vmem>>) target_semaphore(%arg10 : memref<!tpu.dma_semaphore, #tpu.memory_space<semaphore_mem>>)
    %mul3A_51 = arith.constant 6000 : i32
    %mul3A_52 = arith.muli %min3A_21, %mul3A_51 : i32
    %dma_start3A_53 = tpu.memref_slice %arg3[%mul3A_52] : memref<600000xf32, #tpu.memory_space<hbm>> -> memref<30000xf32, #tpu.memory_space<hbm>>
    %dma_start3A_54 = tpu.memref_slice %arg3[%mul3A_52] : memref<600000xf32, #tpu.memory_space<hbm>> -> memref<30000xf32, #tpu.memory_space<hbm>>
    tpu.enqueue_dma source(%dma_start3A_54 : memref<30000xf32, #tpu.memory_space<hbm>>) target(%arg7 : memref<30000xf32, #tpu.memory_space<vmem>>) target_semaphore(%arg11 : memref<!tpu.dma_semaphore, #tpu.memory_space<semaphore_mem>>)
    %mul3A_55 = arith.constant 300 : i32
    %mul3A_56 = arith.muli %mul3A_47, %mul3A_55 : i32
    %dma_start3A_57 = tpu.memref_slice %arg4[%mul3A_56] : memref<30000xf32, #tpu.memory_space<hbm>> -> memref<1800xf32, #tpu.memory_space<hbm>>
    %dma_start3A_58 = tpu.memref_slice %arg4[%mul3A_56] : memref<30000xf32, #tpu.memory_space<hbm>> -> memref<1800xf32, #tpu.memory_space<hbm>>
    tpu.enqueue_dma source(%dma_start3A_58 : memref<1800xf32, #tpu.memory_space<hbm>>) target(%arg8 : memref<1800xf32, #tpu.memory_space<vmem>>) target_semaphore(%arg12 : memref<!tpu.dma_semaphore, #tpu.memory_space<semaphore_mem>>)
    %dma_wait3A = tpu.memref_slice %arg2[%mul3A_49] : memref<500000xf32, #tpu.memory_space<hbm>> -> memref<15648xf32, #tpu.memory_space<hbm>>
    %dma_wait3A_59 = tpu.memref_slice %arg2[%mul3A_49] : memref<500000xf32, #tpu.memory_space<hbm>> -> memref<15648xf32, #tpu.memory_space<hbm>>
    tpu.wait_dma2 semaphore(%arg10 : memref<!tpu.dma_semaphore, #tpu.memory_space<semaphore_mem>>) src(%dma_wait3A_59 : memref<15648xf32, #tpu.memory_space<hbm>>) dst(%arg6 : memref<15648xf32, #tpu.memory_space<vmem>>)
    %dma_wait3A_60 = tpu.memref_slice %arg3[%mul3A_52] : memref<600000xf32, #tpu.memory_space<hbm>> -> memref<30000xf32, #tpu.memory_space<hbm>>
    %dma_wait3A_61 = tpu.memref_slice %arg3[%mul3A_52] : memref<600000xf32, #tpu.memory_space<hbm>> -> memref<30000xf32, #tpu.memory_space<hbm>>
    tpu.wait_dma2 semaphore(%arg11 : memref<!tpu.dma_semaphore, #tpu.memory_space<semaphore_mem>>) src(%dma_wait3A_61 : memref<30000xf32, #tpu.memory_space<hbm>>) dst(%arg7 : memref<30000xf32, #tpu.memory_space<vmem>>)
    %dma_wait3A_62 = tpu.memref_slice %arg4[%mul3A_56] : memref<30000xf32, #tpu.memory_space<hbm>> -> memref<1800xf32, #tpu.memory_space<hbm>>
    %dma_wait3A_63 = tpu.memref_slice %arg4[%mul3A_56] : memref<30000xf32, #tpu.memory_space<hbm>> -> memref<1800xf32, #tpu.memory_space<hbm>>
    tpu.wait_dma2 semaphore(%arg12 : memref<!tpu.dma_semaphore, #tpu.memory_space<semaphore_mem>>) src(%dma_wait3A_63 : memref<1800xf32, #tpu.memory_space<hbm>>) dst(%arg8 : memref<1800xf32, #tpu.memory_space<vmem>>)
    %iota3A = tpu.iota {dimensions = array<i32: 0>} : vector<16xi32>
    %jit3A_64 = arith.constant 500 : i32
    %eq3A = arith.constant 0 : i32
    %eq3A_65 = arith.cmpi eq, %jit3A_64, %eq3A : i32
    %jit3A_66 = arith.constant 1 : i32
    %select_n3A_67 = arith.select %eq3A_65, %jit3A_66, %jit3A_64 : i32
    %rem3A_68 = arith.remsi %min3A_3, %select_n3A_67 : i32
    %ne3A_69 = arith.constant 0 : i32
    %ne3A_70 = arith.cmpi ne, %rem3A_68, %ne3A_69 : i32
    %lt3A = arith.constant 0 : i32
    %lt3A_71 = arith.cmpi slt, %rem3A_68, %lt3A : i32
    %lt3A_72 = arith.constant 0 : i32
    %lt3A_73 = arith.cmpi slt, %select_n3A_67, %lt3A_72 : i32
    %ne3A_74 = arith.xori %lt3A_71, %lt3A_73 : i1
    %and3A_75 = arith.andi %ne3A_74, %ne3A_70 : i1
    %add3A_76 = arith.addi %rem3A_68, %select_n3A_67 : i32
    %select_n3A_77 = arith.select %and3A_75, %add3A_76, %rem3A_68 : i32
    %add3A_78 = vector.broadcast %select_n3A_77 : i32 to vector<16xi32>
    %add3A_79 = arith.addi %add3A_78, %iota3A : vector<16xi32>
    %ge3A = arith.constant 500 : i32
    %ge3A_80 = vector.broadcast %ge3A : i32 to vector<16xi32>
    %ge3A_81 = arith.cmpi sge, %add3A_79, %ge3A_80 : vector<16xi32>
    %sub3A_82 = arith.constant 500 : i32
    %sub3A_83 = vector.broadcast %sub3A_82 : i32 to vector<16xi32>
    %sub3A_84 = arith.subi %add3A_79, %sub3A_83 : vector<16xi32>
    %select_n3A_85 = arith.select %ge3A_81, %sub3A_84, %add3A_79 : vector<16xi1>, vector<16xi32>
    %jit3A_86 = arith.constant 500 : i32
    %div3A_87 = arith.divsi %min3A_3, %jit3A_86 : i32
    %sign3A_88 = arith.constant 0 : i32
    %sign3A_89 = arith.cmpi sgt, %min3A_3, %sign3A_88 : i32
    %sign3A_90 = arith.extui %sign3A_89 : i1 to i32
    %sign3A_91 = arith.constant 0 : i32
    %sign3A_92 = arith.cmpi slt, %min3A_3, %sign3A_91 : i32
    %sign3A_93 = arith.extui %sign3A_92 : i1 to i32
    %sign3A_94 = arith.subi %sign3A_90, %sign3A_93 : i32
    %sign3A_95 = arith.constant 0 : i32
    %sign3A_96 = arith.cmpi sgt, %jit3A_86, %sign3A_95 : i32
    %sign3A_97 = arith.extui %sign3A_96 : i1 to i32
    %sign3A_98 = arith.constant 0 : i32
    %sign3A_99 = arith.cmpi slt, %jit3A_86, %sign3A_98 : i32
    %sign3A_100 = arith.extui %sign3A_99 : i1 to i32
    %sign3A_101 = arith.subi %sign3A_97, %sign3A_100 : i32
    %ne3A_102 = arith.cmpi ne, %sign3A_94, %sign3A_101 : i32
    %rem3A_103 = arith.remsi %min3A_3, %jit3A_86 : i32
    %ne3A_104 = arith.constant 0 : i32
    %ne3A_105 = arith.cmpi ne, %rem3A_103, %ne3A_104 : i32
    %and3A_106 = arith.andi %ne3A_102, %ne3A_105 : i1
    %sub3A_107 = arith.constant 1 : i32
    %sub3A_108 = arith.subi %div3A_87, %sub3A_107 : i32
    %select_n3A_109 = arith.select %and3A_106, %sub3A_108, %div3A_87 : i32
    %broadcast_in_dim3A = vector.broadcast %select_n3A_109 : i32 to vector<16xi32>
    %add3A_110 = arith.constant 1 : i32
    %add3A_111 = vector.broadcast %add3A_110 : i32 to vector<16xi32>
    %add3A_112 = arith.addi %broadcast_in_dim3A, %add3A_111 : vector<16xi32>
    %select_n3A_113 = arith.select %ge3A_81, %add3A_112, %broadcast_in_dim3A : vector<16xi1>, vector<16xi32>
    %mul3A_114 = arith.constant 2 : i32
    %mul3A_115 = vector.broadcast %mul3A_114 : i32 to vector<16xi32>
    %mul3A_116 = arith.muli %iota3A, %mul3A_115 : vector<16xi32>
    %mul3A_117 = arith.constant 6000 : i32
    %mul3A_118 = arith.muli %min3A_21, %mul3A_117 : i32
    %mul3A_119 = arith.constant 300 : i32
    %mul3A_120 = arith.muli %mul3A_47, %mul3A_119 : i32
    %parallel_loop3A = arith.constant 0 : i32
    %parallel_loop3A_121 = arith.constant 489 : i32
    %parallel_loop3A_122 = arith.constant 1 : i32
    %parallel_loop3A_123:3 = scf.for %parallel_loop3A_130 = %parallel_loop3A to %parallel_loop3A_121 step %parallel_loop3A_122 iter_args(%parallel_loop3A_131 = %select_n3A_85, %parallel_loop3A_132 = %select_n3A_113, %parallel_loop3A_133 = %mul3A_116) -> (vector<16xi32>, vector<16xi32>, vector<16xi32>)  : i32 {
      %parallel_loop3A_134 = tpu.vector_load_idx %arg6[%parallel_loop3A_133] : memref<15648xf32, #tpu.memory_space<vmem>>[vector<16xi32>], vector<16xf32>,
      %parallel_loop3A_135 = arith.constant 1 : i32
      %parallel_loop3A_136 = vector.broadcast %parallel_loop3A_135 : i32 to vector<16xi32>
      %parallel_loop3A_137 = arith.addi %parallel_loop3A_133, %parallel_loop3A_136 : vector<16xi32>
      %parallel_loop3A_138 = tpu.vector_load_idx %arg6[%parallel_loop3A_137] : memref<15648xf32, #tpu.memory_space<vmem>>[vector<16xi32>], vector<16xf32>,
      %parallel_loop3A_139 = arith.constant 6554 : i32
      %parallel_loop3A_140 = vector.broadcast %parallel_loop3A_139 : i32 to vector<16xi32>
      %parallel_loop3A_141 = arith.muli %parallel_loop3A_131, %parallel_loop3A_140 : vector<16xi32>
      %parallel_loop3A_142 = arith.constant 15 : i32
      %parallel_loop3A_143 = vector.broadcast %parallel_loop3A_142 : i32 to vector<16xi32>
      %parallel_loop3A_144 = arith.shrsi %parallel_loop3A_141, %parallel_loop3A_143 : vector<16xi32>
      %parallel_loop3A_145 = arith.constant 6554 : i32
      %parallel_loop3A_146 = vector.broadcast %parallel_loop3A_145 : i32 to vector<16xi32>
      %parallel_loop3A_147 = arith.muli %parallel_loop3A_132, %parallel_loop3A_146 : vector<16xi32>
      %parallel_loop3A_148 = arith.constant 15 : i32
      %parallel_loop3A_149 = vector.broadcast %parallel_loop3A_148 : i32 to vector<16xi32>
      %parallel_loop3A_150 = arith.shrsi %parallel_loop3A_147, %parallel_loop3A_149 : vector<16xi32>
      %parallel_loop3A_151 = arith.constant 6000 : i32
      %parallel_loop3A_152 = vector.broadcast %parallel_loop3A_151 : i32 to vector<16xi32>
      %parallel_loop3A_153 = arith.muli %parallel_loop3A_150, %parallel_loop3A_152 : vector<16xi32>
      %parallel_loop3A_154 = arith.constant 60 : i32
      %parallel_loop3A_155 = vector.broadcast %parallel_loop3A_154 : i32 to vector<16xi32>
      %parallel_loop3A_156 = arith.muli %parallel_loop3A_144, %parallel_loop3A_155 : vector<16xi32>
      %parallel_loop3A_157 = arith.addi %parallel_loop3A_153, %parallel_loop3A_156 : vector<16xi32>
      %parallel_loop3A_158 = vector.broadcast %mul3A_118 : i32 to vector<16xi32>
      %parallel_loop3A_159 = arith.subi %parallel_loop3A_157, %parallel_loop3A_158 : vector<16xi32>
      %parallel_loop3A_160 = arith.constant 300 : i32
      %parallel_loop3A_161 = vector.broadcast %parallel_loop3A_160 : i32 to vector<16xi32>
      %parallel_loop3A_162 = arith.muli %parallel_loop3A_150, %parallel_loop3A_161 : vector<16xi32>
      %parallel_loop3A_163 = arith.constant 3 : i32
      %parallel_loop3A_164 = vector.broadcast %parallel_loop3A_163 : i32 to vector<16xi32>
      %parallel_loop3A_165 = arith.muli %parallel_loop3A_144, %parallel_loop3A_164 : vector<16xi32>
      %parallel_loop3A_166 = arith.addi %parallel_loop3A_162, %parallel_loop3A_165 : vector<16xi32>
      %parallel_loop3A_167 = vector.broadcast %mul3A_120 : i32 to vector<16xi32>
      %parallel_loop3A_168 = arith.subi %parallel_loop3A_166, %parallel_loop3A_167 : vector<16xi32>
      %parallel_loop3A_169 = arith.constant 16 : i32
      %parallel_loop3A_170 = arith.muli %parallel_loop3A_130, %parallel_loop3A_169 : i32
      %parallel_loop3A_171 = arith.constant 18 : i32
      %parallel_loop3A_172 = vector.broadcast %parallel_loop3A_171 : i32 to vector<16xi32>
      %parallel_loop3A_173 = arith.addi %parallel_loop3A_159, %parallel_loop3A_172 : vector<16xi32>
      %parallel_loop3A_174 = tpu.vector_load_idx %arg7[%parallel_loop3A_173] : memref<30000xf32, #tpu.memory_space<vmem>>[vector<16xi32>], vector<16xf32>,
      %parallel_loop3A_175 = arith.constant 18 : i32
      %parallel_loop3A_176 = vector.broadcast %parallel_loop3A_175 : i32 to vector<16xi32>
      %parallel_loop3A_177 = arith.addi %parallel_loop3A_159, %parallel_loop3A_176 : vector<16xi32>
      %parallel_loop3A_178 = arith.constant 1 : i32
      %parallel_loop3A_179 = vector.broadcast %parallel_loop3A_178 : i32 to vector<16xi32>
      %parallel_loop3A_180 = arith.addi %parallel_loop3A_177, %parallel_loop3A_179 : vector<16xi32>
      %parallel_loop3A_181 = tpu.vector_load_idx %arg7[%parallel_loop3A_180] : memref<30000xf32, #tpu.memory_space<vmem>>[vector<16xi32>], vector<16xf32>,
      %parallel_loop3A_182 = arith.mulf %parallel_loop3A_174, %parallel_loop3A_134 : vector<16xf32>
      %parallel_loop3A_183 = arith.constant 16 : i32
      %parallel_loop3A_184 = vector.broadcast %parallel_loop3A_183 : i32 to vector<16xi32>
      %parallel_loop3A_185 = arith.addi %parallel_loop3A_159, %parallel_loop3A_184 : vector<16xi32>
      %parallel_loop3A_186 = tpu.vector_load_idx %arg7[%parallel_loop3A_185] : memref<30000xf32, #tpu.memory_space<vmem>>[vector<16xi32>], vector<16xf32>,
      %parallel_loop3A_187 = arith.addf %parallel_loop3A_182, %parallel_loop3A_186 : vector<16xf32>
      %parallel_loop3A_188 = arith.mulf %parallel_loop3A_181, %parallel_loop3A_138 : vector<16xf32>
      %parallel_loop3A_189 = arith.constant 16 : i32
      %parallel_loop3A_190 = vector.broadcast %parallel_loop3A_189 : i32 to vector<16xi32>
      %parallel_loop3A_191 = arith.addi %parallel_loop3A_159, %parallel_loop3A_190 : vector<16xi32>
      %parallel_loop3A_192 = arith.constant 1 : i32
      %parallel_loop3A_193 = vector.broadcast %parallel_loop3A_192 : i32 to vector<16xi32>
      %parallel_loop3A_194 = arith.addi %parallel_loop3A_191, %parallel_loop3A_193 : vector<16xi32>
      %parallel_loop3A_195 = tpu.vector_load_idx %arg7[%parallel_loop3A_194] : memref<30000xf32, #tpu.memory_space<vmem>>[vector<16xi32>], vector<16xf32>,
      %parallel_loop3A_196 = arith.addf %parallel_loop3A_188, %parallel_loop3A_195 : vector<16xf32>
      %parallel_loop3A_197 = arith.mulf %parallel_loop3A_187, %parallel_loop3A_134 : vector<16xf32>
      %parallel_loop3A_198 = arith.constant 14 : i32
      %parallel_loop3A_199 = vector.broadcast %parallel_loop3A_198 : i32 to vector<16xi32>
      %parallel_loop3A_200 = arith.addi %parallel_loop3A_159, %parallel_loop3A_199 : vector<16xi32>
      %parallel_loop3A_201 = tpu.vector_load_idx %arg7[%parallel_loop3A_200] : memref<30000xf32, #tpu.memory_space<vmem>>[vector<16xi32>], vector<16xf32>,
      %parallel_loop3A_202 = arith.addf %parallel_loop3A_197, %parallel_loop3A_201 : vector<16xf32>
      %parallel_loop3A_203 = arith.mulf %parallel_loop3A_196, %parallel_loop3A_138 : vector<16xf32>
      %parallel_loop3A_204 = arith.constant 14 : i32
      %parallel_loop3A_205 = vector.broadcast %parallel_loop3A_204 : i32 to vector<16xi32>
      %parallel_loop3A_206 = arith.addi %parallel_loop3A_159, %parallel_loop3A_205 : vector<16xi32>
      %parallel_loop3A_207 = arith.constant 1 : i32
      %parallel_loop3A_208 = vector.broadcast %parallel_loop3A_207 : i32 to vector<16xi32>
      %parallel_loop3A_209 = arith.addi %parallel_loop3A_206, %parallel_loop3A_208 : vector<16xi32>
      %parallel_loop3A_210 = tpu.vector_load_idx %arg7[%parallel_loop3A_209] : memref<30000xf32, #tpu.memory_space<vmem>>[vector<16xi32>], vector<16xf32>,
      %parallel_loop3A_211 = arith.addf %parallel_loop3A_203, %parallel_loop3A_210 : vector<16xf32>
      %parallel_loop3A_212 = arith.mulf %parallel_loop3A_202, %parallel_loop3A_134 : vector<16xf32>
      %parallel_loop3A_213 = arith.constant 12 : i32
      %parallel_loop3A_214 = vector.broadcast %parallel_loop3A_213 : i32 to vector<16xi32>
      %parallel_loop3A_215 = arith.addi %parallel_loop3A_159, %parallel_loop3A_214 : vector<16xi32>
      %parallel_loop3A_216 = tpu.vector_load_idx %arg7[%parallel_loop3A_215] : memref<30000xf32, #tpu.memory_space<vmem>>[vector<16xi32>], vector<16xf32>,
      %parallel_loop3A_217 = arith.addf %parallel_loop3A_212, %parallel_loop3A_216 : vector<16xf32>
      %parallel_loop3A_218 = arith.mulf %parallel_loop3A_211, %parallel_loop3A_138 : vector<16xf32>
      %parallel_loop3A_219 = arith.constant 12 : i32
      %parallel_loop3A_220 = vector.broadcast %parallel_loop3A_219 : i32 to vector<16xi32>
      %parallel_loop3A_221 = arith.addi %parallel_loop3A_159, %parallel_loop3A_220 : vector<16xi32>
      %parallel_loop3A_222 = arith.constant 1 : i32
      %parallel_loop3A_223 = vector.broadcast %parallel_loop3A_222 : i32 to vector<16xi32>
      %parallel_loop3A_224 = arith.addi %parallel_loop3A_221, %parallel_loop3A_223 : vector<16xi32>
      %parallel_loop3A_225 = tpu.vector_load_idx %arg7[%parallel_loop3A_224] : memref<30000xf32, #tpu.memory_space<vmem>>[vector<16xi32>], vector<16xf32>,
      %parallel_loop3A_226 = arith.addf %parallel_loop3A_218, %parallel_loop3A_225 : vector<16xf32>
      %parallel_loop3A_227 = arith.mulf %parallel_loop3A_217, %parallel_loop3A_134 : vector<16xf32>
      %parallel_loop3A_228 = arith.constant 10 : i32
      %parallel_loop3A_229 = vector.broadcast %parallel_loop3A_228 : i32 to vector<16xi32>
      %parallel_loop3A_230 = arith.addi %parallel_loop3A_159, %parallel_loop3A_229 : vector<16xi32>
      %parallel_loop3A_231 = tpu.vector_load_idx %arg7[%parallel_loop3A_230] : memref<30000xf32, #tpu.memory_space<vmem>>[vector<16xi32>], vector<16xf32>,
      %parallel_loop3A_232 = arith.addf %parallel_loop3A_227, %parallel_loop3A_231 : vector<16xf32>
      %parallel_loop3A_233 = arith.mulf %parallel_loop3A_226, %parallel_loop3A_138 : vector<16xf32>
      %parallel_loop3A_234 = arith.constant 10 : i32
      %parallel_loop3A_235 = vector.broadcast %parallel_loop3A_234 : i32 to vector<16xi32>
      %parallel_loop3A_236 = arith.addi %parallel_loop3A_159, %parallel_loop3A_235 : vector<16xi32>
      %parallel_loop3A_237 = arith.constant 1 : i32
      %parallel_loop3A_238 = vector.broadcast %parallel_loop3A_237 : i32 to vector<16xi32>
      %parallel_loop3A_239 = arith.addi %parallel_loop3A_236, %parallel_loop3A_238 : vector<16xi32>
      %parallel_loop3A_240 = tpu.vector_load_idx %arg7[%parallel_loop3A_239] : memref<30000xf32, #tpu.memory_space<vmem>>[vector<16xi32>], vector<16xf32>,
      %parallel_loop3A_241 = arith.addf %parallel_loop3A_233, %parallel_loop3A_240 : vector<16xf32>
      %parallel_loop3A_242 = arith.mulf %parallel_loop3A_232, %parallel_loop3A_134 : vector<16xf32>
      %parallel_loop3A_243 = arith.constant 8 : i32
      %parallel_loop3A_244 = vector.broadcast %parallel_loop3A_243 : i32 to vector<16xi32>
      %parallel_loop3A_245 = arith.addi %parallel_loop3A_159, %parallel_loop3A_244 : vector<16xi32>
      %parallel_loop3A_246 = tpu.vector_load_idx %arg7[%parallel_loop3A_245] : memref<30000xf32, #tpu.memory_space<vmem>>[vector<16xi32>], vector<16xf32>,
      %parallel_loop3A_247 = arith.addf %parallel_loop3A_242, %parallel_loop3A_246 : vector<16xf32>
      %parallel_loop3A_248 = arith.mulf %parallel_loop3A_241, %parallel_loop3A_138 : vector<16xf32>
      %parallel_loop3A_249 = arith.constant 8 : i32
      %parallel_loop3A_250 = vector.broadcast %parallel_loop3A_249 : i32 to vector<16xi32>
      %parallel_loop3A_251 = arith.addi %parallel_loop3A_159, %parallel_loop3A_250 : vector<16xi32>
      %parallel_loop3A_252 = arith.constant 1 : i32
      %parallel_loop3A_253 = vector.broadcast %parallel_loop3A_252 : i32 to vector<16xi32>
      %parallel_loop3A_254 = arith.addi %parallel_loop3A_251, %parallel_loop3A_253 : vector<16xi32>
      %parallel_loop3A_255 = tpu.vector_load_idx %arg7[%parallel_loop3A_254] : memref<30000xf32, #tpu.memory_space<vmem>>[vector<16xi32>], vector<16xf32>,
      %parallel_loop3A_256 = arith.addf %parallel_loop3A_248, %parallel_loop3A_255 : vector<16xf32>
      %parallel_loop3A_257 = arith.mulf %parallel_loop3A_247, %parallel_loop3A_134 : vector<16xf32>
      %parallel_loop3A_258 = arith.constant 6 : i32
      %parallel_loop3A_259 = vector.broadcast %parallel_loop3A_258 : i32 to vector<16xi32>
      %parallel_loop3A_260 = arith.addi %parallel_loop3A_159, %parallel_loop3A_259 : vector<16xi32>
      %parallel_loop3A_261 = tpu.vector_load_idx %arg7[%parallel_loop3A_260] : memref<30000xf32, #tpu.memory_space<vmem>>[vector<16xi32>], vector<16xf32>,
      %parallel_loop3A_262 = arith.addf %parallel_loop3A_257, %parallel_loop3A_261 : vector<16xf32>
      %parallel_loop3A_263 = arith.mulf %parallel_loop3A_256, %parallel_loop3A_138 : vector<16xf32>
      %parallel_loop3A_264 = arith.constant 6 : i32
      %parallel_loop3A_265 = vector.broadcast %parallel_loop3A_264 : i32 to vector<16xi32>
      %parallel_loop3A_266 = arith.addi %parallel_loop3A_159, %parallel_loop3A_265 : vector<16xi32>
      %parallel_loop3A_267 = arith.constant 1 : i32
      %parallel_loop3A_268 = vector.broadcast %parallel_loop3A_267 : i32 to vector<16xi32>
      %parallel_loop3A_269 = arith.addi %parallel_loop3A_266, %parallel_loop3A_268 : vector<16xi32>
      %parallel_loop3A_270 = tpu.vector_load_idx %arg7[%parallel_loop3A_269] : memref<30000xf32, #tpu.memory_space<vmem>>[vector<16xi32>], vector<16xf32>,
      %parallel_loop3A_271 = arith.addf %parallel_loop3A_263, %parallel_loop3A_270 : vector<16xf32>
      %parallel_loop3A_272 = arith.mulf %parallel_loop3A_262, %parallel_loop3A_134 : vector<16xf32>
      %parallel_loop3A_273 = arith.constant 4 : i32
      %parallel_loop3A_274 = vector.broadcast %parallel_loop3A_273 : i32 to vector<16xi32>
      %parallel_loop3A_275 = arith.addi %parallel_loop3A_159, %parallel_loop3A_274 : vector<16xi32>
      %parallel_loop3A_276 = tpu.vector_load_idx %arg7[%parallel_loop3A_275] : memref<30000xf32, #tpu.memory_space<vmem>>[vector<16xi32>], vector<16xf32>,
      %parallel_loop3A_277 = arith.addf %parallel_loop3A_272, %parallel_loop3A_276 : vector<16xf32>
      %parallel_loop3A_278 = arith.mulf %parallel_loop3A_271, %parallel_loop3A_138 : vector<16xf32>
      %parallel_loop3A_279 = arith.constant 4 : i32
      %parallel_loop3A_280 = vector.broadcast %parallel_loop3A_279 : i32 to vector<16xi32>
      %parallel_loop3A_281 = arith.addi %parallel_loop3A_159, %parallel_loop3A_280 : vector<16xi32>
      %parallel_loop3A_282 = arith.constant 1 : i32
      %parallel_loop3A_283 = vector.broadcast %parallel_loop3A_282 : i32 to vector<16xi32>
      %parallel_loop3A_284 = arith.addi %parallel_loop3A_281, %parallel_loop3A_283 : vector<16xi32>
      %parallel_loop3A_285 = tpu.vector_load_idx %arg7[%parallel_loop3A_284] : memref<30000xf32, #tpu.memory_space<vmem>>[vector<16xi32>], vector<16xf32>,
      %parallel_loop3A_286 = arith.addf %parallel_loop3A_278, %parallel_loop3A_285 : vector<16xf32>
      %parallel_loop3A_287 = arith.mulf %parallel_loop3A_277, %parallel_loop3A_134 : vector<16xf32>
      %parallel_loop3A_288 = arith.constant 2 : i32
      %parallel_loop3A_289 = vector.broadcast %parallel_loop3A_288 : i32 to vector<16xi32>
      %parallel_loop3A_290 = arith.addi %parallel_loop3A_159, %parallel_loop3A_289 : vector<16xi32>
      %parallel_loop3A_291 = tpu.vector_load_idx %arg7[%parallel_loop3A_290] : memref<30000xf32, #tpu.memory_space<vmem>>[vector<16xi32>], vector<16xf32>,
      %parallel_loop3A_292 = arith.addf %parallel_loop3A_287, %parallel_loop3A_291 : vector<16xf32>
      %parallel_loop3A_293 = arith.mulf %parallel_loop3A_286, %parallel_loop3A_138 : vector<16xf32>
      %parallel_loop3A_294 = arith.constant 2 : i32
      %parallel_loop3A_295 = vector.broadcast %parallel_loop3A_294 : i32 to vector<16xi32>
      %parallel_loop3A_296 = arith.addi %parallel_loop3A_159, %parallel_loop3A_295 : vector<16xi32>
      %parallel_loop3A_297 = arith.constant 1 : i32
      %parallel_loop3A_298 = vector.broadcast %parallel_loop3A_297 : i32 to vector<16xi32>
      %parallel_loop3A_299 = arith.addi %parallel_loop3A_296, %parallel_loop3A_298 : vector<16xi32>
      %parallel_loop3A_300 = tpu.vector_load_idx %arg7[%parallel_loop3A_299] : memref<30000xf32, #tpu.memory_space<vmem>>[vector<16xi32>], vector<16xf32>,
      %parallel_loop3A_301 = arith.addf %parallel_loop3A_293, %parallel_loop3A_300 : vector<16xf32>
      %parallel_loop3A_302 = arith.mulf %parallel_loop3A_292, %parallel_loop3A_134 : vector<16xf32>
      %parallel_loop3A_303 = arith.constant 0 : i32
      %parallel_loop3A_304 = vector.broadcast %parallel_loop3A_303 : i32 to vector<16xi32>
      %parallel_loop3A_305 = arith.addi %parallel_loop3A_159, %parallel_loop3A_304 : vector<16xi32>
      %parallel_loop3A_306 = tpu.vector_load_idx %arg7[%parallel_loop3A_305] : memref<30000xf32, #tpu.memory_space<vmem>>[vector<16xi32>], vector<16xf32>,
      %parallel_loop3A_307 = arith.addf %parallel_loop3A_302, %parallel_loop3A_306 : vector<16xf32>
      %parallel_loop3A_308 = arith.mulf %parallel_loop3A_301, %parallel_loop3A_138 : vector<16xf32>
      %parallel_loop3A_309 = arith.constant 0 : i32
      %parallel_loop3A_310 = vector.broadcast %parallel_loop3A_309 : i32 to vector<16xi32>
      %parallel_loop3A_311 = arith.addi %parallel_loop3A_159, %parallel_loop3A_310 : vector<16xi32>
      %parallel_loop3A_312 = arith.constant 1 : i32
      %parallel_loop3A_313 = vector.broadcast %parallel_loop3A_312 : i32 to vector<16xi32>
      %parallel_loop3A_314 = arith.addi %parallel_loop3A_311, %parallel_loop3A_313 : vector<16xi32>
      %parallel_loop3A_315 = tpu.vector_load_idx %arg7[%parallel_loop3A_314] : memref<30000xf32, #tpu.memory_space<vmem>>[vector<16xi32>], vector<16xf32>,
      %parallel_loop3A_316 = arith.addf %parallel_loop3A_308, %parallel_loop3A_315 : vector<16xf32>
      %parallel_loop3A_317 = tpu.vector_load_idx %arg8[%parallel_loop3A_168] : memref<1800xf32, #tpu.memory_space<vmem>>[vector<16xi32>], vector<16xf32>,
      %parallel_loop3A_318 = arith.addf %parallel_loop3A_317, %parallel_loop3A_307 : vector<16xf32>
      %parallel_loop3A_319 = arith.addf %parallel_loop3A_318, %parallel_loop3A_316 : vector<16xf32>
      %parallel_loop3A_320 = arith.constant 0 : i32
      %parallel_loop3A_321 = arith.addi %parallel_loop3A_320, %parallel_loop3A_170 : i32
      %parallel_loop3A_322 = arith.index_cast %parallel_loop3A_321 : i32 to index
      %parallel_loop3A_323 = tpu.vector_load %arg9[%parallel_loop3A_322] {strides = array<i32>} : memref<23472xf32, #tpu.memory_space<vmem>>, vector<16xf32>,
      tpu.vector_store %arg9[%parallel_loop3A_322], %parallel_loop3A_319 {strides = array<i32>} : memref<23472xf32, #tpu.memory_space<vmem>>, vector<16xf32>,
      %parallel_loop3A_324 = arith.constant 20 : i32
      %parallel_loop3A_325 = vector.broadcast %parallel_loop3A_324 : i32 to vector<16xi32>
      %parallel_loop3A_326 = arith.addi %parallel_loop3A_159, %parallel_loop3A_325 : vector<16xi32>
      %parallel_loop3A_327 = arith.constant 18 : i32
      %parallel_loop3A_328 = vector.broadcast %parallel_loop3A_327 : i32 to vector<16xi32>
      %parallel_loop3A_329 = arith.addi %parallel_loop3A_326, %parallel_loop3A_328 : vector<16xi32>
      %parallel_loop3A_330 = tpu.vector_load_idx %arg7[%parallel_loop3A_329] : memref<30000xf32, #tpu.memory_space<vmem>>[vector<16xi32>], vector<16xf32>,
      %parallel_loop3A_331 = arith.constant 18 : i32
      %parallel_loop3A_332 = vector.broadcast %parallel_loop3A_331 : i32 to vector<16xi32>
      %parallel_loop3A_333 = arith.addi %parallel_loop3A_326, %parallel_loop3A_332 : vector<16xi32>
      %parallel_loop3A_334 = arith.constant 1 : i32
      %parallel_loop3A_335 = vector.broadcast %parallel_loop3A_334 : i32 to vector<16xi32>
      %parallel_loop3A_336 = arith.addi %parallel_loop3A_333, %parallel_loop3A_335 : vector<16xi32>
      %parallel_loop3A_337 = tpu.vector_load_idx %arg7[%parallel_loop3A_336] : memref<30000xf32, #tpu.memory_space<vmem>>[vector<16xi32>], vector<16xf32>,
      %parallel_loop3A_338 = arith.mulf %parallel_loop3A_330, %parallel_loop3A_134 : vector<16xf32>
      %parallel_loop3A_339 = arith.constant 16 : i32
      %parallel_loop3A_340 = vector.broadcast %parallel_loop3A_339 : i32 to vector<16xi32>
      %parallel_loop3A_341 = arith.addi %parallel_loop3A_326, %parallel_loop3A_340 : vector<16xi32>
      %parallel_loop3A_342 = tpu.vector_load_idx %arg7[%parallel_loop3A_341] : memref<30000xf32, #tpu.memory_space<vmem>>[vector<16xi32>], vector<16xf32>,
      %parallel_loop3A_343 = arith.addf %parallel_loop3A_338, %parallel_loop3A_342 : vector<16xf32>
      %parallel_loop3A_344 = arith.mulf %parallel_loop3A_337, %parallel_loop3A_138 : vector<16xf32>
      %parallel_loop3A_345 = arith.constant 16 : i32
      %parallel_loop3A_346 = vector.broadcast %parallel_loop3A_345 : i32 to vector<16xi32>
      %parallel_loop3A_347 = arith.addi %parallel_loop3A_326, %parallel_loop3A_346 : vector<16xi32>
      %parallel_loop3A_348 = arith.constant 1 : i32
      %parallel_loop3A_349 = vector.broadcast %parallel_loop3A_348 : i32 to vector<16xi32>
      %parallel_loop3A_350 = arith.addi %parallel_loop3A_347, %parallel_loop3A_349 : vector<16xi32>
      %parallel_loop3A_351 = tpu.vector_load_idx %arg7[%parallel_loop3A_350] : memref<30000xf32, #tpu.memory_space<vmem>>[vector<16xi32>], vector<16xf32>,
      %parallel_loop3A_352 = arith.addf %parallel_loop3A_344, %parallel_loop3A_351 : vector<16xf32>
      %parallel_loop3A_353 = arith.mulf %parallel_loop3A_343, %parallel_loop3A_134 : vector<16xf32>
      %parallel_loop3A_354 = arith.constant 14 : i32
      %parallel_loop3A_355 = vector.broadcast %parallel_loop3A_354 : i32 to vector<16xi32>
      %parallel_loop3A_356 = arith.addi %parallel_loop3A_326, %parallel_loop3A_355 : vector<16xi32>
      %parallel_loop3A_357 = tpu.vector_load_idx %arg7[%parallel_loop3A_356] : memref<30000xf32, #tpu.memory_space<vmem>>[vector<16xi32>], vector<16xf32>,
      %parallel_loop3A_358 = arith.addf %parallel_loop3A_353, %parallel_loop3A_357 : vector<16xf32>
      %parallel_loop3A_359 = arith.mulf %parallel_loop3A_352, %parallel_loop3A_138 : vector<16xf32>
      %parallel_loop3A_360 = arith.constant 14 : i32
      %parallel_loop3A_361 = vector.broadcast %parallel_loop3A_360 : i32 to vector<16xi32>
      %parallel_loop3A_362 = arith.addi %parallel_loop3A_326, %parallel_loop3A_361 : vector<16xi32>
      %parallel_loop3A_363 = arith.constant 1 : i32
      %parallel_loop3A_364 = vector.broadcast %parallel_loop3A_363 : i32 to vector<16xi32>
      %parallel_loop3A_365 = arith.addi %parallel_loop3A_362, %parallel_loop3A_364 : vector<16xi32>
      %parallel_loop3A_366 = tpu.vector_load_idx %arg7[%parallel_loop3A_365] : memref<30000xf32, #tpu.memory_space<vmem>>[vector<16xi32>], vector<16xf32>,
      %parallel_loop3A_367 = arith.addf %parallel_loop3A_359, %parallel_loop3A_366 : vector<16xf32>
      %parallel_loop3A_368 = arith.mulf %parallel_loop3A_358, %parallel_loop3A_134 : vector<16xf32>
      %parallel_loop3A_369 = arith.constant 12 : i32
      %parallel_loop3A_370 = vector.broadcast %parallel_loop3A_369 : i32 to vector<16xi32>
      %parallel_loop3A_371 = arith.addi %parallel_loop3A_326, %parallel_loop3A_370 : vector<16xi32>
      %parallel_loop3A_372 = tpu.vector_load_idx %arg7[%parallel_loop3A_371] : memref<30000xf32, #tpu.memory_space<vmem>>[vector<16xi32>], vector<16xf32>,
      %parallel_loop3A_373 = arith.addf %parallel_loop3A_368, %parallel_loop3A_372 : vector<16xf32>
      %parallel_loop3A_374 = arith.mulf %parallel_loop3A_367, %parallel_loop3A_138 : vector<16xf32>
      %parallel_loop3A_375 = arith.constant 12 : i32
      %parallel_loop3A_376 = vector.broadcast %parallel_loop3A_375 : i32 to vector<16xi32>
      %parallel_loop3A_377 = arith.addi %parallel_loop3A_326, %parallel_loop3A_376 : vector<16xi32>
      %parallel_loop3A_378 = arith.constant 1 : i32
      %parallel_loop3A_379 = vector.broadcast %parallel_loop3A_378 : i32 to vector<16xi32>
      %parallel_loop3A_380 = arith.addi %parallel_loop3A_377, %parallel_loop3A_379 : vector<16xi32>
      %parallel_loop3A_381 = tpu.vector_load_idx %arg7[%parallel_loop3A_380] : memref<30000xf32, #tpu.memory_space<vmem>>[vector<16xi32>], vector<16xf32>,
      %parallel_loop3A_382 = arith.addf %parallel_loop3A_374, %parallel_loop3A_381 : vector<16xf32>
      %parallel_loop3A_383 = arith.mulf %parallel_loop3A_373, %parallel_loop3A_134 : vector<16xf32>
      %parallel_loop3A_384 = arith.constant 10 : i32
      %parallel_loop3A_385 = vector.broadcast %parallel_loop3A_384 : i32 to vector<16xi32>
      %parallel_loop3A_386 = arith.addi %parallel_loop3A_326, %parallel_loop3A_385 : vector<16xi32>
      %parallel_loop3A_387 = tpu.vector_load_idx %arg7[%parallel_loop3A_386] : memref<30000xf32, #tpu.memory_space<vmem>>[vector<16xi32>], vector<16xf32>,
      %parallel_loop3A_388 = arith.addf %parallel_loop3A_383, %parallel_loop3A_387 : vector<16xf32>
      %parallel_loop3A_389 = arith.mulf %parallel_loop3A_382, %parallel_loop3A_138 : vector<16xf32>
      %parallel_loop3A_390 = arith.constant 10 : i32
      %parallel_loop3A_391 = vector.broadcast %parallel_loop3A_390 : i32 to vector<16xi32>
      %parallel_loop3A_392 = arith.addi %parallel_loop3A_326, %parallel_loop3A_391 : vector<16xi32>
      %parallel_loop3A_393 = arith.constant 1 : i32
      %parallel_loop3A_394 = vector.broadcast %parallel_loop3A_393 : i32 to vector<16xi32>
      %parallel_loop3A_395 = arith.addi %parallel_loop3A_392, %parallel_loop3A_394 : vector<16xi32>
      %parallel_loop3A_396 = tpu.vector_load_idx %arg7[%parallel_loop3A_395] : memref<30000xf32, #tpu.memory_space<vmem>>[vector<16xi32>], vector<16xf32>,
      %parallel_loop3A_397 = arith.addf %parallel_loop3A_389, %parallel_loop3A_396 : vector<16xf32>
      %parallel_loop3A_398 = arith.mulf %parallel_loop3A_388, %parallel_loop3A_134 : vector<16xf32>
      %parallel_loop3A_399 = arith.constant 8 : i32
      %parallel_loop3A_400 = vector.broadcast %parallel_loop3A_399 : i32 to vector<16xi32>
      %parallel_loop3A_401 = arith.addi %parallel_loop3A_326, %parallel_loop3A_400 : vector<16xi32>
      %parallel_loop3A_402 = tpu.vector_load_idx %arg7[%parallel_loop3A_401] : memref<30000xf32, #tpu.memory_space<vmem>>[vector<16xi32>], vector<16xf32>,
      %parallel_loop3A_403 = arith.addf %parallel_loop3A_398, %parallel_loop3A_402 : vector<16xf32>
      %parallel_loop3A_404 = arith.mulf %parallel_loop3A_397, %parallel_loop3A_138 : vector<16xf32>
      %parallel_loop3A_405 = arith.constant 8 : i32
      %parallel_loop3A_406 = vector.broadcast %parallel_loop3A_405 : i32 to vector<16xi32>
      %parallel_loop3A_407 = arith.addi %parallel_loop3A_326, %parallel_loop3A_406 : vector<16xi32>
      %parallel_loop3A_408 = arith.constant 1 : i32
      %parallel_loop3A_409 = vector.broadcast %parallel_loop3A_408 : i32 to vector<16xi32>
      %parallel_loop3A_410 = arith.addi %parallel_loop3A_407, %parallel_loop3A_409 : vector<16xi32>
      %parallel_loop3A_411 = tpu.vector_load_idx %arg7[%parallel_loop3A_410] : memref<30000xf32, #tpu.memory_space<vmem>>[vector<16xi32>], vector<16xf32>,
      %parallel_loop3A_412 = arith.addf %parallel_loop3A_404, %parallel_loop3A_411 : vector<16xf32>
      %parallel_loop3A_413 = arith.mulf %parallel_loop3A_403, %parallel_loop3A_134 : vector<16xf32>
      %parallel_loop3A_414 = arith.constant 6 : i32
      %parallel_loop3A_415 = vector.broadcast %parallel_loop3A_414 : i32 to vector<16xi32>
      %parallel_loop3A_416 = arith.addi %parallel_loop3A_326, %parallel_loop3A_415 : vector<16xi32>
      %parallel_loop3A_417 = tpu.vector_load_idx %arg7[%parallel_loop3A_416] : memref<30000xf32, #tpu.memory_space<vmem>>[vector<16xi32>], vector<16xf32>,
      %parallel_loop3A_418 = arith.addf %parallel_loop3A_413, %parallel_loop3A_417 : vector<16xf32>
      %parallel_loop3A_419 = arith.mulf %parallel_loop3A_412, %parallel_loop3A_138 : vector<16xf32>
      %parallel_loop3A_420 = arith.constant 6 : i32
      %parallel_loop3A_421 = vector.broadcast %parallel_loop3A_420 : i32 to vector<16xi32>
      %parallel_loop3A_422 = arith.addi %parallel_loop3A_326, %parallel_loop3A_421 : vector<16xi32>
      %parallel_loop3A_423 = arith.constant 1 : i32
      %parallel_loop3A_424 = vector.broadcast %parallel_loop3A_423 : i32 to vector<16xi32>
      %parallel_loop3A_425 = arith.addi %parallel_loop3A_422, %parallel_loop3A_424 : vector<16xi32>
      %parallel_loop3A_426 = tpu.vector_load_idx %arg7[%parallel_loop3A_425] : memref<30000xf32, #tpu.memory_space<vmem>>[vector<16xi32>], vector<16xf32>,
      %parallel_loop3A_427 = arith.addf %parallel_loop3A_419, %parallel_loop3A_426 : vector<16xf32>
      %parallel_loop3A_428 = arith.mulf %parallel_loop3A_418, %parallel_loop3A_134 : vector<16xf32>
      %parallel_loop3A_429 = arith.constant 4 : i32
      %parallel_loop3A_430 = vector.broadcast %parallel_loop3A_429 : i32 to vector<16xi32>
      %parallel_loop3A_431 = arith.addi %parallel_loop3A_326, %parallel_loop3A_430 : vector<16xi32>
      %parallel_loop3A_432 = tpu.vector_load_idx %arg7[%parallel_loop3A_431] : memref<30000xf32, #tpu.memory_space<vmem>>[vector<16xi32>], vector<16xf32>,
      %parallel_loop3A_433 = arith.addf %parallel_loop3A_428, %parallel_loop3A_432 : vector<16xf32>
      %parallel_loop3A_434 = arith.mulf %parallel_loop3A_427, %parallel_loop3A_138 : vector<16xf32>
      %parallel_loop3A_435 = arith.constant 4 : i32
      %parallel_loop3A_436 = vector.broadcast %parallel_loop3A_435 : i32 to vector<16xi32>
      %parallel_loop3A_437 = arith.addi %parallel_loop3A_326, %parallel_loop3A_436 : vector<16xi32>
      %parallel_loop3A_438 = arith.constant 1 : i32
      %parallel_loop3A_439 = vector.broadcast %parallel_loop3A_438 : i32 to vector<16xi32>
      %parallel_loop3A_440 = arith.addi %parallel_loop3A_437, %parallel_loop3A_439 : vector<16xi32>
      %parallel_loop3A_441 = tpu.vector_load_idx %arg7[%parallel_loop3A_440] : memref<30000xf32, #tpu.memory_space<vmem>>[vector<16xi32>], vector<16xf32>,
      %parallel_loop3A_442 = arith.addf %parallel_loop3A_434, %parallel_loop3A_441 : vector<16xf32>
      %parallel_loop3A_443 = arith.mulf %parallel_loop3A_433, %parallel_loop3A_134 : vector<16xf32>
      %parallel_loop3A_444 = arith.constant 2 : i32
      %parallel_loop3A_445 = vector.broadcast %parallel_loop3A_444 : i32 to vector<16xi32>
      %parallel_loop3A_446 = arith.addi %parallel_loop3A_326, %parallel_loop3A_445 : vector<16xi32>
      %parallel_loop3A_447 = tpu.vector_load_idx %arg7[%parallel_loop3A_446] : memref<30000xf32, #tpu.memory_space<vmem>>[vector<16xi32>], vector<16xf32>,
      %parallel_loop3A_448 = arith.addf %parallel_loop3A_443, %parallel_loop3A_447 : vector<16xf32>
      %parallel_loop3A_449 = arith.mulf %parallel_loop3A_442, %parallel_loop3A_138 : vector<16xf32>
      %parallel_loop3A_450 = arith.constant 2 : i32
      %parallel_loop3A_451 = vector.broadcast %parallel_loop3A_450 : i32 to vector<16xi32>
      %parallel_loop3A_452 = arith.addi %parallel_loop3A_326, %parallel_loop3A_451 : vector<16xi32>
      %parallel_loop3A_453 = arith.constant 1 : i32
      %parallel_loop3A_454 = vector.broadcast %parallel_loop3A_453 : i32 to vector<16xi32>
      %parallel_loop3A_455 = arith.addi %parallel_loop3A_452, %parallel_loop3A_454 : vector<16xi32>
      %parallel_loop3A_456 = tpu.vector_load_idx %arg7[%parallel_loop3A_455] : memref<30000xf32, #tpu.memory_space<vmem>>[vector<16xi32>], vector<16xf32>,
      %parallel_loop3A_457 = arith.addf %parallel_loop3A_449, %parallel_loop3A_456 : vector<16xf32>
      %parallel_loop3A_458 = arith.mulf %parallel_loop3A_448, %parallel_loop3A_134 : vector<16xf32>
      %parallel_loop3A_459 = arith.constant 0 : i32
      %parallel_loop3A_460 = vector.broadcast %parallel_loop3A_459 : i32 to vector<16xi32>
      %parallel_loop3A_461 = arith.addi %parallel_loop3A_326, %parallel_loop3A_460 : vector<16xi32>
      %parallel_loop3A_462 = tpu.vector_load_idx %arg7[%parallel_loop3A_461] : memref<30000xf32, #tpu.memory_space<vmem>>[vector<16xi32>], vector<16xf32>,
      %parallel_loop3A_463 = arith.addf %parallel_loop3A_458, %parallel_loop3A_462 : vector<16xf32>
      %parallel_loop3A_464 = arith.mulf %parallel_loop3A_457, %parallel_loop3A_138 : vector<16xf32>
      %parallel_loop3A_465 = arith.constant 0 : i32
      %parallel_loop3A_466 = vector.broadcast %parallel_loop3A_465 : i32 to vector<16xi32>
      %parallel_loop3A_467 = arith.addi %parallel_loop3A_326, %parallel_loop3A_466 : vector<16xi32>
      %parallel_loop3A_468 = arith.constant 1 : i32
      %parallel_loop3A_469 = vector.broadcast %parallel_loop3A_468 : i32 to vector<16xi32>
      %parallel_loop3A_470 = arith.addi %parallel_loop3A_467, %parallel_loop3A_469 : vector<16xi32>
      %parallel_loop3A_471 = tpu.vector_load_idx %arg7[%parallel_loop3A_470] : memref<30000xf32, #tpu.memory_space<vmem>>[vector<16xi32>], vector<16xf32>,
      %parallel_loop3A_472 = arith.addf %parallel_loop3A_464, %parallel_loop3A_471 : vector<16xf32>
      %parallel_loop3A_473 = arith.constant 1 : i32
      %parallel_loop3A_474 = vector.broadcast %parallel_loop3A_473 : i32 to vector<16xi32>
      %parallel_loop3A_475 = arith.addi %parallel_loop3A_168, %parallel_loop3A_474 : vector<16xi32>
      %parallel_loop3A_476 = tpu.vector_load_idx %arg8[%parallel_loop3A_475] : memref<1800xf32, #tpu.memory_space<vmem>>[vector<16xi32>], vector<16xf32>,
      %parallel_loop3A_477 = arith.addf %parallel_loop3A_476, %parallel_loop3A_463 : vector<16xf32>
      %parallel_loop3A_478 = arith.addf %parallel_loop3A_477, %parallel_loop3A_472 : vector<16xf32>
      %parallel_loop3A_479 = arith.constant 7824 : i32
      %parallel_loop3A_480 = arith.addi %parallel_loop3A_479, %parallel_loop3A_170 : i32
      %parallel_loop3A_481 = arith.index_cast %parallel_loop3A_480 : i32 to index
      %parallel_loop3A_482 = tpu.vector_load %arg9[%parallel_loop3A_481] {strides = array<i32>} : memref<23472xf32, #tpu.memory_space<vmem>>, vector<16xf32>,
      tpu.vector_store %arg9[%parallel_loop3A_481], %parallel_loop3A_478 {strides = array<i32>} : memref<23472xf32, #tpu.memory_space<vmem>>, vector<16xf32>,
      %parallel_loop3A_483 = arith.constant 40 : i32
      %parallel_loop3A_484 = vector.broadcast %parallel_loop3A_483 : i32 to vector<16xi32>
      %parallel_loop3A_485 = arith.addi %parallel_loop3A_159, %parallel_loop3A_484 : vector<16xi32>
      %parallel_loop3A_486 = arith.constant 18 : i32
      %parallel_loop3A_487 = vector.broadcast %parallel_loop3A_486 : i32 to vector<16xi32>
      %parallel_loop3A_488 = arith.addi %parallel_loop3A_485, %parallel_loop3A_487 : vector<16xi32>
      %parallel_loop3A_489 = tpu.vector_load_idx %arg7[%parallel_loop3A_488] : memref<30000xf32, #tpu.memory_space<vmem>>[vector<16xi32>], vector<16xf32>,
      %parallel_loop3A_490 = arith.constant 18 : i32
      %parallel_loop3A_491 = vector.broadcast %parallel_loop3A_490 : i32 to vector<16xi32>
      %parallel_loop3A_492 = arith.addi %parallel_loop3A_485, %parallel_loop3A_491 : vector<16xi32>
      %parallel_loop3A_493 = arith.constant 1 : i32
      %parallel_loop3A_494 = vector.broadcast %parallel_loop3A_493 : i32 to vector<16xi32>
      %parallel_loop3A_495 = arith.addi %parallel_loop3A_492, %parallel_loop3A_494 : vector<16xi32>
      %parallel_loop3A_496 = tpu.vector_load_idx %arg7[%parallel_loop3A_495] : memref<30000xf32, #tpu.memory_space<vmem>>[vector<16xi32>], vector<16xf32>,
      %parallel_loop3A_497 = arith.mulf %parallel_loop3A_489, %parallel_loop3A_134 : vector<16xf32>
      %parallel_loop3A_498 = arith.constant 16 : i32
      %parallel_loop3A_499 = vector.broadcast %parallel_loop3A_498 : i32 to vector<16xi32>
      %parallel_loop3A_500 = arith.addi %parallel_loop3A_485, %parallel_loop3A_499 : vector<16xi32>
      %parallel_loop3A_501 = tpu.vector_load_idx %arg7[%parallel_loop3A_500] : memref<30000xf32, #tpu.memory_space<vmem>>[vector<16xi32>], vector<16xf32>,
      %parallel_loop3A_502 = arith.addf %parallel_loop3A_497, %parallel_loop3A_501 : vector<16xf32>
      %parallel_loop3A_503 = arith.mulf %parallel_loop3A_496, %parallel_loop3A_138 : vector<16xf32>
      %parallel_loop3A_504 = arith.constant 16 : i32
      %parallel_loop3A_505 = vector.broadcast %parallel_loop3A_504 : i32 to vector<16xi32>
      %parallel_loop3A_506 = arith.addi %parallel_loop3A_485, %parallel_loop3A_505 : vector<16xi32>
      %parallel_loop3A_507 = arith.constant 1 : i32
      %parallel_loop3A_508 = vector.broadcast %parallel_loop3A_507 : i32 to vector<16xi32>
      %parallel_loop3A_509 = arith.addi %parallel_loop3A_506, %parallel_loop3A_508 : vector<16xi32>
      %parallel_loop3A_510 = tpu.vector_load_idx %arg7[%parallel_loop3A_509] : memref<30000xf32, #tpu.memory_space<vmem>>[vector<16xi32>], vector<16xf32>,
      %parallel_loop3A_511 = arith.addf %parallel_loop3A_503, %parallel_loop3A_510 : vector<16xf32>
      %parallel_loop3A_512 = arith.mulf %parallel_loop3A_502, %parallel_loop3A_134 : vector<16xf32>
      %parallel_loop3A_513 = arith.constant 14 : i32
      %parallel_loop3A_514 = vector.broadcast %parallel_loop3A_513 : i32 to vector<16xi32>
      %parallel_loop3A_515 = arith.addi %parallel_loop3A_485, %parallel_loop3A_514 : vector<16xi32>
      %parallel_loop3A_516 = tpu.vector_load_idx %arg7[%parallel_loop3A_515] : memref<30000xf32, #tpu.memory_space<vmem>>[vector<16xi32>], vector<16xf32>,
      %parallel_loop3A_517 = arith.addf %parallel_loop3A_512, %parallel_loop3A_516 : vector<16xf32>
      %parallel_loop3A_518 = arith.mulf %parallel_loop3A_511, %parallel_loop3A_138 : vector<16xf32>
      %parallel_loop3A_519 = arith.constant 14 : i32
      %parallel_loop3A_520 = vector.broadcast %parallel_loop3A_519 : i32 to vector<16xi32>
      %parallel_loop3A_521 = arith.addi %parallel_loop3A_485, %parallel_loop3A_520 : vector<16xi32>
      %parallel_loop3A_522 = arith.constant 1 : i32
      %parallel_loop3A_523 = vector.broadcast %parallel_loop3A_522 : i32 to vector<16xi32>
      %parallel_loop3A_524 = arith.addi %parallel_loop3A_521, %parallel_loop3A_523 : vector<16xi32>
      %parallel_loop3A_525 = tpu.vector_load_idx %arg7[%parallel_loop3A_524] : memref<30000xf32, #tpu.memory_space<vmem>>[vector<16xi32>], vector<16xf32>,
      %parallel_loop3A_526 = arith.addf %parallel_loop3A_518, %parallel_loop3A_525 : vector<16xf32>
      %parallel_loop3A_527 = arith.mulf %parallel_loop3A_517, %parallel_loop3A_134 : vector<16xf32>
      %parallel_loop3A_528 = arith.constant 12 : i32
      %parallel_loop3A_529 = vector.broadcast %parallel_loop3A_528 : i32 to vector<16xi32>
      %parallel_loop3A_530 = arith.addi %parallel_loop3A_485, %parallel_loop3A_529 : vector<16xi32>
      %parallel_loop3A_531 = tpu.vector_load_idx %arg7[%parallel_loop3A_530] : memref<30000xf32, #tpu.memory_space<vmem>>[vector<16xi32>], vector<16xf32>,
      %parallel_loop3A_532 = arith.addf %parallel_loop3A_527, %parallel_loop3A_531 : vector<16xf32>
      %parallel_loop3A_533 = arith.mulf %parallel_loop3A_526, %parallel_loop3A_138 : vector<16xf32>
      %parallel_loop3A_534 = arith.constant 12 : i32
      %parallel_loop3A_535 = vector.broadcast %parallel_loop3A_534 : i32 to vector<16xi32>
      %parallel_loop3A_536 = arith.addi %parallel_loop3A_485, %parallel_loop3A_535 : vector<16xi32>
      %parallel_loop3A_537 = arith.constant 1 : i32
      %parallel_loop3A_538 = vector.broadcast %parallel_loop3A_537 : i32 to vector<16xi32>
      %parallel_loop3A_539 = arith.addi %parallel_loop3A_536, %parallel_loop3A_538 : vector<16xi32>
      %parallel_loop3A_540 = tpu.vector_load_idx %arg7[%parallel_loop3A_539] : memref<30000xf32, #tpu.memory_space<vmem>>[vector<16xi32>], vector<16xf32>,
      %parallel_loop3A_541 = arith.addf %parallel_loop3A_533, %parallel_loop3A_540 : vector<16xf32>
      %parallel_loop3A_542 = arith.mulf %parallel_loop3A_532, %parallel_loop3A_134 : vector<16xf32>
      %parallel_loop3A_543 = arith.constant 10 : i32
      %parallel_loop3A_544 = vector.broadcast %parallel_loop3A_543 : i32 to vector<16xi32>
      %parallel_loop3A_545 = arith.addi %parallel_loop3A_485, %parallel_loop3A_544 : vector<16xi32>
      %parallel_loop3A_546 = tpu.vector_load_idx %arg7[%parallel_loop3A_545] : memref<30000xf32, #tpu.memory_space<vmem>>[vector<16xi32>], vector<16xf32>,
      %parallel_loop3A_547 = arith.addf %parallel_loop3A_542, %parallel_loop3A_546 : vector<16xf32>
      %parallel_loop3A_548 = arith.mulf %parallel_loop3A_541, %parallel_loop3A_138 : vector<16xf32>
      %parallel_loop3A_549 = arith.constant 10 : i32
      %parallel_loop3A_550 = vector.broadcast %parallel_loop3A_549 : i32 to vector<16xi32>
      %parallel_loop3A_551 = arith.addi %parallel_loop3A_485, %parallel_loop3A_550 : vector<16xi32>
      %parallel_loop3A_552 = arith.constant 1 : i32
      %parallel_loop3A_553 = vector.broadcast %parallel_loop3A_552 : i32 to vector<16xi32>
      %parallel_loop3A_554 = arith.addi %parallel_loop3A_551, %parallel_loop3A_553 : vector<16xi32>
      %parallel_loop3A_555 = tpu.vector_load_idx %arg7[%parallel_loop3A_554] : memref<30000xf32, #tpu.memory_space<vmem>>[vector<16xi32>], vector<16xf32>,
      %parallel_loop3A_556 = arith.addf %parallel_loop3A_548, %parallel_loop3A_555 : vector<16xf32>
      %parallel_loop3A_557 = arith.mulf %parallel_loop3A_547, %parallel_loop3A_134 : vector<16xf32>
      %parallel_loop3A_558 = arith.constant 8 : i32
      %parallel_loop3A_559 = vector.broadcast %parallel_loop3A_558 : i32 to vector<16xi32>
      %parallel_loop3A_560 = arith.addi %parallel_loop3A_485, %parallel_loop3A_559 : vector<16xi32>
      %parallel_loop3A_561 = tpu.vector_load_idx %arg7[%parallel_loop3A_560] : memref<30000xf32, #tpu.memory_space<vmem>>[vector<16xi32>], vector<16xf32>,
      %parallel_loop3A_562 = arith.addf %parallel_loop3A_557, %parallel_loop3A_561 : vector<16xf32>
      %parallel_loop3A_563 = arith.mulf %parallel_loop3A_556, %parallel_loop3A_138 : vector<16xf32>
      %parallel_loop3A_564 = arith.constant 8 : i32
      %parallel_loop3A_565 = vector.broadcast %parallel_loop3A_564 : i32 to vector<16xi32>
      %parallel_loop3A_566 = arith.addi %parallel_loop3A_485, %parallel_loop3A_565 : vector<16xi32>
      %parallel_loop3A_567 = arith.constant 1 : i32
      %parallel_loop3A_568 = vector.broadcast %parallel_loop3A_567 : i32 to vector<16xi32>
      %parallel_loop3A_569 = arith.addi %parallel_loop3A_566, %parallel_loop3A_568 : vector<16xi32>
      %parallel_loop3A_570 = tpu.vector_load_idx %arg7[%parallel_loop3A_569] : memref<30000xf32, #tpu.memory_space<vmem>>[vector<16xi32>], vector<16xf32>,
      %parallel_loop3A_571 = arith.addf %parallel_loop3A_563, %parallel_loop3A_570 : vector<16xf32>
      %parallel_loop3A_572 = arith.mulf %parallel_loop3A_562, %parallel_loop3A_134 : vector<16xf32>
      %parallel_loop3A_573 = arith.constant 6 : i32
      %parallel_loop3A_574 = vector.broadcast %parallel_loop3A_573 : i32 to vector<16xi32>
      %parallel_loop3A_575 = arith.addi %parallel_loop3A_485, %parallel_loop3A_574 : vector<16xi32>
      %parallel_loop3A_576 = tpu.vector_load_idx %arg7[%parallel_loop3A_575] : memref<30000xf32, #tpu.memory_space<vmem>>[vector<16xi32>], vector<16xf32>,
      %parallel_loop3A_577 = arith.addf %parallel_loop3A_572, %parallel_loop3A_576 : vector<16xf32>
      %parallel_loop3A_578 = arith.mulf %parallel_loop3A_571, %parallel_loop3A_138 : vector<16xf32>
      %parallel_loop3A_579 = arith.constant 6 : i32
      %parallel_loop3A_580 = vector.broadcast %parallel_loop3A_579 : i32 to vector<16xi32>
      %parallel_loop3A_581 = arith.addi %parallel_loop3A_485, %parallel_loop3A_580 : vector<16xi32>
      %parallel_loop3A_582 = arith.constant 1 : i32
      %parallel_loop3A_583 = vector.broadcast %parallel_loop3A_582 : i32 to vector<16xi32>
      %parallel_loop3A_584 = arith.addi %parallel_loop3A_581, %parallel_loop3A_583 : vector<16xi32>
      %parallel_loop3A_585 = tpu.vector_load_idx %arg7[%parallel_loop3A_584] : memref<30000xf32, #tpu.memory_space<vmem>>[vector<16xi32>], vector<16xf32>,
      %parallel_loop3A_586 = arith.addf %parallel_loop3A_578, %parallel_loop3A_585 : vector<16xf32>
      %parallel_loop3A_587 = arith.mulf %parallel_loop3A_577, %parallel_loop3A_134 : vector<16xf32>
      %parallel_loop3A_588 = arith.constant 4 : i32
      %parallel_loop3A_589 = vector.broadcast %parallel_loop3A_588 : i32 to vector<16xi32>
      %parallel_loop3A_590 = arith.addi %parallel_loop3A_485, %parallel_loop3A_589 : vector<16xi32>
      %parallel_loop3A_591 = tpu.vector_load_idx %arg7[%parallel_loop3A_590] : memref<30000xf32, #tpu.memory_space<vmem>>[vector<16xi32>], vector<16xf32>,
      %parallel_loop3A_592 = arith.addf %parallel_loop3A_587, %parallel_loop3A_591 : vector<16xf32>
      %parallel_loop3A_593 = arith.mulf %parallel_loop3A_586, %parallel_loop3A_138 : vector<16xf32>
      %parallel_loop3A_594 = arith.constant 4 : i32
      %parallel_loop3A_595 = vector.broadcast %parallel_loop3A_594 : i32 to vector<16xi32>
      %parallel_loop3A_596 = arith.addi %parallel_loop3A_485, %parallel_loop3A_595 : vector<16xi32>
      %parallel_loop3A_597 = arith.constant 1 : i32
      %parallel_loop3A_598 = vector.broadcast %parallel_loop3A_597 : i32 to vector<16xi32>
      %parallel_loop3A_599 = arith.addi %parallel_loop3A_596, %parallel_loop3A_598 : vector<16xi32>
      %parallel_loop3A_600 = tpu.vector_load_idx %arg7[%parallel_loop3A_599] : memref<30000xf32, #tpu.memory_space<vmem>>[vector<16xi32>], vector<16xf32>,
      %parallel_loop3A_601 = arith.addf %parallel_loop3A_593, %parallel_loop3A_600 : vector<16xf32>
      %parallel_loop3A_602 = arith.mulf %parallel_loop3A_592, %parallel_loop3A_134 : vector<16xf32>
      %parallel_loop3A_603 = arith.constant 2 : i32
      %parallel_loop3A_604 = vector.broadcast %parallel_loop3A_603 : i32 to vector<16xi32>
      %parallel_loop3A_605 = arith.addi %parallel_loop3A_485, %parallel_loop3A_604 : vector<16xi32>
      %parallel_loop3A_606 = tpu.vector_load_idx %arg7[%parallel_loop3A_605] : memref<30000xf32, #tpu.memory_space<vmem>>[vector<16xi32>], vector<16xf32>,
      %parallel_loop3A_607 = arith.addf %parallel_loop3A_602, %parallel_loop3A_606 : vector<16xf32>
      %parallel_loop3A_608 = arith.mulf %parallel_loop3A_601, %parallel_loop3A_138 : vector<16xf32>
      %parallel_loop3A_609 = arith.constant 2 : i32
      %parallel_loop3A_610 = vector.broadcast %parallel_loop3A_609 : i32 to vector<16xi32>
      %parallel_loop3A_611 = arith.addi %parallel_loop3A_485, %parallel_loop3A_610 : vector<16xi32>
      %parallel_loop3A_612 = arith.constant 1 : i32
      %parallel_loop3A_613 = vector.broadcast %parallel_loop3A_612 : i32 to vector<16xi32>
      %parallel_loop3A_614 = arith.addi %parallel_loop3A_611, %parallel_loop3A_613 : vector<16xi32>
      %parallel_loop3A_615 = tpu.vector_load_idx %arg7[%parallel_loop3A_614] : memref<30000xf32, #tpu.memory_space<vmem>>[vector<16xi32>], vector<16xf32>,
      %parallel_loop3A_616 = arith.addf %parallel_loop3A_608, %parallel_loop3A_615 : vector<16xf32>
      %parallel_loop3A_617 = arith.mulf %parallel_loop3A_607, %parallel_loop3A_134 : vector<16xf32>
      %parallel_loop3A_618 = arith.constant 0 : i32
      %parallel_loop3A_619 = vector.broadcast %parallel_loop3A_618 : i32 to vector<16xi32>
      %parallel_loop3A_620 = arith.addi %parallel_loop3A_485, %parallel_loop3A_619 : vector<16xi32>
      %parallel_loop3A_621 = tpu.vector_load_idx %arg7[%parallel_loop3A_620] : memref<30000xf32, #tpu.memory_space<vmem>>[vector<16xi32>], vector<16xf32>,
      %parallel_loop3A_622 = arith.addf %parallel_loop3A_617, %parallel_loop3A_621 : vector<16xf32>
      %parallel_loop3A_623 = arith.mulf %parallel_loop3A_616, %parallel_loop3A_138 : vector<16xf32>
      %parallel_loop3A_624 = arith.constant 0 : i32
      %parallel_loop3A_625 = vector.broadcast %parallel_loop3A_624 : i32 to vector<16xi32>
      %parallel_loop3A_626 = arith.addi %parallel_loop3A_485, %parallel_loop3A_625 : vector<16xi32>
      %parallel_loop3A_627 = arith.constant 1 : i32
      %parallel_loop3A_628 = vector.broadcast %parallel_loop3A_627 : i32 to vector<16xi32>
      %parallel_loop3A_629 = arith.addi %parallel_loop3A_626, %parallel_loop3A_628 : vector<16xi32>
      %parallel_loop3A_630 = tpu.vector_load_idx %arg7[%parallel_loop3A_629] : memref<30000xf32, #tpu.memory_space<vmem>>[vector<16xi32>], vector<16xf32>,
      %parallel_loop3A_631 = arith.addf %parallel_loop3A_623, %parallel_loop3A_630 : vector<16xf32>
      %parallel_loop3A_632 = arith.constant 2 : i32
      %parallel_loop3A_633 = vector.broadcast %parallel_loop3A_632 : i32 to vector<16xi32>
      %parallel_loop3A_634 = arith.addi %parallel_loop3A_168, %parallel_loop3A_633 : vector<16xi32>
      %parallel_loop3A_635 = tpu.vector_load_idx %arg8[%parallel_loop3A_634] : memref<1800xf32, #tpu.memory_space<vmem>>[vector<16xi32>], vector<16xf32>,
      %parallel_loop3A_636 = arith.addf %parallel_loop3A_635, %parallel_loop3A_622 : vector<16xf32>
      %parallel_loop3A_637 = arith.addf %parallel_loop3A_636, %parallel_loop3A_631 : vector<16xf32>
      %parallel_loop3A_638 = arith.constant 15648 : i32
      %parallel_loop3A_639 = arith.addi %parallel_loop3A_638, %parallel_loop3A_170 : i32
      %parallel_loop3A_640 = arith.index_cast %parallel_loop3A_639 : i32 to index
      %parallel_loop3A_641 = tpu.vector_load %arg9[%parallel_loop3A_640] {strides = array<i32>} : memref<23472xf32, #tpu.memory_space<vmem>>, vector<16xf32>,
      tpu.vector_store %arg9[%parallel_loop3A_640], %parallel_loop3A_637 {strides = array<i32>} : memref<23472xf32, #tpu.memory_space<vmem>>, vector<16xf32>,
      %parallel_loop3A_642 = arith.constant 16 : i32
      %parallel_loop3A_643 = vector.broadcast %parallel_loop3A_642 : i32 to vector<16xi32>
      %parallel_loop3A_644 = arith.addi %parallel_loop3A_131, %parallel_loop3A_643 : vector<16xi32>
      %parallel_loop3A_645 = arith.constant 500 : i32
      %parallel_loop3A_646 = vector.broadcast %parallel_loop3A_645 : i32 to vector<16xi32>
      %parallel_loop3A_647 = arith.cmpi sge, %parallel_loop3A_644, %parallel_loop3A_646 : vector<16xi32>
      %parallel_loop3A_648 = arith.constant 500 : i32
      %parallel_loop3A_649 = vector.broadcast %parallel_loop3A_648 : i32 to vector<16xi32>
      %parallel_loop3A_650 = arith.subi %parallel_loop3A_644, %parallel_loop3A_649 : vector<16xi32>
      %parallel_loop3A_651 = arith.select %parallel_loop3A_647, %parallel_loop3A_650, %parallel_loop3A_644 : vector<16xi1>, vector<16xi32>
      %parallel_loop3A_652 = arith.constant 1 : i32
      %parallel_loop3A_653 = vector.broadcast %parallel_loop3A_652 : i32 to vector<16xi32>
      %parallel_loop3A_654 = arith.addi %parallel_loop3A_132, %parallel_loop3A_653 : vector<16xi32>
      %parallel_loop3A_655 = arith.select %parallel_loop3A_647, %parallel_loop3A_654, %parallel_loop3A_132 : vector<16xi1>, vector<16xi32>
      %parallel_loop3A_656 = arith.constant 32 : i32
      %parallel_loop3A_657 = vector.broadcast %parallel_loop3A_656 : i32 to vector<16xi32>
      %parallel_loop3A_658 = arith.addi %parallel_loop3A_133, %parallel_loop3A_657 : vector<16xi32>
      scf.yield %parallel_loop3A_651, %parallel_loop3A_655, %parallel_loop3A_658 : vector<16xi32>, vector<16xi32>, vector<16xi32>
    } {sc.loop_unroll_factor = 16 : i64, sc.parallel_access}
    %add3A_124 = arith.constant 0 : i32
    %add3A_125 = arith.addi %add3A_124, %min3A_3 : i32
    "tpu.region"() ({
      %run_scoped3A = tpu.sem_alloc : memref<!tpu.dma_semaphore, #tpu.memory_space<semaphore_mem>>
      %dma_start3A_130 = arith.constant 0 : i32
      %dma_start3A_131 = tpu.memref_slice %arg9[%dma_start3A_130] : memref<23472xf32, #tpu.memory_space<vmem>> -> memref<7824xf32, #tpu.memory_space<vmem>>
      %dma_start3A_132 = tpu.memref_slice %arg5[%add3A_125] : memref<750000xf32, #tpu.memory_space<hbm>> -> memref<7824xf32, #tpu.memory_space<hbm>>
      %dma_start3A_133 = tpu.memref_slice %arg5[%add3A_125] : memref<750000xf32, #tpu.memory_space<hbm>> -> memref<7824xf32, #tpu.memory_space<hbm>>
      %dma_start3A_134 = arith.constant 0 : i32
      %dma_start3A_135 = tpu.memref_slice %arg9[%dma_start3A_134] : memref<23472xf32, #tpu.memory_space<vmem>> -> memref<7824xf32, #tpu.memory_space<vmem>>
      tpu.enqueue_dma source(%dma_start3A_135 : memref<7824xf32, #tpu.memory_space<vmem>>) target(%dma_start3A_133 : memref<7824xf32, #tpu.memory_space<hbm>>) target_semaphore(%run_scoped3A : memref<!tpu.dma_semaphore, #tpu.memory_space<semaphore_mem>>)
      %dma_wait3A_136 = arith.constant 0 : i32
      %dma_wait3A_137 = tpu.memref_slice %arg9[%dma_wait3A_136] : memref<23472xf32, #tpu.memory_space<vmem>> -> memref<7824xf32, #tpu.memory_space<vmem>>
      %dma_wait3A_138 = tpu.memref_slice %arg5[%add3A_125] : memref<750000xf32, #tpu.memory_space<hbm>> -> memref<7824xf32, #tpu.memory_space<hbm>>
      %dma_wait3A_139 = tpu.memref_slice %arg5[%add3A_125] : memref<750000xf32, #tpu.memory_space<hbm>> -> memref<7824xf32, #tpu.memory_space<hbm>>
      %dma_wait3A_140 = arith.constant 0 : i32
      %dma_wait3A_141 = tpu.memref_slice %arg9[%dma_wait3A_140] : memref<23472xf32, #tpu.memory_space<vmem>> -> memref<7824xf32, #tpu.memory_space<vmem>>
      tpu.wait_dma2 semaphore(%run_scoped3A : memref<!tpu.dma_semaphore, #tpu.memory_space<semaphore_mem>>) src(%dma_wait3A_141 : memref<7824xf32, #tpu.memory_space<vmem>>) dst(%dma_wait3A_139 : memref<7824xf32, #tpu.memory_space<hbm>>)
      tpu.yield
    }) : () -> ()
    %add3A_126 = arith.constant 250000 : i32
    %add3A_127 = arith.addi %add3A_126, %min3A_3 : i32
    "tpu.region"() ({
      %run_scoped3A = tpu.sem_alloc : memref<!tpu.dma_semaphore, #tpu.memory_space<semaphore_mem>>
      %dma_start3A_130 = arith.constant 7824 : i32
      %dma_start3A_131 = tpu.memref_slice %arg9[%dma_start3A_130] : memref<23472xf32, #tpu.memory_space<vmem>> -> memref<7824xf32, #tpu.memory_space<vmem>>
      %dma_start3A_132 = tpu.memref_slice %arg5[%add3A_127] : memref<750000xf32, #tpu.memory_space<hbm>> -> memref<7824xf32, #tpu.memory_space<hbm>>
      %dma_start3A_133 = tpu.memref_slice %arg5[%add3A_127] : memref<750000xf32, #tpu.memory_space<hbm>> -> memref<7824xf32, #tpu.memory_space<hbm>>
      %dma_start3A_134 = arith.constant 7824 : i32
      %dma_start3A_135 = tpu.memref_slice %arg9[%dma_start3A_134] : memref<23472xf32, #tpu.memory_space<vmem>> -> memref<7824xf32, #tpu.memory_space<vmem>>
      tpu.enqueue_dma source(%dma_start3A_135 : memref<7824xf32, #tpu.memory_space<vmem>>) target(%dma_start3A_133 : memref<7824xf32, #tpu.memory_space<hbm>>) target_semaphore(%run_scoped3A : memref<!tpu.dma_semaphore, #tpu.memory_space<semaphore_mem>>)
      %dma_wait3A_136 = arith.constant 7824 : i32
      %dma_wait3A_137 = tpu.memref_slice %arg9[%dma_wait3A_136] : memref<23472xf32, #tpu.memory_space<vmem>> -> memref<7824xf32, #tpu.memory_space<vmem>>
      %dma_wait3A_138 = tpu.memref_slice %arg5[%add3A_127] : memref<750000xf32, #tpu.memory_space<hbm>> -> memref<7824xf32, #tpu.memory_space<hbm>>
      %dma_wait3A_139 = tpu.memref_slice %arg5[%add3A_127] : memref<750000xf32, #tpu.memory_space<hbm>> -> memref<7824xf32, #tpu.memory_space<hbm>>
      %dma_wait3A_140 = arith.constant 7824 : i32
      %dma_wait3A_141 = tpu.memref_slice %arg9[%dma_wait3A_140] : memref<23472xf32, #tpu.memory_space<vmem>> -> memref<7824xf32, #tpu.memory_space<vmem>>
      tpu.wait_dma2 semaphore(%run_scoped3A : memref<!tpu.dma_semaphore, #tpu.memory_space<semaphore_mem>>) src(%dma_wait3A_141 : memref<7824xf32, #tpu.memory_space<vmem>>) dst(%dma_wait3A_139 : memref<7824xf32, #tpu.memory_space<hbm>>)
      tpu.yield
    }) : () -> ()
    %add3A_128 = arith.constant 500000 : i32
    %add3A_129 = arith.addi %add3A_128, %min3A_3 : i32
    "tpu.region"() ({
      %run_scoped3A = tpu.sem_alloc : memref<!tpu.dma_semaphore, #tpu.memory_space<semaphore_mem>>
      %dma_start3A_130 = arith.constant 15648 : i32
      %dma_start3A_131 = tpu.memref_slice %arg9[%dma_start3A_130] : memref<23472xf32, #tpu.memory_space<vmem>> -> memref<7824xf32, #tpu.memory_space<vmem>>
      %dma_start3A_132 = tpu.memref_slice %arg5[%add3A_129] : memref<750000xf32, #tpu.memory_space<hbm>> -> memref<7824xf32, #tpu.memory_space<hbm>>
      %dma_start3A_133 = tpu.memref_slice %arg5[%add3A_129] : memref<750000xf32, #tpu.memory_space<hbm>> -> memref<7824xf32, #tpu.memory_space<hbm>>
      %dma_start3A_134 = arith.constant 15648 : i32
      %dma_start3A_135 = tpu.memref_slice %arg9[%dma_start3A_134] : memref<23472xf32, #tpu.memory_space<vmem>> -> memref<7824xf32, #tpu.memory_space<vmem>>
      tpu.enqueue_dma source(%dma_start3A_135 : memref<7824xf32, #tpu.memory_space<vmem>>) target(%dma_start3A_133 : memref<7824xf32, #tpu.memory_space<hbm>>) target_semaphore(%run_scoped3A : memref<!tpu.dma_semaphore, #tpu.memory_space<semaphore_mem>>)
      %dma_wait3A_136 = arith.constant 15648 : i32
      %dma_wait3A_137 = tpu.memref_slice %arg9[%dma_wait3A_136] : memref<23472xf32, #tpu.memory_space<vmem>> -> memref<7824xf32, #tpu.memory_space<vmem>>
      %dma_wait3A_138 = tpu.memref_slice %arg5[%add3A_129] : memref<750000xf32, #tpu.memory_space<hbm>> -> memref<7824xf32, #tpu.memory_space<hbm>>
      %dma_wait3A_139 = tpu.memref_slice %arg5[%add3A_129] : memref<750000xf32, #tpu.memory_space<hbm>> -> memref<7824xf32, #tpu.memory_space<hbm>>
      %dma_wait3A_140 = arith.constant 15648 : i32
      %dma_wait3A_141 = tpu.memref_slice %arg9[%dma_wait3A_140] : memref<23472xf32, #tpu.memory_space<vmem>> -> memref<7824xf32, #tpu.memory_space<vmem>>
      tpu.wait_dma2 semaphore(%run_scoped3A : memref<!tpu.dma_semaphore, #tpu.memory_space<semaphore_mem>>) src(%dma_wait3A_141 : memref<7824xf32, #tpu.memory_space<vmem>>) dst(%dma_wait3A_139 : memref<7824xf32, #tpu.memory_space<hbm>>)
      tpu.yield
    }) : () -> ()
    return
  }
}

</mosaic_0001>

<sc_bundles>
// kernel: kernel.3.cloned.1.call-start
scs
__scs_entry_jumppad:
0x0: {  	(pc) =	sbr.rel $0x88, $3  }
0x1: {  	(tag) =	ssettag $0x0;
	lr =	simm.s32 $0x1  }
0x2: {  	[smem:$0x3F9E] =	sst lr;
	_ =	strace $0xD0000000  }
0x3: {  	_ = 	snop  }
0x4: {  	_ = 	snop  }
0x5: {  	_ = 	snop  }
0x6: {  	_ = 	snop  }
0x7: {  	_ = 	snop  }
__scs_overlays_trampoline_lowered:
0x8: {  	[smem:$0x3FAD] =	sst s0  }
0x9: {  	[smem:$0x3FAE] =	sst s1  }
0xa: {  	[smem:$0x3FAF] =	sst s2  }
0xb: {  	[smem:$0x3FB0] =	sst s3  }
0xc: {  	[smem:$0x3FB1] =	sst s4  }
0xd: {  	[smem:$0x3FB2] =	sst s5  }
0xe: {  	[smem:$0x3FB3] =	sst s6  }
0xf: {  	[smem:$0x3FB4] =	sst s7  }
0x10: {  	[smem:$0x3FB5] =	sst s8  }
0x11: {  	[smem:$0x3FB6] =	sst s9;
	s0 =	simm.s32 @!p0 $0x0  }
0x12: {  	s1 =	sld [smem:$0x3F9C];
	s0 =	simm.s32 @p0 $0x1  }
0x13: {  	[smem:$0x3FB7] =	sst s0;
	s0 =	simm.s32 @!p1 $0x0  }
0x14: {  	s2 =	sld [smem:$0x3F9B];
	s0 =	simm.s32 @p1 $0x1  }
0x15: {  	[smem:$0x3FB8] =	sst s0;
	s0 =	simm.s32 @!p2 $0x0  }
0x16: {  	s3 =	sld [smem:$0x3FDB];
	s0 =	simm.s32 @p2 $0x1  }
0x17: {  	s4 =	simm.s32 $0x1BF5;
	[smem:$0x3FBA] =	sst s0  }
0x18: {  	s0 =	sld [smem:$0x3F9D];
	_ =	swait.ge [sflag:s4], $0x0  }
0x19: {  	s7 =	sld [smem:$0x3F9E]  }
0x1a: {  	s8 =	sadd.s32 $0xFFFFE003, lr  }
0x1b: {  	s9 =	sadd.s32 $0xFFFFFEF7, lr;
	s5 =	simm.s32 $0xFFFFFFFF;
	p2 =	slt.u32 s8, $0xFFFFF086  }
0x1c: {  	p1 =	slt.u32 s9, $0xF7A;
	s5 =	simm.s32 @!p2 $0x0  }
0x1d: {  	s5 =	simm.s32 @p1 $0x1;
	p0 =	seq.s32 s7, s2  }
0x1e: {  	s7 =	smul.u32 @!p0 $0xF7A, s2;
	p2 =	seq.s32 @!p0 s5, $0x0  }
0x1f: {  	s9 =	smul.u32 $0xF7A, s1;
	s8 =	simm.s32 @!p0 $0x1BF5;
	p2 =	por !p2, p0  }
0x20: {  	[sflag:s8] =	ssyncset.s32 @!p0 $0xFFFFF086;
	s6 =	sadd.s32 @!p0 s3, s7;
	s7 =	simm.s32 @!p0 $0x108  }
0x21: {  	s3 =	sadd.s32 s3, s9;
	s6 =	sadd.s32 @!p0 $0x88, s6;
	s7 =	simm.s32 @p2 $0x1082  }
0x22: {  	[simem:s7], [sflag:s8] =	dma.local @!p0 [hbm:s6], $0xF7A  }
0x23: {  	s9 =	sor.u32 $0xD0000000, s2;
	s6 =	simm.s32 $0x108;
	_ =	swait.ge @!p0 [sflag:s8], $0x0  }
0x24: {  	s3 =	sadd.s32 $0x88, s3;
	s6 =	simm.s32 @!p1 $0x1082;
	[sflag:s4] =	ssyncset.s32 $0xFFFFF086  }
0x25: {  	[simem:s6], [sflag:s4] =	dma.local [hbm:s3], $0xF7A  }
0x26: {  	[smem:$0x3F9E] =	sst s1;
	(tag) =	ssettag s2;
	_ =	strace s9  }
0x27: {  	s1 =	sld [smem:$0x3FAE]  }
0x28: {  	s2 =	sld [smem:$0x3FAF]  }
0x29: {  	s4 =	sld [smem:$0x3FB1]  }
0x2a: {  	p0 =	seq.s32 s5, $0x0;
	s5 =	sld [smem:$0x3FB2]  }
0x2b: {  	s6 =	sld [smem:$0x3FB3]  }
0x2c: {  	s7 =	sld [smem:$0x3FB4]  }
0x2d: {  	s3 =	simm.s32 $0x108;
	s8 =	sld [smem:$0x3FB5]  }
0x2e: {  	s3 =	simm.s32 @!p0 $0x1082;
	s9 =	sld [smem:$0x3FB6]  }
0x2f: {  	lr =	sadd.s32 s0, s3;
	s0 =	sld [smem:$0x3FAD]  }
0x30: {  	s3 =	sld [smem:$0x3FB0]  }
0x31: {  	[smem:$0x3FB9] =	sst s10  }
0x32: {  	s10 =	sld [smem:$0x3FB7];
	_ =	sdelay $0x3  }
0x33: {  	p0 =	seq.s32 s10, $0x1;
	s10 =	sld [smem:$0x3FB9];
	_ =	sdelay $0x3  }
0x34: {  	[smem:$0x3FB9] =	sst s10  }
0x35: {  	s10 =	sld [smem:$0x3FB8];
	_ =	sdelay $0x3  }
0x36: {  	p1 =	seq.s32 s10, $0x1;
	s10 =	sld [smem:$0x3FB9];
	_ =	sdelay $0x3  }
0x37: {  	[smem:$0x3FB9] =	sst s10  }
0x38: {  	s10 =	sld [smem:$0x3FBA]  }
0x39: {  	_ = 	snop;
	(pc) =	sbr.ind lr, $3  }
0x3a: {  	_ = 	snop  }
0x3b: {  	_ = 	snop  }
0x3c: {  	p2 =	seq.s32 s10, $0x1;
	s10 =	sld [smem:$0x3FB9]  }
0x3d: {  	_ =	shalt  }
0x3e: {  	_ =	shalt  }
0x3f: {  	_ =	shalt  }
0x40: {  	_ =	shalt  }
0x41: {  	_ =	shalt  }
0x42: {  	_ =	shalt  }
0x43: {  	_ =	shalt  }
0x44: {  	_ =	shalt  }
0x45: {  	_ =	shalt  }
0x46: {  	_ =	shalt  }
0x47: {  	_ =	shalt  }
0x48: {  	_ =	shalt  }
0x49: {  	_ =	shalt  }
0x4a: {  	_ =	shalt  }
0x4b: {  	_ =	shalt  }
0x4c: {  	_ =	shalt  }
0x4d: {  	_ =	shalt  }
0x4e: {  	_ =	shalt  }
0x4f: {  	_ =	shalt  }
0x50: {  	_ =	shalt  }
0x51: {  	_ =	shalt  }
0x52: {  	_ =	shalt  }
0x53: {  	_ =	shalt  }
0x54: {  	_ =	shalt  }
0x55: {  	_ =	shalt  }
0x56: {  	_ =	shalt  }
0x57: {  	_ =	shalt  }
0x58: {  	_ =	shalt  }
0x59: {  	_ =	shalt  }
0x5a: {  	_ =	shalt  }
0x5b: {  	_ =	shalt  }
0x5c: {  	_ =	shalt  }
0x5d: {  	_ =	shalt  }
0x5e: {  	_ =	shalt  }
0x5f: {  	_ =	shalt  }
0x60: {  	_ =	shalt  }
0x61: {  	_ =	shalt  }
0x62: {  	_ =	shalt  }
0x63: {  	_ =	shalt  }
0x64: {  	_ =	shalt  }
0x65: {  	_ =	shalt  }
0x66: {  	_ =	shalt  }
0x67: {  	_ =	shalt  }
0x68: {  	_ =	shalt  }
0x69: {  	_ =	shalt  }
0x6a: {  	_ =	shalt  }
0x6b: {  	_ =	shalt  }
0x6c: {  	_ =	shalt  }
0x6d: {  	_ =	shalt  }
0x6e: {  	_ =	shalt  }
0x6f: {  	_ =	shalt  }
0x70: {  	_ =	shalt  }
0x71: {  	_ =	shalt  }
0x72: {  	_ =	shalt  }
0x73: {  	_ =	shalt  }
0x74: {  	_ =	shalt  }
0x75: {  	_ =	shalt  }
0x76: {  	_ =	shalt  }
0x77: {  	_ =	shalt  }
0x78: {  	_ =	shalt  }
0x79: {  	_ =	shalt  }
0x7a: {  	_ =	shalt  }
0x7b: {  	_ =	shalt  }
0x7c: {  	_ =	shalt  }
0x7d: {  	_ =	shalt  }
0x7e: {  	_ =	shalt  }
0x7f: {  	_ =	shalt  }
0x80: {  	_ =	shalt  }
0x81: {  	_ =	shalt  }
0x82: {  	_ =	shalt  }
0x83: {  	_ =	shalt  }
0x84: {  	_ =	shalt  }
0x85: {  	_ =	shalt  }
0x86: {  	_ =	shalt  }
0x87: {  	_ =	shalt  }
.Lfunc_end0:
.L_simem_size_0:
called_computation_lowered:
.L_overlay_start_0:
0x88: {  	s2 =	sld [smem:$0x3FD9]  }
0x89: {  	s3 =	sld [smem:$0x3FFE];
	_ =	sdelay $0x1  }
0x8a: {  	s1 =	srdreg.scid  }
0x8b: {  	s0 =	sand.u32 $0x1, s1  }
0x8c: {  	s17 =	sshll.u32 s0, $0xA;
	s2 =	sadd.s32 s3, s2  }
0x8d: {  	s2 =	sadd.s32 s2, s17  }
0x8e: {  	[smem:$0x3FC5] =	sst s2  }
0x8f: {  	_ = 	snop  }
0x90: {  	s2 =	sld [smem:$0x3FD0];
	(tm) =	ssettm $0x1  }
0x91: {  	s18 =	sld [smem:$0x3FFB];
	_ =	sdelay $0x3  }
0x92: {  	_ =	strace s18  }
0x93: {  	s3 =	sld [smem:$0x3FFC];
	_ =	sdelay $0x3  }
0x94: {  	_ =	strace s3  }
0x95: {  	s3 =	sld [smem:$0x3FFD];
	_ =	sdelay $0x3  }
0x96: {  	_ =	strace s3  }
0x97: {  	_ =	strace $0x8FFFFFFF  }
0x98: {  	s19 =	sld [smem:$0x3FDB];
	_ =	sdelay $0x1  }
0x99: {  	s4 =	simm.s32 $_scs_section_size  }
0x9a: {  	s5 =	simm.s32 $_size__tile_overlayer_lowered;
	s6 =	simm.s32 $_tile_overlayer_lowered  }
0x9b: {  	s22 =	simm.s32 $0x1BFF;
	s21 =	sshll.u32 s6, $0x1;
	s3 =	sadd.s32 s4, s19  }
0x9c: {  	s7 =	simm.s32 $0x0;
	s20 =	sshll.u32 s5, $0x1;
	s5 =	sadd.s32 s21, s3  }
0x9d: {  	[timem:s7], [sflag:s22] =	dma.local [hbm:s5], s20  }
0x9e: {  	_ =	swait.ge [sflag:s22], s20  }
0x9f: {  	s4 =	ssub.s32 $0x0, s20;
	[sflag:s22] =	ssyncset.done $0x0  }
0xa0: {  	[sflag:s22] =	ssyncadd.s32 s4;
	_ =	sdelay $0x1  }
0xa1: {  	s23 =	simm.s32 $0x1B8B  }
0xa2: {  	_ =	swait.ge [sflag:s23], $0x1  }
0xa3: {  	[sflag:s23] =	ssyncset.done $0x0  }
0xa4: {  	s25 =	simm.s32 $0x1B8E;
	s24 =	sld [smem:$0x3FFE];
	[sflag:s23] =	ssyncadd.s32 $0xFFFFFFFF  }
0xa5: {  	s26 =	simm.s32 $execute0_lowered;
	[smem:$0x3FD2] =	sst s25  }
0xa6: {  	s5 =	sshll.u32 s26, $0x1;
	_ =	strace $0x80000046;
	[dreg:$0x1] =	wrdreg $0xFFFFFFFF  }
0xa7: {  	s28 =	simm.s32 $_size_execute0_lowered;
	s3 =	sadd.s32 s3, s5;
	[dreg:$0x0] =	wrdreg $0x0  }
0xa8: {  	s5 =	sshll.u32 s28, $0x1;
	[dreg:$0x2] =	wrdreg s3  }
0xa9: {  	[dreg:$0x3] =	wrdreg s5  }
0xaa: {  	[dreg:$0x4] =	wrdreg $0xC0  }
0xab: {  	_ =	task [dreg:s7], $0x5FFFF  }
0xac: {  	[dreg:$0x1] =	wrdreg $0xFFFFFFFF  }
0xad: {  	[dreg:$0x0] =	wrdreg $0x60  }
0xae: {  	[dreg:$0x2] =	wrdreg s24  }
0xaf: {  	[dreg:$0x3] =	wrdreg s2  }
0xb0: {  	[dreg:$0x4] =	wrdreg $0x9  }
0xb1: {  	_ =	task.clear_ibuf [dreg:s7], $0x5FFFF;
	_ =	strace $0x90000046  }
0xb2: {  	s29 =	simm.s32 $0x9;
	_ =	strace $0x80000048  }
0xb3: {  	_ =	swait.ge [sflag:s29], $0x1  }
0xb4: {  	[sflag:s29] =	ssyncadd.s32 $0xFFFFFFFF  }
0xb5: {  	_ =	strace $0x90000048  }
0xb6: {  	_ =	sfence  }
0xb7: {  	s30 =	sld [smem:$0x0];
	_ =	sdelay $0x2  }
0xb8: {  	s31 =	sshll.u32 s1, $0xD;
	s1 =	sshrl.u32 s1, $0x2  }
0xb9: {  	s3 =	sand.u32 $0x4000, s31;
	s1 =	sadd.s32 s1, s30  }
0xba: {  	s0 =	sor.u32 s3, s0;
	s1 =	sshll.u32 s1, $0x11  }
0xbb: {  	s0 =	sor.u32 s1, s0  }
0xbc: {  	s0 =	sadd.s32 $0x8F2B, s0  }
0xbd: {  	[sflag:s0] =	ssyncadd.remote.s32 $0x1  }
0xbe: {  	_ =	sfence.sel $0xFFFF  }
0xbf: {  	[dreg:$0x0] =	wrdreg $0xFFFFFFFF;
	(pc) =	sbr.abs _section_cstart, $3  }
0xc0: {  	[dreg:$0x1] =	wrdreg $0xFFFFFFFF  }
0xc1: {  	_ =	task.clear_ibuf [dreg:s7], $0x2FFFF;
	_ =	strace $0x9FFFFFFF  }
0xc2: {  	(tm) =	ssettm $0x7FFFFFFF  }
0xc3: {  	_ =	shalt  }
tec
execute0_lowered:
.L_overlay_start_1:
0x0: {  	(tag) =	ssettag $0x1  }
0x1: {  	s1 =	srdreg.scid;
	s0 =	stileid.u32  }
0x2: {  	s4 =	sand.u32 $0x1, s1;
	s24 =	sshll.u32 s0, $0x1  }
0x3: {  	s1 =	sor.u32 s4, s24  }
0x4: {  	s2 =	smul.u32 $0x1E90, s1;
	_ =	sdelay $0x1  }
0x5: {  	s5 =	smin.u32 s2, $0x3B200  }
0x6: {  	s7 =	rddreg [dreg:$0x0];
	s2 =	smul.u32 $0x3AFB7E91, s5  }
0x7: {  	s8 =	rddreg [dreg:$0x1];
	s18 =	simm.s32 $0xF7A0  }
0x8: {  	s19 =	simm.s32 $0x0;
	s4 =	ssub.s32 $0x2, s4;
	s2 =	sshrl.u32 s2, $0x2  }
0x9: {  	p0 =	seq.s32 s1, $0x0;
	s30 =	sshrl.u32 s4, $0x1;
	p1 =	sgt.u32 s2, $0x1A36E2  }
0xa: {  	s16 =	ssub.s32 s4, s30;
	s25 =	smulhi.u32 $0x1A36E3, s5;
	p1 =	por !p0, !p1  }
0xb: {  	s9 =	smulhi.u32 $0x83126F, s5;
	s2 =	simm.s32 $0x1;
	p1 =	por !p1, !p1  }
0xc: {  	s29 =	sshrl.u32 s5, $0x2;
	s14 =	sshrl.u32 s5, $0x3;
	s2 =	simm.s32 @!p1 $0x0  }
0xd: {  	s13 =	sadd.s32 s29, s7;
	s12 =	smul.u32 $0x1F4, s9;
	s6 =	ssub.s32 s25, s2  }
0xe: {  	s14 =	sadd.s32 s14, s7;
	s4 =	sadd.s32 $0x3D1200, s13;
	p1 =	slt.s32 s6, $0x5F  }
0xf: {  	v5 =	vlaneseq.u32;
	s12 =	ssub.s32 s5, s12;
	p2 =	slt.s32 s6, $0x1;
	s6 =	simm.s32 @!p1 $0x5F  }
0x10: {  	v1 =	vadd.s32 $0xFFFFFE0C, v5;
	s13 =	simm.s32 $0x2;
	p6 =	sne.s32 s12, $0x0;
	s26 =	sand.u32 $0x80, s6  }
0x11: {  	v0 =	vadd.s32 s12, v5;
	v1 =	vadd.s32 s12, v1;
	s12 =	simm.s32 $0xB300;
	s28 =	sand.u32 $0x1, s6;
	s1 =	sshrl.u32 s26, $0x7  }
0x12: {  	p0 =	por !p0, !p6;
	p5 =	seq.s32 s28, $0x1;
	s1 =	sadd.s32 s1, s6  }
0x13: {  	s2 =	simm.s32 $0x1;
	p1 =	por !p2, !p5;
	s1 =	sshll.u32 s1, $0x18  }
0x14: {  	s15 =	smul.u32 $0x1770, s6;
	p1 =	por !p1, !p1;
	s1 =	sshra.s32 s1, $0x19  }
0x15: {  	p0 =	por !p0, !p0;
	s2 =	simm.s32 @!p1 $0x0;
	s1 =	sand.u32 $0xFF, s1  }
0x16: {  	s31 =	sshrl.u32 s15, $0x3;
	v3 =	vmov s15;
	s15 =	simm.s32 $0xBA80;
	s3 =	ssub.s32 s1, s2  }
0x17: {  	s1 =	rddreg [dreg:$0x2];
	s2 =	simm.s32 $0x0;
	s11 =	smul.u32 $0x258, s3  }
0x18: {  	s5 =	sadd.s32 s8, s31;
	s8 =	sadd.s32 $0x9212, s14;
	[smem:$0x7FF] =	sst s2  }
0x19: {  	s3 =	simm.s32 $0x1;
	_ =	strace $0x80000047;
	s10 =	sshrl.u32 s11, $0x3  }
0x1a: {  	vm0 =	vgt.u32 v0, $0x1F3;
	v4 =	vmov s11;
	s11 =	simm.s32 $0x3D80;
	s10 =	sadd.s32 s10, s7;
	s7 =	simm.s32 $0x1  }
0x1b: {  	v5 =	vmul.u32 $0x2, v5;
	v0 =	vsel vm0, v1, v0;
	v1 =	vimm.s32 $0x0;
	s7 =	simm.s32 @!p0 $0x0;
	s6 =	sadd.s32 $0x800, s10;
	s10 =	smax.u32 s16, $0x1  }
0x1c: {  	v2 =	vsel vm0, $0x1, v1;
	v3 =	vsub.s32 $0x0, v3;
	v4 =	vsub.s32 $0x0, v4;
	s16 =	simm.s32 $0x4;
	s17 =	ssub.s32 s9, s7;
	s7 =	sadd.s32 $0x1800, s14  }
0x1d: {  	v3 =	vbroadcast v3, $0x0;
	v4 =	vbroadcast v4, $0x0;
	s9 =	sadd.s32 $0x10C24, s14;
	s14 =	simm.s32 $0x3;
	v2 =	vadd.s32 s17, v2;
	s17 =	simm.s32 $0xD910  }
.LBB2_1:
0x1e: {  	[tilespmem:s2], [sflag:$0x1] =	stream.linear.gather [hbm4b:s4+s2], $0x3D20, $0x38;
	[tilespmem:$0x11680] =	vst v63  }
0x1f: {  	_ = 	snop  }
0x20: {  	[tilespmem:s11], [sflag:$0x2] =	stream.linear.gather [hbm4b:s5+s2], $0x7530, $0x38;
	[tilespmem:$0x11680] =	vst v63  }
0x21: {  	_ = 	snop  }
0x22: {  	[tilespmem:s12], [sflag:$0x3] =	stream.linear.gather [hbm4b:s6+s2], $0x708, $0x38;
	[tilespmem:$0x11680] =	vst v63  }
0x23: {  	_ =	swait.ge [sflag:s3], $0x3D20  }
0x24: {  	[sflag:s3] =	ssyncset.done $0x0  }
0x25: {  	[sflag:s3] =	ssyncadd.s32 $0xFFFFC2E0  }
0x26: {  	_ =	swait.ge [sflag:s13], $0x7530  }
0x27: {  	[sflag:s13] =	ssyncset.done $0x0  }
0x28: {  	[sflag:s13] =	ssyncadd.s32 $0xFFFF8AD0  }
0x29: {  	_ =	swait.ge [sflag:s14], $0x708  }
0x2a: {  	[sflag:s14] =	ssyncset.done $0x0  }
0x2b: {  	s21 =	simm.s32 $0xFFFFFFF0;
	s22 =	simm.s32 $0xD990;
	v6 =	vmov v5;
	v7 =	vmov v2;
	v8 =	vmov v0;
	[sflag:s14] =	ssyncadd.s32 $0xFFFFF8F8  }
.LBB2_2:
0x2c: {  	v9 =	vmul.u32 $0x199A, v8  }
0x2d: {  	v10 =	vmul.u32 $0x199A, v7  }
0x2e: {  	v12 =	vshra.s32 v9, $0xF  }
0x2f: {  	v13 =	vshra.s32 v10, $0xF;
	v9 =	vmul.u32 $0x3C, v12  }
0x30: {  	v10 =	vmul.u32 $0x1770, v13  }
0x31: {  	v9 =	vadd.s32 v3, v9  }
0x32: {  	v14 =	vor.u32 $0x1, v6;
	v11 =	vadd.s32 v10, v9  }
0x33: {  	v15 =	vadd.s32 $0x12, v11  }
0x34: {  	v16 =	vadd.s32 $0x13, v11  }
0x35: {  	s20 =	simm.s32 $0x0;
	v17 =	vadd.s32 $0x10, v11  }
0x36: {  	v10 =	vld.idx.msk [tilespmem:v6+s20+$0x0], $0xffff  }
0x37: {  	v9 =	vld.idx.msk [tilespmem:v14+s20+$0x0], $0xffff;
	v41 =	vadd.s32 $0x11, v11  }
0x38: {  	v15 =	vld.idx.msk [tilespmem:v15+s11+$0x0], $0xffff  }
0x39: {  	v18 =	vadd.s32 $0xE, v11;
	v16 =	vld.idx.msk [tilespmem:v16+s11+$0x0], $0xffff  }
0x3a: {  	v17 =	vld.idx.msk [tilespmem:v17+s11+$0x0], $0xffff  }
0x3b: {  	v19 =	vadd.s32 $0xF, v11  }
0x3c: {  	v14 =	vld.idx.msk [tilespmem:v41+s11+$0x0], $0xffff  }
0x3d: {  	v20 =	vadd.s32 $0xC, v11;
	v15 =	vmul.f32 v15, v10  }
0x3e: {  	v18 =	vld.idx.msk [tilespmem:v18+s11+$0x0], $0xffff  }
0x3f: {  	v42 =	vadd.s32 $0xD, v11;
	v16 =	vmul.f32 v16, v9;
	v15 =	vadd.f32 v17, v15  }
0x40: {  	v19 =	vld.idx.msk [tilespmem:v19+s11+$0x0], $0xffff  }
0x41: {  	v43 =	vadd.s32 $0xA, v11;
	v14 =	vadd.f32 v14, v16;
	v15 =	vmul.f32 v15, v10  }
0x42: {  	v20 =	vld.idx.msk [tilespmem:v20+s11+$0x0], $0xffff  }
0x43: {  	v44 =	vadd.s32 $0xB, v11;
	v14 =	vmul.f32 v14, v9;
	v15 =	vadd.f32 v18, v15  }
0x44: {  	v17 =	vld.idx.msk [tilespmem:v42+s11+$0x0], $0xffff  }
0x45: {  	v45 =	vadd.s32 $0x8, v11;
	v14 =	vadd.f32 v19, v14;
	v15 =	vmul.f32 v15, v10  }
0x46: {  	v16 =	vld.idx.msk [tilespmem:v43+s11+$0x0], $0xffff  }
0x47: {  	v46 =	vadd.s32 $0x9, v11;
	v14 =	vmul.f32 v14, v9;
	v15 =	vadd.f32 v20, v15  }
0x48: {  	v18 =	vld.idx.msk [tilespmem:v44+s11+$0x0], $0xffff  }
0x49: {  	v47 =	vadd.s32 $0x6, v11;
	v14 =	vadd.f32 v17, v14;
	v15 =	vmul.f32 v15, v10  }
0x4a: {  	v19 =	vld.idx.msk [tilespmem:v45+s11+$0x0], $0xffff  }
0x4b: {  	v48 =	vadd.s32 $0x7, v11;
	v14 =	vmul.f32 v14, v9;
	v15 =	vadd.f32 v16, v15  }
0x4c: {  	v20 =	vld.idx.msk [tilespmem:v46+s11+$0x0], $0xffff  }
0x4d: {  	v49 =	vadd.s32 $0x4, v11;
	v14 =	vadd.f32 v18, v14;
	v15 =	vmul.f32 v15, v10  }
0x4e: {  	v17 =	vld.idx.msk [tilespmem:v47+s11+$0x0], $0xffff  }
0x4f: {  	v50 =	vadd.s32 $0x5, v11;
	v14 =	vmul.f32 v14, v9;
	v15 =	vadd.f32 v19, v15  }
0x50: {  	v16 =	vld.idx.msk [tilespmem:v48+s11+$0x0], $0xffff  }
0x51: {  	v51 =	vor.u32 $0x2, v11;
	v14 =	vadd.f32 v20, v14;
	v15 =	vmul.f32 v15, v10  }
0x52: {  	v12 =	vmul.u32 $0x3, v12;
	v18 =	vld.idx.msk [tilespmem:v49+s11+$0x0], $0xffff  }
0x53: {  	v52 =	vor.u32 $0x3, v11;
	v14 =	vmul.f32 v14, v9;
	v15 =	vadd.f32 v17, v15  }
0x54: {  	v13 =	vmul.u32 $0x12C, v13;
	v19 =	vld.idx.msk [tilespmem:v50+s11+$0x0], $0xffff  }
0x55: {  	v12 =	vadd.s32 v4, v12;
	v14 =	vadd.f32 v16, v14;
	v15 =	vmul.f32 v15, v10  }
0x56: {  	v12 =	vadd.s32 v13, v12;
	v53 =	vld.idx.msk [tilespmem:v51+s11+$0x0], $0xffff  }
0x57: {  	v54 =	vor.u32 $0x1, v11;
	v14 =	vmul.f32 v14, v9;
	v55 =	vadd.f32 v18, v15  }
0x58: {  	v56 =	vld.idx.msk [tilespmem:v52+s11+$0x0], $0xffff  }
0x59: {  	v14 =	vadd.f32 v19, v14;
	v13 =	vmul.f32 v55, v10  }
0x5a: {  	v57 =	vld.idx.msk [tilespmem:v11+s11+$0x0], $0xffff  }
0x5b: {  	v59 =	vld.idx.msk [tilespmem:v12+s12+$0x0], $0xffff;
	v14 =	vmul.f32 v14, v9;
	v13 =	vadd.f32 v53, v13  }
0x5c: {  	v58 =	vld.idx.msk [tilespmem:v54+s11+$0x0], $0xffff  }
0x5d: {  	v14 =	vadd.f32 v56, v14;
	v13 =	vmul.f32 v13, v10;
	_ =	sdelay $0x1  }
0x5e: {  	v14 =	vmul.f32 v14, v9;
	v13 =	vadd.f32 v57, v13;
	_ =	sdelay $0x1  }
0x5f: {  	v60 =	vadd.s32 $0x26, v11;
	v14 =	vadd.f32 v58, v14;
	v13 =	vadd.f32 v59, v13  }
0x60: {  	v61 =	vadd.s32 $0x27, v11  }
0x61: {  	v62 =	vadd.s32 $0x24, v11;
	v13 =	vadd.f32 v13, v14;
	_ =	sdelay $0x1  }
0x62: {  	v63 =	vadd.s32 $0x25, v11;
	[tilespmem:s22+$0xFFFFE0F0] =	vst v13  }
0x63: {  	v15 =	vld.idx.msk [tilespmem:v60+s11+$0x0], $0xffff  }
0x64: {  	v21 =	vadd.s32 $0x22, v11;
	v16 =	vld.idx.msk [tilespmem:v61+s11+$0x0], $0xffff  }
0x65: {  	v14 =	vld.idx.msk [tilespmem:v62+s11+$0x0], $0xffff  }
0x66: {  	v22 =	vadd.s32 $0x23, v11  }
0x67: {  	v13 =	vld.idx.msk [tilespmem:v63+s11+$0x0], $0xffff  }
0x68: {  	v23 =	vadd.s32 $0x20, v11;
	v15 =	vmul.f32 v15, v10  }
0x69: {  	v17 =	vld.idx.msk [tilespmem:v21+s11+$0x0], $0xffff  }
0x6a: {  	v25 =	vadd.s32 $0x21, v11;
	v24 =	vmul.f32 v16, v9;
	v14 =	vadd.f32 v14, v15  }
0x6b: {  	v18 =	vld.idx.msk [tilespmem:v22+s11+$0x0], $0xffff  }
0x6c: {  	v26 =	vadd.s32 $0x1E, v11;
	v13 =	vadd.f32 v13, v24;
	v14 =	vmul.f32 v14, v10  }
0x6d: {  	v19 =	vld.idx.msk [tilespmem:v23+s11+$0x0], $0xffff  }
0x6e: {  	v27 =	vadd.s32 $0x1F, v11;
	v13 =	vmul.f32 v13, v9;
	v14 =	vadd.f32 v17, v14  }
0x6f: {  	v16 =	vld.idx.msk [tilespmem:v25+s11+$0x0], $0xffff  }
0x70: {  	v28 =	vadd.s32 $0x1C, v11;
	v13 =	vadd.f32 v18, v13;
	v14 =	vmul.f32 v14, v10  }
0x71: {  	v15 =	vld.idx.msk [tilespmem:v26+s11+$0x0], $0xffff  }
0x72: {  	v29 =	vadd.s32 $0x1D, v11;
	v13 =	vmul.f32 v13, v9;
	v14 =	vadd.f32 v19, v14  }
0x73: {  	v17 =	vld.idx.msk [tilespmem:v27+s11+$0x0], $0xffff  }
0x74: {  	v30 =	vadd.s32 $0x1A, v11;
	v13 =	vadd.f32 v16, v13;
	v14 =	vmul.f32 v14, v10  }
0x75: {  	v18 =	vld.idx.msk [tilespmem:v28+s11+$0x0], $0xffff  }
0x76: {  	v31 =	vadd.s32 $0x1B, v11;
	v13 =	vmul.f32 v13, v9;
	v14 =	vadd.f32 v15, v14  }
0x77: {  	v19 =	vld.idx.msk [tilespmem:v29+s11+$0x0], $0xffff  }
0x78: {  	v32 =	vadd.s32 $0x18, v11;
	v13 =	vadd.f32 v17, v13;
	v14 =	vmul.f32 v14, v10  }
0x79: {  	v16 =	vld.idx.msk [tilespmem:v30+s11+$0x0], $0xffff  }
0x7a: {  	v33 =	vadd.s32 $0x19, v11;
	v13 =	vmul.f32 v13, v9;
	v14 =	vadd.f32 v18, v14  }
0x7b: {  	v15 =	vld.idx.msk [tilespmem:v31+s11+$0x0], $0xffff  }
0x7c: {  	v34 =	vadd.s32 $0x16, v11;
	v13 =	vadd.f32 v19, v13;
	v14 =	vmul.f32 v14, v10  }
0x7d: {  	v17 =	vld.idx.msk [tilespmem:v32+s11+$0x0], $0xffff  }
0x7e: {  	v35 =	vadd.s32 $0x17, v11;
	v13 =	vmul.f32 v13, v9;
	v14 =	vadd.f32 v16, v14  }
0x7f: {  	v18 =	vld.idx.msk [tilespmem:v33+s11+$0x0], $0xffff  }
0x80: {  	v36 =	vadd.s32 $0x14, v11;
	v13 =	vadd.f32 v15, v13;
	v14 =	vmul.f32 v14, v10  }
0x81: {  	v38 =	vadd.s32 $0x15, v11;
	v37 =	vld.idx.msk [tilespmem:v34+s11+$0x0], $0xffff  }
0x82: {  	v39 =	vadd.s32 $0x1, v12;
	v13 =	vmul.f32 v13, v9;
	v14 =	vadd.f32 v17, v14  }
0x83: {  	v16 =	vld.idx.msk [tilespmem:v35+s11+$0x0], $0xffff  }
0x84: {  	v13 =	vadd.f32 v18, v13;
	v14 =	vmul.f32 v14, v10  }
0x85: {  	v40 =	vld.idx.msk [tilespmem:v36+s11+$0x0], $0xffff  }
0x86: {  	v41 =	vld.idx.msk [tilespmem:v38+s11+$0x0], $0xffff;
	v13 =	vmul.f32 v13, v9;
	v14 =	vadd.f32 v37, v14  }
0x87: {  	v17 =	vld.idx.msk [tilespmem:v39+s12+$0x0], $0xffff  }
0x88: {  	v13 =	vadd.f32 v16, v13;
	v14 =	vmul.f32 v14, v10;
	_ =	sdelay $0x1  }
0x89: {  	v13 =	vmul.f32 v13, v9;
	v14 =	vadd.f32 v40, v14;
	_ =	sdelay $0x1  }
0x8a: {  	v42 =	vadd.s32 $0x3A, v11;
	v13 =	vadd.f32 v41, v13;
	v14 =	vadd.f32 v17, v14  }
0x8b: {  	v43 =	vadd.s32 $0x38, v11  }
0x8c: {  	v44 =	vadd.s32 $0x3B, v11;
	v13 =	vadd.f32 v14, v13  }
0x8d: {  	v45 =	vadd.s32 $0x10, v8  }
0x8e: {  	v8 =	vadd.s32 $0xFFFFFE1C, v8;
	vm0 =	vgt.s32 v45, $0x1F3;
	v46 =	vadd.s32 $0x39, v11;
	[tilespmem:s22+$0xFFFFFF80] =	vst v13  }
0x8f: {  	v47 =	vadd.s32 $0x36, v11;
	v14 =	vsel vm0, v8, v45;
	v8 =	vsel vm0, $0x1, v1;
	v15 =	vld.idx.msk [tilespmem:v42+s11+$0x0], $0xffff  }
0x90: {  	v21 =	vadd.s32 $0x37, v11;
	v13 =	vadd.s32 v8, v7;
	v7 =	vmul.u32 $0x199A, v14;
	v48 =	vld.idx.msk [tilespmem:v43+s11+$0x0], $0xffff  }
0x91: {  	v22 =	vadd.s32 $0x34, v11;
	v8 =	vld.idx.msk [tilespmem:v44+s11+$0x0], $0xffff;
	v49 =	vmul.u32 $0x199A, v13  }
0x92: {  	v23 =	vadd.s32 $0x35, v11;
	v16 =	vshra.s32 v7, $0xF  }
0x93: {  	v50 =	vadd.s32 $0x32, v11;
	v7 =	vld.idx.msk [tilespmem:v46+s11+$0x0], $0xffff;
	v17 =	vshra.s32 v49, $0xF;
	v24 =	vmul.u32 $0x3C, v16  }
0x94: {  	v25 =	vadd.s32 $0x33, v11;
	v19 =	vld.idx.msk [tilespmem:v47+s11+$0x0], $0xffff;
	v26 =	vmul.u32 $0x1770, v17;
	v15 =	vmul.f32 v15, v10  }
0x95: {  	v52 =	vadd.s32 $0x21, v6;
	v27 =	vadd.s32 $0x20, v6;
	v21 =	vld.idx.msk [tilespmem:v21+s11+$0x0], $0xffff;
	v51 =	vadd.s32 v3, v24  }
0x96: {  	v22 =	vld.idx.msk [tilespmem:v22+s11+$0x0], $0xffff;
	v8 =	vmul.f32 v8, v9;
	v20 =	vadd.f32 v48, v15;
	v15 =	vadd.s32 v26, v51  }
0x97: {  	v23 =	vld.idx.msk [tilespmem:v23+s11+$0x0], $0xffff;
	v26 =	vadd.s32 $0x12, v15  }
0x98: {  	v18 =	vld.idx.msk [tilespmem:v50+s11+$0x0], $0xffff;
	v7 =	vadd.f32 v7, v8;
	v53 =	vadd.s32 $0x13, v15;
	v8 =	vmul.f32 v20, v10  }
0x99: {  	v25 =	vld.idx.msk [tilespmem:v25+s11+$0x0], $0xffff;
	v28 =	vadd.s32 $0x10, v15  }
0x9a: {  	v30 =	vadd.s32 $0x30, v11;
	v29 =	vmul.f32 v7, v9;
	v7 =	vld.idx.msk [tilespmem:v27+s20+$0x0], $0xffff;
	v19 =	vadd.f32 v19, v8  }
0x9b: {  	v54 =	vadd.s32 $0x11, v15;
	v8 =	vld.idx.msk [tilespmem:v52+s20+$0x0], $0xffff  }
0x9c: {  	v37 =	vadd.s32 $0x2A, v11;
	v21 =	vadd.f32 v21, v29;
	v19 =	vmul.f32 v19, v10;
	v26 =	vld.idx.msk [tilespmem:v26+s11+$0x0], $0xffff  }
0x9d: {  	v56 =	vadd.s32 $0xE, v15;
	v20 =	vld.idx.msk [tilespmem:v53+s11+$0x0], $0xffff  }
0x9e: {  	v55 =	vadd.s32 $0x31, v11;
	v21 =	vmul.f32 v21, v9;
	v28 =	vld.idx.msk [tilespmem:v28+s11+$0x0], $0xffff;
	v19 =	vadd.f32 v22, v19  }
0x9f: {  	v30 =	vld.idx.msk [tilespmem:v30+s11+$0x0], $0xffff;
	v31 =	vadd.s32 $0xF, v15  }
0xa0: {  	v57 =	vadd.s32 $0x2E, v11;
	v24 =	vld.idx.msk [tilespmem:v54+s11+$0x0], $0xffff;
	v21 =	vadd.f32 v23, v21;
	v19 =	vmul.f32 v19, v10  }
0xa1: {  	v42 =	vld.idx.msk [tilespmem:v37+s11+$0x0], $0xffff;
	v32 =	vadd.s32 $0xC, v15;
	v26 =	vmul.f32 v26, v7  }
0xa2: {  	v58 =	vadd.s32 $0x2F, v11;
	v29 =	vld.idx.msk [tilespmem:v56+s11+$0x0], $0xffff;
	v59 =	vmul.f32 v21, v9;
	v18 =	vadd.f32 v18, v19  }
0xa3: {  	v61 =	vadd.s32 $0xD, v15;
	v27 =	vld.idx.msk [tilespmem:v55+s11+$0x0], $0xffff;
	v20 =	vmul.f32 v20, v8;
	v26 =	vadd.f32 v28, v26  }
0xa4: {  	v60 =	vadd.s32 $0x2C, v11;
	v31 =	vld.idx.msk [tilespmem:v31+s11+$0x0], $0xffff;
	v19 =	vadd.f32 v25, v59;
	v18 =	vmul.f32 v18, v10  }
0xa5: {  	v36 =	vadd.s32 $0xA, v15;
	v22 =	vld.idx.msk [tilespmem:v57+s11+$0x0], $0xffff;
	v20 =	vadd.f32 v24, v20;
	v63 =	vmul.f32 v26, v7  }
0xa6: {  	v62 =	vadd.s32 $0x2D, v11;
	v32 =	vld.idx.msk [tilespmem:v32+s11+$0x0], $0xffff;
	v19 =	vmul.f32 v19, v9;
	v18 =	vadd.f32 v30, v18  }
0xa7: {  	v38 =	vadd.s32 $0xB, v15;
	v23 =	vld.idx.msk [tilespmem:v58+s11+$0x0], $0xffff;
	v20 =	vmul.f32 v20, v8;
	v24 =	vadd.f32 v29, v63  }
0xa8: {  	v33 =	vadd.s32 $0x28, v11;
	v28 =	vld.idx.msk [tilespmem:v61+s11+$0x0], $0xffff;
	v19 =	vadd.f32 v27, v19;
	v18 =	vmul.f32 v18, v10  }
0xa9: {  	v40 =	vadd.s32 $0x8, v15;
	v21 =	vld.idx.msk [tilespmem:v60+s11+$0x0], $0xffff;
	v20 =	vadd.f32 v31, v20;
	v24 =	vmul.f32 v24, v7  }
0xaa: {  	v39 =	vadd.s32 $0x2B, v11;
	v41 =	vld.idx.msk [tilespmem:v36+s11+$0x0], $0xffff;
	v19 =	vmul.f32 v19, v9;
	v18 =	vadd.f32 v22, v18  }
0xab: {  	v43 =	vadd.s32 $0x9, v15;
	v25 =	vld.idx.msk [tilespmem:v62+s11+$0x0], $0xffff;
	v20 =	vmul.f32 v20, v8;
	v24 =	vadd.f32 v32, v24  }
0xac: {  	v11 =	vadd.s32 $0x29, v11;
	v44 =	vld.idx.msk [tilespmem:v38+s11+$0x0], $0xffff;
	v19 =	vadd.f32 v23, v19;
	v18 =	vmul.f32 v18, v10  }
0xad: {  	v47 =	vld.idx.msk [tilespmem:v33+s11+$0x0], $0xffff;
	v45 =	vadd.s32 $0x6, v15;
	v20 =	vadd.f32 v28, v20;
	v24 =	vmul.f32 v24, v7  }
0xae: {  	v12 =	vadd.s32 $0x2, v12;
	v46 =	vld.idx.msk [tilespmem:v40+s11+$0x0], $0xffff;
	v19 =	vmul.f32 v19, v9;
	v18 =	vadd.f32 v21, v18  }
0xaf: {  	v48 =	vadd.s32 $0x7, v15;
	v27 =	vld.idx.msk [tilespmem:v39+s11+$0x0], $0xffff;
	v20 =	vmul.f32 v20, v8;
	v22 =	vadd.f32 v41, v24  }
0xb0: {  	v49 =	vld.idx.msk [tilespmem:v43+s11+$0x0], $0xffff;
	v19 =	vadd.f32 v25, v19;
	v18 =	vmul.f32 v18, v10  }
0xb1: {  	v11 =	vld.idx.msk [tilespmem:v11+s11+$0x0], $0xffff;
	v50 =	vadd.s32 $0x4, v15;
	v20 =	vadd.f32 v44, v20;
	v22 =	vmul.f32 v22, v7  }
0xb2: {  	v51 =	vld.idx.msk [tilespmem:v45+s11+$0x0], $0xffff;
	v19 =	vmul.f32 v19, v9;
	v18 =	vadd.f32 v42, v18  }
0xb3: {  	v12 =	vld.idx.msk [tilespmem:v12+s12+$0x0], $0xffff;
	v52 =	vadd.s32 $0x5, v15;
	v20 =	vmul.f32 v20, v8;
	v21 =	vadd.f32 v46, v22  }
0xb4: {  	v53 =	vld.idx.msk [tilespmem:v48+s11+$0x0], $0xffff;
	v19 =	vadd.f32 v27, v19;
	v10 =	vmul.f32 v18, v10  }
0xb5: {  	v54 =	vor.u32 $0x2, v15;
	v20 =	vadd.f32 v49, v20;
	v21 =	vmul.f32 v21, v7  }
0xb6: {  	v55 =	vld.idx.msk [tilespmem:v50+s11+$0x0], $0xffff;
	v9 =	vmul.f32 v19, v9;
	v10 =	vadd.f32 v47, v10  }
0xb7: {  	v56 =	vor.u32 $0x3, v15;
	v20 =	vmul.f32 v20, v8;
	v21 =	vadd.f32 v51, v21  }
0xb8: {  	v57 =	vld.idx.msk [tilespmem:v52+s11+$0x0], $0xffff;
	v9 =	vadd.f32 v11, v9;
	v11 =	vmul.u32 $0x3, v16;
	v10 =	vadd.f32 v12, v10  }
0xb9: {  	v58 =	vmul.u32 $0x12C, v17;
	v18 =	vadd.f32 v53, v20;
	v59 =	vmul.f32 v21, v7  }
0xba: {  	v60 =	vor.u32 $0x1, v15;
	v9 =	vadd.f32 v10, v9;
	v10 =	vadd.s32 v4, v11;
	v11 =	vld.idx.msk [tilespmem:v54+s11+$0x0], $0xffff  }
0xbb: {  	v61 =	vmul.f32 v18, v8;
	v17 =	vadd.s32 v58, v10;
	v10 =	vadd.f32 v55, v59  }
0xbc: {  	v62 =	vld.idx.msk [tilespmem:v56+s11+$0x0], $0xffff  }
0xbd: {  	[tilespmem:s22+$0x1E10] =	vst v9;
	v9 =	vadd.f32 v57, v61;
	v10 =	vmul.f32 v10, v7  }
0xbe: {  	v63 =	vld.idx.msk [tilespmem:v15+s11+$0x0], $0xffff  }
0xbf: {  	v9 =	vmul.f32 v9, v8;
	v10 =	vadd.f32 v11, v10;
	v11 =	vld.idx.msk [tilespmem:v60+s11+$0x0], $0xffff  }
0xc0: {  	v20 =	vld.idx.msk [tilespmem:v17+s12+$0x0], $0xffff  }
0xc1: {  	v9 =	vadd.f32 v62, v9;
	v10 =	vmul.f32 v10, v7;
	_ =	sdelay $0x1  }
0xc2: {  	v9 =	vmul.f32 v9, v8;
	v10 =	vadd.f32 v63, v10;
	_ =	sdelay $0x1  }
0xc3: {  	v9 =	vadd.f32 v11, v9;
	v10 =	vadd.f32 v20, v10;
	_ =	sdelay $0x1  }
0xc4: {  	v9 =	vadd.f32 v10, v9  }
0xc5: {  	v11 =	vadd.s32 $0x26, v15  }
0xc6: {  	[tilespmem:s22+$0xFFFFE100] =	vst v9;
	v9 =	vadd.s32 $0x27, v15  }
0xc7: {  	v10 =	vadd.s32 $0x24, v15  }
0xc8: {  	v21 =	vadd.s32 $0x25, v15;
	_ =	sdelay $0x1  }
0xc9: {  	v11 =	vld.idx.msk [tilespmem:v11+s11+$0x0], $0xffff  }
0xca: {  	v9 =	vld.idx.msk [tilespmem:v9+s11+$0x0], $0xffff  }
0xcb: {  	v23 =	vadd.s32 $0x23, v15;
	v10 =	vld.idx.msk [tilespmem:v10+s11+$0x0], $0xffff  }
0xcc: {  	v22 =	vadd.s32 $0x22, v15;
	v12 =	vld.idx.msk [tilespmem:v21+s11+$0x0], $0xffff;
	_ =	sdelay $0x1  }
0xcd: {  	v11 =	vmul.f32 v11, v7  }
0xce: {  	v9 =	vmul.f32 v9, v8  }
0xcf: {  	v24 =	vadd.s32 $0x20, v15;
	v10 =	vadd.f32 v10, v11;
	v11 =	vld.idx.msk [tilespmem:v23+s11+$0x0], $0xffff  }
0xd0: {  	v16 =	vld.idx.msk [tilespmem:v22+s11+$0x0], $0xffff;
	v9 =	vadd.f32 v12, v9;
	_ =	sdelay $0x1  }
0xd1: {  	v26 =	vadd.s32 $0x21, v15;
	v9 =	vmul.f32 v9, v8  }
0xd2: {  	v27 =	vadd.s32 $0x1E, v15;
	v10 =	vmul.f32 v10, v7  }
0xd3: {  	v30 =	vadd.s32 $0x1C, v15;
	v25 =	vld.idx.msk [tilespmem:v24+s11+$0x0], $0xffff;
	v9 =	vadd.f32 v11, v9;
	v11 =	vadd.s32 $0x10, v14  }
0xd4: {  	v10 =	vadd.f32 v16, v10;
	v14 =	vadd.s32 $0xFFFFFE1C, v14;
	vm13 =	vgt.s32 v11, $0x1F3  }
0xd5: {  	v28 =	vadd.s32 $0x1F, v15;
	v12 =	vsel vm13, v14, v11;
	v11 =	vsel vm13, $0x1, v1  }
0xd6: {  	v29 =	vld.idx.msk [tilespmem:v26+s11+$0x0], $0xffff;
	v10 =	vmul.f32 v10, v7;
	v11 =	vadd.s32 v11, v13;
	v33 =	vmul.u32 $0x199A, v12  }
0xd7: {  	v34 =	vadd.s32 $0x1A, v15;
	v37 =	vadd.s32 $0x18, v15;
	v31 =	vld.idx.msk [tilespmem:v27+s11+$0x0], $0xffff;
	v35 =	vmul.u32 $0x199A, v11  }
0xd8: {  	v36 =	vadd.s32 $0x1B, v15;
	v10 =	vadd.f32 v25, v10;
	v13 =	vshra.s32 v33, $0xF  }
0xd9: {  	v9 =	vmul.f32 v9, v8;
	v22 =	vshra.s32 v35, $0xF;
	v38 =	vmul.u32 $0x3C, v13  }
0xda: {  	v32 =	vadd.s32 $0x1D, v15;
	v18 =	vld.idx.msk [tilespmem:v28+s11+$0x0], $0xffff;
	v10 =	vmul.f32 v10, v7;
	v41 =	vmul.u32 $0x1770, v22  }
0xdb: {  	v42 =	vadd.s32 $0x40, v6;
	v39 =	vld.idx.msk [tilespmem:v30+s11+$0x0], $0xffff;
	v9 =	vadd.f32 v29, v9;
	v43 =	vadd.s32 v3, v38  }
0xdc: {  	v44 =	vadd.s32 $0x41, v6;
	v21 =	vld.idx.msk [tilespmem:v34+s11+$0x0], $0xffff;
	v10 =	vadd.f32 v31, v10;
	v14 =	vadd.s32 v41, v43  }
0xdd: {  	v45 =	vld.idx.msk [tilespmem:v37+s11+$0x0], $0xffff;
	v9 =	vmul.f32 v9, v8;
	v26 =	vadd.s32 $0x12, v14  }
0xde: {  	v23 =	vld.idx.msk [tilespmem:v36+s11+$0x0], $0xffff;
	v10 =	vmul.f32 v10, v7;
	v46 =	vadd.s32 $0x13, v14  }
0xdf: {  	v16 =	vld.idx.msk [tilespmem:v32+s11+$0x0], $0xffff;
	v9 =	vadd.f32 v18, v9;
	v47 =	vadd.s32 $0x10, v14  }
0xe0: {  	v40 =	vadd.s32 $0x19, v15;
	v19 =	vadd.f32 v39, v10;
	v10 =	vld.idx.msk [tilespmem:v42+s20+$0x0], $0xffff  }
0xe1: {  	v48 =	vmul.f32 v9, v8;
	v9 =	vld.idx.msk [tilespmem:v44+s20+$0x0], $0xffff;
	v50 =	vadd.s32 $0x11, v14  }
0xe2: {  	v49 =	vadd.s32 $0x16, v15;
	v26 =	vld.idx.msk [tilespmem:v26+s11+$0x0], $0xffff  }
0xe3: {  	v52 =	vadd.s32 $0xE, v14;
	v24 =	vld.idx.msk [tilespmem:v46+s11+$0x0], $0xffff  }
0xe4: {  	v51 =	vadd.s32 $0x17, v15;
	v19 =	vmul.f32 v19, v7;
	v16 =	vadd.f32 v16, v48;
	v54 =	vld.idx.msk [tilespmem:v47+s11+$0x0], $0xffff  }
0xe5: {  	v20 =	vld.idx.msk [tilespmem:v40+s11+$0x0], $0xffff;
	v56 =	vadd.s32 $0xF, v14  }
0xe6: {  	v53 =	vadd.s32 $0x14, v15;
	v19 =	vadd.f32 v21, v19;
	v16 =	vmul.f32 v16, v8;
	v25 =	vld.idx.msk [tilespmem:v50+s11+$0x0], $0xffff  }
0xe7: {  	v55 =	vld.idx.msk [tilespmem:v49+s11+$0x0], $0xffff;
	v58 =	vadd.s32 $0xC, v14;
	v26 =	vmul.f32 v26, v10  }
0xe8: {  	v57 =	vadd.s32 $0x15, v15;
	v19 =	vmul.f32 v19, v7;
	v29 =	vld.idx.msk [tilespmem:v52+s11+$0x0], $0xffff;
	v16 =	vadd.f32 v23, v16  }
0xe9: {  	v27 =	vld.idx.msk [tilespmem:v51+s11+$0x0], $0xffff;
	v60 =	vadd.s32 $0xD, v14;
	v24 =	vmul.f32 v24, v9;
	v21 =	vadd.f32 v54, v26  }
0xea: {  	v59 =	vadd.s32 $0x1, v17;
	v61 =	vld.idx.msk [tilespmem:v56+s11+$0x0], $0xffff;
	v18 =	vadd.f32 v45, v19;
	v16 =	vmul.f32 v16, v8  }
0xeb: {  	v31 =	vld.idx.msk [tilespmem:v53+s11+$0x0], $0xffff;
	v62 =	vadd.s32 $0xA, v14;
	v24 =	vadd.f32 v25, v24;
	v21 =	vmul.f32 v21, v10  }
0xec: {  	v32 =	vadd.s32 $0xB, v14;
	v63 =	vld.idx.msk [tilespmem:v58+s11+$0x0], $0xffff;
	v18 =	vmul.f32 v18, v7;
	v16 =	vadd.f32 v20, v16  }
0xed: {  	v23 =	vld.idx.msk [tilespmem:v57+s11+$0x0], $0xffff;
	v24 =	vmul.f32 v24, v9;
	v21 =	vadd.f32 v29, v21  }
0xee: {  	v50 =	vor.u32 $0x3, v14;
	v18 =	vadd.f32 v55, v18;
	v16 =	vmul.f32 v16, v8;
	v26 =	vld.idx.msk [tilespmem:v60+s11+$0x0], $0xffff  }
0xef: {  	v33 =	vadd.s32 $0x8, v14;
	v19 =	vld.idx.msk [tilespmem:v59+s12+$0x0], $0xffff;
	v20 =	vadd.f32 v61, v24;
	v21 =	vmul.f32 v21, v10  }
0xf0: {  	v34 =	vadd.s32 $0x9, v14;
	v18 =	vmul.f32 v18, v7;
	v25 =	vld.idx.msk [tilespmem:v62+s11+$0x0], $0xffff;
	v16 =	vadd.f32 v27, v16  }
0xf1: {  	v36 =	vld.idx.msk [tilespmem:v32+s11+$0x0], $0xffff;
	v52 =	vor.u32 $0x1, v14;
	v20 =	vmul.f32 v20, v9;
	v21 =	vadd.f32 v63, v21  }
0xf2: {  	v41 =	vadd.s32 $0x4, v14;
	v59 =	vld.idx.msk [tilespmem:v14+s11+$0x0], $0xffff;
	v18 =	vadd.f32 v31, v18;
	v16 =	vmul.f32 v16, v8  }
0xf3: {  	v37 =	vadd.s32 $0x6, v14;
	v56 =	vld.idx.msk [tilespmem:v50+s11+$0x0], $0xffff;
	v20 =	vadd.f32 v26, v20;
	v21 =	vmul.f32 v21, v10  }
0xf4: {  	v35 =	vadd.s32 $0x3A, v15;
	v18 =	vadd.f32 v19, v18;
	v24 =	vld.idx.msk [tilespmem:v33+s11+$0x0], $0xffff;
	v16 =	vadd.f32 v23, v16  }
0xf5: {  	v39 =	vadd.s32 $0x7, v14;
	v27 =	vld.idx.msk [tilespmem:v34+s11+$0x0], $0xffff;
	v20 =	vmul.f32 v20, v9;
	v21 =	vadd.f32 v25, v21  }
0xf6: {  	v38 =	vadd.s32 $0x3B, v15;
	v61 =	vld.idx.msk [tilespmem:v52+s11+$0x0], $0xffff;
	v16 =	vadd.f32 v18, v16  }
0xf7: {  	v40 =	vadd.s32 $0x38, v15;
	v23 =	vld.idx.msk [tilespmem:v41+s11+$0x0], $0xffff;
	v20 =	vadd.f32 v36, v20;
	v21 =	vmul.f32 v21, v10  }
0xf8: {  	v42 =	vadd.s32 $0x39, v15;
	v26 =	vld.idx.msk [tilespmem:v37+s11+$0x0], $0xffff;
	[tilespmem:s22+$0xFFFFFF90] =	vst v16  }
0xf9: {  	v43 =	vadd.s32 $0x5, v14;
	v19 =	vld.idx.msk [tilespmem:v35+s11+$0x0], $0xffff;
	v20 =	vmul.f32 v20, v9;
	v21 =	vadd.f32 v24, v21  }
0xfa: {  	v17 =	vadd.s32 $0x2, v17;
	v44 =	vadd.s32 $0x36, v15;
	v25 =	vld.idx.msk [tilespmem:v39+s11+$0x0], $0xffff  }
0xfb: {  	v48 =	vor.u32 $0x2, v14;
	v18 =	vld.idx.msk [tilespmem:v38+s11+$0x0], $0xffff;
	v46 =	vadd.f32 v27, v20;
	v47 =	vmul.f32 v21, v10  }
0xfc: {  	v49 =	vadd.s32 $0x37, v15;
	v51 =	vadd.s32 $0x34, v15;
	v13 =	vmul.u32 $0x3, v13;
	v45 =	vld.idx.msk [tilespmem:v40+s11+$0x0], $0xffff  }
0xfd: {  	v55 =	vadd.s32 $0x35, v15;
	v28 =	vld.idx.msk [tilespmem:v42+s11+$0x0], $0xffff;
	v16 =	vmul.f32 v46, v9;
	v20 =	vadd.f32 v26, v47  }
0xfe: {  	v22 =	vmul.u32 $0x12C, v22;
	v13 =	vadd.s32 v4, v13;
	v58 =	vadd.s32 $0x33, v15;
	v24 =	vld.idx.msk [tilespmem:v43+s11+$0x0], $0xffff  }
0xff: {  	v60 =	vadd.s32 $0x30, v15;
	v29 =	vld.idx.msk [tilespmem:v44+s11+$0x0], $0xffff;
	v25 =	vadd.f32 v25, v16;
	v20 =	vmul.f32 v20, v10  }
0x100: {  	v57 =	vadd.s32 $0x32, v15;
	v62 =	vadd.s32 $0x31, v15;
	v52 =	vadd.s32 $0x22, v14;
	v21 =	vld.idx.msk [tilespmem:v48+s11+$0x0], $0xffff  }
0x101: {  	v31 =	vld.idx.msk [tilespmem:v51+s11+$0x0], $0xffff;
	v16 =	vadd.s32 v22, v13;
	v54 =	vmul.f32 v25, v9;
	v53 =	vadd.f32 v23, v20  }
0x102: {  	v41 =	vadd.s32 $0x2C, v15;
	v63 =	vadd.s32 $0x2E, v15;
	v35 =	vld.idx.msk [tilespmem:v55+s11+$0x0], $0xffff;
	v40 =	vadd.s32 $0x2F, v15  }
0x103: {  	v37 =	vld.idx.msk [tilespmem:v58+s11+$0x0], $0xffff;
	v42 =	vadd.s32 $0x2D, v15;
	v20 =	vadd.f32 v24, v54;
	v13 =	vmul.f32 v53, v10  }
0x104: {  	v30 =	vld.idx.msk [tilespmem:v60+s11+$0x0], $0xffff;
	v38 =	vadd.s32 $0x26, v14;
	v58 =	vadd.s32 $0x61, v6;
	v19 =	vmul.f32 v19, v7  }
0x105: {  	v32 =	vld.idx.msk [tilespmem:v62+s11+$0x0], $0xffff;
	v39 =	vadd.s32 $0x24, v14;
	v20 =	vmul.f32 v20, v9;
	v13 =	vadd.f32 v21, v13  }
0x106: {  	v18 =	vmul.f32 v18, v8;
	v43 =	vadd.s32 $0x2A, v15;
	v19 =	vadd.f32 v45, v19;
	v34 =	vld.idx.msk [tilespmem:v16+s12+$0x0], $0xffff  }
0x107: {  	v27 =	vld.idx.msk [tilespmem:v49+s11+$0x0], $0xffff;
	v49 =	vadd.s32 $0x25, v14;
	v20 =	vadd.f32 v56, v20;
	v13 =	vmul.f32 v13, v10  }
0x108: {  	v17 =	vld.idx.msk [tilespmem:v17+s12+$0x0], $0xffff;
	v18 =	vadd.f32 v28, v18;
	v28 =	vadd.s32 $0x28, v15;
	v19 =	vmul.f32 v19, v7  }
0x109: {  	v36 =	vld.idx.msk [tilespmem:v57+s11+$0x0], $0xffff;
	v46 =	vadd.s32 $0x10, v12;
	v20 =	vmul.f32 v20, v9;
	v13 =	vadd.f32 v59, v13  }
0x10a: {  	v12 =	vadd.s32 $0xFFFFFE1C, v12;
	vm14 =	vgt.s32 v46, $0x1F3;
	v26 =	vld.idx.msk [tilespmem:v40+s11+$0x0], $0xffff;
	v50 =	vadd.f32 v29, v19  }
0x10b: {  	v44 =	vmul.f32 v18, v8;
	v18 =	vld.idx.msk [tilespmem:v43+s11+$0x0], $0xffff;
	v20 =	vadd.f32 v61, v20;
	v13 =	vadd.f32 v34, v13  }
0x10c: {  	v45 =	vadd.s32 $0x2B, v15;
	v22 =	vsel vm14, v12, v46;
	v25 =	vld.idx.msk [tilespmem:v63+s11+$0x0], $0xffff;
	v12 =	vmul.f32 v50, v7  }
0x10d: {  	v47 =	vadd.s32 $0x27, v14;
	v48 =	vsel vm14, $0x1, v1;
	v28 =	vld.idx.msk [tilespmem:v28+s11+$0x0], $0xffff;
	v13 =	vadd.f32 v13, v20  }
0x10e: {  	v24 =	vld.idx.msk [tilespmem:v42+s11+$0x0], $0xffff;
	v12 =	vadd.f32 v31, v12;
	v21 =	vadd.s32 v48, v11;
	v11 =	vmul.u32 $0x199A, v22  }
0x10f: {  	v15 =	vadd.s32 $0x29, v15;
	v40 =	vadd.s32 $0x23, v14;
	v53 =	vmul.u32 $0x199A, v21;
	v20 =	vld.idx.msk [tilespmem:v41+s11+$0x0], $0xffff;
	[tilespmem:s22+$0xFFFFE110] =	vst v13  }
0x110: {  	v54 =	vadd.s32 $0x20, v14;
	v48 =	vmul.f32 v12, v7;
	v19 =	vshra.s32 v11, $0xF;
	v51 =	vld.idx.msk [tilespmem:v38+s11+$0x0], $0xffff  }
0x111: {  	v55 =	vmul.u32 $0x3C, v19;
	v34 =	vadd.f32 v27, v44;
	v27 =	vshra.s32 v53, $0xF;
	v11 =	vld.idx.msk [tilespmem:v39+s11+$0x0], $0xffff  }
0x112: {  	v42 =	vadd.s32 $0x21, v14;
	v36 =	vadd.f32 v36, v48;
	v56 =	vmul.u32 $0x1770, v27;
	v41 =	vld.idx.msk [tilespmem:v47+s11+$0x0], $0xffff  }
0x113: {  	v23 =	vld.idx.msk [tilespmem:v45+s11+$0x0], $0xffff;
	v48 =	vadd.s32 $0x18, v14;
	v19 =	vmul.u32 $0x3, v19;
	v57 =	vadd.s32 v3, v55  }
0x114: {  	v36 =	vmul.f32 v36, v7;
	v44 =	vadd.s32 $0x60, v6;
	v13 =	vadd.s32 v56, v57;
	v43 =	vld.idx.msk [tilespmem:v49+s11+$0x0], $0xffff  }
0x115: {  	v19 =	vadd.s32 v4, v19;
	v33 =	vld.idx.msk [tilespmem:v52+s11+$0x0], $0xffff;
	v61 =	vadd.s32 $0x12, v13;
	v29 =	vmul.f32 v51, v10  }
0x116: {  	v53 =	vadd.s32 $0x1C, v14;
	v30 =	vadd.f32 v30, v36;
	v60 =	vld.idx.msk [tilespmem:v40+s11+$0x0], $0xffff;
	v63 =	vadd.s32 $0x13, v13  }
0x117: {  	v62 =	vld.idx.msk [tilespmem:v54+s11+$0x0], $0xffff;
	v45 =	vadd.s32 $0x10, v13;
	v41 =	vmul.f32 v41, v9;
	v11 =	vadd.f32 v11, v29  }
0x118: {  	v27 =	vmul.u32 $0x12C, v27;
	v34 =	vmul.f32 v34, v8;
	v42 =	vld.idx.msk [tilespmem:v42+s11+$0x0], $0xffff;
	v47 =	vadd.s32 $0x1E, v14  }
0x119: {  	v12 =	vld.idx.msk [tilespmem:v44+s20+$0x0], $0xffff;
	v49 =	vadd.s32 $0x11, v13;
	v50 =	vadd.f32 v43, v41;
	v46 =	vmul.f32 v11, v10  }
0x11a: {  	v30 =	vmul.f32 v30, v7;
	v19 =	vadd.s32 v27, v19;
	v59 =	vadd.f32 v35, v34;
	v35 =	vld.idx.msk [tilespmem:v61+s11+$0x0], $0xffff  }
0x11b: {  	v51 =	vadd.s32 $0x1F, v14;
	v39 =	vld.idx.msk [tilespmem:v63+s11+$0x0], $0xffff;
	v38 =	vmul.f32 v50, v9;
	v33 =	vadd.f32 v33, v46  }
0x11c: {  	v25 =	vadd.f32 v25, v30;
	v56 =	vadd.s32 $0xF, v13;
	v31 =	vmul.f32 v59, v8;
	v54 =	vld.idx.msk [tilespmem:v45+s11+$0x0], $0xffff  }
0x11d: {  	v57 =	vadd.s32 $0x1D, v14;
	v55 =	vld.idx.msk [tilespmem:v47+s11+$0x0], $0xffff;
	v34 =	vadd.f32 v60, v38;
	v33 =	vmul.f32 v33, v10  }
0x11e: {  	v52 =	vadd.s32 $0xE, v13;
	v25 =	vmul.f32 v25, v7;
	v31 =	vadd.f32 v37, v31;
	v37 =	vld.idx.msk [tilespmem:v49+s11+$0x0], $0xffff  }
0x11f: {  	v59 =	vadd.s32 $0xC, v13;
	v11 =	vld.idx.msk [tilespmem:v58+s20+$0x0], $0xffff;
	v34 =	vmul.f32 v34, v9;
	v29 =	vadd.f32 v62, v33  }
0x120: {  	v20 =	vadd.f32 v20, v25;
	v31 =	vmul.f32 v31, v8;
	v61 =	vadd.s32 $0xD, v13;
	v58 =	vld.idx.msk [tilespmem:v51+s11+$0x0], $0xffff  }
0x121: {  	v36 =	vld.idx.msk [tilespmem:v56+s11+$0x0], $0xffff;
	v60 =	vadd.s32 $0x1A, v14;
	v34 =	vadd.f32 v42, v34;
	v29 =	vmul.f32 v29, v10  }
0x122: {  	v63 =	vadd.s32 $0xA, v13;
	v49 =	vadd.s32 $0xB, v13;
	v43 =	vld.idx.msk [tilespmem:v53+s11+$0x0], $0xffff;
	v35 =	vmul.f32 v35, v12  }
0x123: {  	v41 =	vld.idx.msk [tilespmem:v52+s11+$0x0], $0xffff;
	v62 =	vadd.s32 $0x1B, v14;
	v34 =	vmul.f32 v34, v9;
	v29 =	vadd.f32 v55, v29  }
0x124: {  	v56 =	vadd.s32 $0x6, v13;
	v53 =	vadd.s32 $0x16, v14;
	v35 =	vadd.f32 v54, v35;
	v33 =	vld.idx.msk [tilespmem:v57+s11+$0x0], $0xffff  }
0x125: {  	v40 =	vld.idx.msk [tilespmem:v59+s11+$0x0], $0xffff;
	v39 =	vmul.f32 v39, v11;
	v34 =	vadd.f32 v58, v34;
	v29 =	vmul.f32 v29, v10  }
0x126: {  	v20 =	vmul.f32 v20, v7;
	v50 =	vadd.s32 $0x19, v14;
	v35 =	vmul.f32 v35, v12;
	v45 =	vld.idx.msk [tilespmem:v60+s11+$0x0], $0xffff  }
0x127: {  	v51 =	vld.idx.msk [tilespmem:v61+s11+$0x0], $0xffff;
	v37 =	vadd.f32 v37, v39;
	v34 =	vmul.f32 v34, v9;
	v29 =	vadd.f32 v43, v29  }
0x128: {  	v31 =	vadd.f32 v32, v31;
	v61 =	vadd.s32 $0x1, v16;
	v35 =	vadd.f32 v41, v35;
	v32 =	vld.idx.msk [tilespmem:v62+s11+$0x0], $0xffff  }
0x129: {  	v44 =	vld.idx.msk [tilespmem:v53+s11+$0x0], $0xffff;
	v37 =	vmul.f32 v37, v11;
	v33 =	vadd.f32 v33, v34;
	v29 =	vmul.f32 v29, v10  }
0x12a: {  	v52 =	vadd.s32 $0x8, v13;
	v42 =	vld.idx.msk [tilespmem:v48+s11+$0x0], $0xffff;
	v35 =	vmul.f32 v35, v12;
	v55 =	vadd.s32 $0x17, v14  }
0x12b: {  	v39 =	vld.idx.msk [tilespmem:v63+s11+$0x0], $0xffff;
	v36 =	vadd.f32 v36, v37;
	v33 =	vmul.f32 v33, v9;
	v29 =	vadd.f32 v45, v29  }
0x12c: {  	v54 =	vadd.s32 $0x9, v13;
	v38 =	vld.idx.msk [tilespmem:v50+s11+$0x0], $0xffff;
	v57 =	vadd.s32 $0x14, v14;
	v35 =	vadd.f32 v40, v35  }
0x12d: {  	v48 =	vld.idx.msk [tilespmem:v61+s12+$0x0], $0xffff;
	v36 =	vmul.f32 v36, v11;
	v32 =	vadd.f32 v32, v33;
	v29 =	vmul.f32 v29, v10  }
0x12e: {  	v59 =	vadd.s32 $0x15, v14;
	v18 =	vadd.f32 v18, v20;
	v41 =	vld.idx.msk [tilespmem:v49+s11+$0x0], $0xffff;
	v35 =	vmul.f32 v35, v12  }
0x12f: {  	v37 =	vld.idx.msk [tilespmem:v52+s11+$0x0], $0xffff;
	v36 =	vadd.f32 v51, v36;
	v32 =	vmul.f32 v32, v9;
	v29 =	vadd.f32 v42, v29  }
0x130: {  	v31 =	vmul.f32 v31, v8;
	v58 =	vadd.s32 $0x7, v13;
	v35 =	vadd.f32 v39, v35;
	v34 =	vld.idx.msk [tilespmem:v55+s11+$0x0], $0xffff  }
0x131: {  	v40 =	vld.idx.msk [tilespmem:v54+s11+$0x0], $0xffff;
	v36 =	vmul.f32 v36, v11;
	v32 =	vadd.f32 v38, v32;
	v29 =	vmul.f32 v29, v10  }
0x132: {  	v60 =	vadd.s32 $0x4, v13;
	v49 =	vor.u32 $0x3, v13;
	v35 =	vmul.f32 v35, v12;
	v45 =	vld.idx.msk [tilespmem:v57+s11+$0x0], $0xffff  }
0x133: {  	v43 =	vld.idx.msk [tilespmem:v56+s11+$0x0], $0xffff;
	v36 =	vadd.f32 v41, v36;
	v32 =	vmul.f32 v32, v9;
	v29 =	vadd.f32 v44, v29  }
0x134: {  	v46 =	vor.u32 $0x2, v13;
	v62 =	vadd.s32 $0x5, v13;
	v33 =	vld.idx.msk [tilespmem:v59+s11+$0x0], $0xffff;
	v35 =	vadd.f32 v37, v35  }
0x135: {  	v15 =	vld.idx.msk [tilespmem:v15+s11+$0x0], $0xffff;
	v36 =	vmul.f32 v36, v11;
	v32 =	vadd.f32 v34, v32;
	v29 =	vmul.f32 v29, v10  }
0x136: {  	v26 =	vadd.f32 v26, v31;
	v52 =	vor.u32 $0x1, v13;
	v63 =	vld.idx.msk [tilespmem:v58+s11+$0x0], $0xffff;
	v35 =	vmul.f32 v35, v12  }
0x137: {  	v47 =	vld.idx.msk [tilespmem:v60+s11+$0x0], $0xffff;
	v36 =	vadd.f32 v40, v36;
	v32 =	vmul.f32 v32, v9;
	v29 =	vadd.f32 v45, v29  }
0x138: {  	v26 =	vmul.f32 v26, v8;
	v56 =	vld.idx.msk [tilespmem:v49+s11+$0x0], $0xffff;
	v55 =	vadd.s32 $0x3A, v14;
	v35 =	vadd.f32 v43, v35  }
0x139: {  	v51 =	vld.idx.msk [tilespmem:v46+s11+$0x0], $0xffff;
	v36 =	vmul.f32 v36, v11;
	v32 =	vadd.f32 v33, v32;
	v29 =	vadd.f32 v48, v29  }
0x13a: {  	v24 =	vadd.f32 v24, v26;
	v50 =	vld.idx.msk [tilespmem:v62+s11+$0x0], $0xffff;
	v57 =	vadd.s32 $0x3B, v14;
	v35 =	vmul.f32 v35, v12  }
0x13b: {  	v58 =	vadd.s32 $0x38, v14;
	v61 =	vld.idx.msk [tilespmem:v52+s11+$0x0], $0xffff;
	v36 =	vadd.f32 v63, v36;
	v29 =	vadd.f32 v29, v32  }
0x13c: {  	v7 =	vmul.f32 v18, v7;
	v60 =	vadd.s32 $0x39, v14;
	v59 =	vld.idx.msk [tilespmem:v13+s11+$0x0], $0xffff;
	v53 =	vadd.f32 v47, v35  }
0x13d: {  	v24 =	vmul.f32 v24, v8;
	v62 =	vadd.s32 $0x36, v14;
	v63 =	vld.idx.msk [tilespmem:v19+s12+$0x0], $0xffff;
	v54 =	vmul.f32 v36, v11;
	[tilespmem:s22+$0xFFFFFFA0] =	vst v29  }
0x13e: {  	v7 =	vadd.f32 v28, v7;
	v27 =	vmul.f32 v53, v12;
	v45 =	vadd.s32 $0x34, v14;
	v42 =	vld.idx.msk [tilespmem:v55+s11+$0x0], $0xffff  }
0x13f: {  	v46 =	vadd.s32 $0x35, v14;
	v53 =	vadd.f32 v23, v24;
	v34 =	vadd.f32 v50, v54;
	v44 =	vld.idx.msk [tilespmem:v57+s11+$0x0], $0xffff  }
0x140: {  	v20 =	vadd.f32 v17, v7;
	v27 =	vadd.f32 v51, v27;
	v48 =	vadd.s32 $0x32, v14;
	v32 =	vld.idx.msk [tilespmem:v58+s11+$0x0], $0xffff  }
0x141: {  	v7 =	vadd.s32 $0x2C, v14;
	v8 =	vmul.f32 v53, v8;
	v34 =	vmul.f32 v34, v11;
	v47 =	vld.idx.msk [tilespmem:v60+s11+$0x0], $0xffff  }
0x142: {  	v23 =	vadd.s32 $0x28, v14;
	v27 =	vmul.f32 v27, v12;
	v35 =	vld.idx.msk [tilespmem:v62+s11+$0x0], $0xffff  }
0x143: {  	v18 =	vadd.f32 v15, v8;
	v8 =	vadd.s32 $0x2E, v14;
	v34 =	vadd.f32 v56, v34;
	v37 =	vld.idx.msk [tilespmem:v45+s11+$0x0], $0xffff  }
0x144: {  	v43 =	vadd.s32 $0x37, v14;
	v38 =	vld.idx.msk [tilespmem:v46+s11+$0x0], $0xffff  }
0x145: {  	v27 =	vadd.f32 v59, v27;
	v56 =	vadd.s32 $0x30, v14;
	v34 =	vmul.f32 v34, v11;
	v26 =	vld.idx.msk [tilespmem:v48+s11+$0x0], $0xffff  }
0x146: {  	v16 =	vadd.s32 $0x2, v16;
	v55 =	vadd.s32 $0x33, v14;
	v28 =	vld.idx.msk [tilespmem:v7+s11+$0x0], $0xffff  }
0x147: {  	v50 =	vadd.s32 $0x26, v13;
	v27 =	vadd.f32 v63, v27;
	v23 =	vld.idx.msk [tilespmem:v23+s11+$0x0], $0xffff;
	v49 =	vadd.f32 v61, v34  }
0x148: {  	v52 =	vadd.s32 $0x24, v13;
	v51 =	vadd.s32 $0x27, v13;
	v54 =	vadd.s32 $0x25, v13;
	v31 =	vld.idx.msk [tilespmem:v8+s11+$0x0], $0xffff  }
0x149: {  	v58 =	vadd.s32 $0x31, v14;
	v62 =	vadd.s32 $0x2F, v14;
	v34 =	vld.idx.msk [tilespmem:v43+s11+$0x0], $0xffff;
	v27 =	vadd.f32 v27, v49  }
0x14a: {  	v48 =	vadd.s32 $0x2A, v14;
	v24 =	vld.idx.msk [tilespmem:v56+s11+$0x0], $0xffff;
	v57 =	vmul.f32 v42, v10;
	v61 =	vmul.f32 v44, v9  }
0x14b: {  	v7 =	vadd.s32 $0x20, v13;
	v8 =	vadd.s32 $0x2D, v14;
	v40 =	vld.idx.msk [tilespmem:v55+s11+$0x0], $0xffff;
	v44 =	vadd.s32 $0x22, v13;
	[tilespmem:s22+$0xFFFFE120] =	vst v27  }
0x14c: {  	v55 =	vadd.s32 $0x1E, v13;
	v30 =	vld.idx.msk [tilespmem:v50+s11+$0x0], $0xffff;
	v60 =	vadd.f32 v32, v57;
	v43 =	vadd.f32 v47, v61  }
0x14d: {  	v33 =	vld.idx.msk [tilespmem:v51+s11+$0x0], $0xffff;
	v47 =	vadd.s32 $0x23, v13;
	v50 =	vadd.s32 $0x10, v22;
	v22 =	vadd.s32 $0xFFFFFE1C, v22  }
0x14e: {  	v59 =	vld.idx.msk [tilespmem:v52+s11+$0x0], $0xffff;
	v52 =	vadd.s32 $0x21, v13;
	v57 =	vadd.s32 $0x1F, v13;
	v61 =	vadd.s32 $0x1D, v13  }
0x14f: {  	v29 =	vld.idx.msk [tilespmem:v62+s11+$0x0], $0xffff;
	vm15 =	vgt.s32 v50, $0x1F3;
	v25 =	vmul.f32 v60, v10;
	v41 =	vmul.f32 v43, v9  }
0x150: {  	v63 =	vld.idx.msk [tilespmem:v54+s11+$0x0], $0xffff;
	v27 =	vsel vm15, v22, v50;
	v53 =	vsel vm15, $0x1, v1;
	v60 =	vadd.s32 $0x1C, v13  }
0x151: {  	v32 =	vld.idx.msk [tilespmem:v58+s11+$0x0], $0xffff;
	v50 =	vadd.s32 $0x1B, v13;
	v21 =	vadd.s32 v53, v21;
	v56 =	vmul.u32 $0x199A, v27  }
0x152: {  	v7 =	vld.idx.msk [tilespmem:v7+s11+$0x0], $0xffff;
	v58 =	vmul.u32 $0x199A, v21;
	v25 =	vadd.f32 v35, v25;
	v34 =	vadd.f32 v34, v41  }
0x153: {  	v51 =	vld.idx.msk [tilespmem:v44+s11+$0x0], $0xffff;
	v45 =	vmul.f32 v30, v12;
	v46 =	vmul.f32 v33, v11;
	v22 =	vshra.s32 v56, $0xF  }
0x154: {  	v44 =	vld.idx.msk [tilespmem:v55+s11+$0x0], $0xffff;
	v33 =	vshra.s32 v58, $0xF;
	v62 =	vmul.u32 $0x3C, v22;
	v25 =	vmul.f32 v25, v10  }
0x155: {  	v54 =	vld.idx.msk [tilespmem:v47+s11+$0x0], $0xffff;
	v34 =	vmul.f32 v34, v9;
	v22 =	vmul.u32 $0x3, v22;
	v15 =	vadd.f32 v59, v45  }
0x156: {  	v49 =	vadd.f32 v63, v46;
	v63 =	vld.idx.msk [tilespmem:v52+s11+$0x0], $0xffff;
	v52 =	vadd.s32 $0x1A, v13;
	v53 =	vadd.s32 v3, v62  }
0x157: {  	v30 =	vld.idx.msk [tilespmem:v8+s11+$0x0], $0xffff;
	v25 =	vadd.f32 v37, v25;
	v34 =	vadd.f32 v38, v34;
	v8 =	vmul.f32 v15, v12  }
0x158: {  	v41 =	vld.idx.msk [tilespmem:v61+s11+$0x0], $0xffff;
	v62 =	vadd.s32 $0x18, v13;
	v22 =	vadd.s32 v4, v22;
	v59 =	vmul.f32 v49, v11  }
0x159: {  	v15 =	vld.idx.msk [tilespmem:v48+s11+$0x0], $0xffff;
	v48 =	vmul.u32 $0x1770, v33;
	v49 =	vadd.s32 $0x80, v6;
	v8 =	vadd.f32 v51, v8  }
0x15a: {  	v45 =	vld.idx.msk [tilespmem:v57+s11+$0x0], $0xffff;
	v25 =	vmul.f32 v25, v10;
	v34 =	vmul.f32 v34, v9;
	v43 =	vadd.f32 v54, v59  }
0x15b: {  	v55 =	vld.idx.msk [tilespmem:v60+s11+$0x0], $0xffff;
	v54 =	vadd.s32 $0x81, v6;
	v17 =	vadd.s32 v48, v53;
	v8 =	vmul.f32 v8, v12  }
0x15c: {  	v53 =	vld.idx.msk [tilespmem:v50+s11+$0x0], $0xffff;
	v56 =	vadd.s32 $0x12, v17;
	v25 =	vadd.f32 v26, v25;
	v26 =	vadd.f32 v40, v34  }
0x15d: {  	v33 =	vmul.u32 $0x12C, v33;
	v57 =	vadd.s32 $0x13, v17;
	v42 =	vld.idx.msk [tilespmem:v52+s11+$0x0], $0xffff;
	v7 =	vadd.f32 v7, v8  }
0x15e: {  	v58 =	vadd.s32 $0x10, v17;
	v51 =	vmul.f32 v26, v9;
	v26 =	vld.idx.msk [tilespmem:v16+s12+$0x0], $0xffff;
	v8 =	vmul.f32 v43, v11  }
0x15f: {  	v48 =	vadd.s32 $0x3A, v13;
	v60 =	vadd.s32 $0x11, v17;
	v59 =	vmul.f32 v7, v12;
	v7 =	vld.idx.msk [tilespmem:v49+s20+$0x0], $0xffff  }
0x160: {  	v22 =	vadd.s32 v33, v22;
	v52 =	vadd.s32 $0x19, v13;
	v39 =	vadd.f32 v63, v8;
	v8 =	vld.idx.msk [tilespmem:v54+s20+$0x0], $0xffff  }
0x161: {  	v50 =	vadd.s32 $0x5, v17;
	v25 =	vmul.f32 v25, v10;
	v32 =	vadd.f32 v32, v51;
	v36 =	vld.idx.msk [tilespmem:v56+s11+$0x0], $0xffff  }
0x162: {  	v51 =	vadd.s32 $0x32, v13;
	v43 =	vld.idx.msk [tilespmem:v57+s11+$0x0], $0xffff;
	v63 =	vadd.s32 $0xE, v17;
	v54 =	vadd.s32 $0xF, v17  }
0x163: {  	v46 =	vld.idx.msk [tilespmem:v58+s11+$0x0], $0xffff;
	v56 =	vadd.s32 $0x16, v13;
	v61 =	vadd.f32 v44, v59;
	v39 =	vmul.f32 v39, v11  }
0x164: {  	v37 =	vld.idx.msk [tilespmem:v60+s11+$0x0], $0xffff;
	v57 =	vadd.s32 $0xC, v17;
	v58 =	vadd.s32 $0x17, v13;
	v60 =	vadd.s32 $0x14, v13  }
0x165: {  	v32 =	vmul.f32 v32, v9;
	v44 =	vld.idx.msk [tilespmem:v62+s11+$0x0], $0xffff;
	v39 =	vadd.f32 v45, v39;
	v38 =	vmul.f32 v61, v12  }
0x166: {  	v59 =	vadd.s32 $0xD, v17;
	v62 =	vadd.s32 $0x15, v13;
	v45 =	vld.idx.msk [tilespmem:v52+s11+$0x0], $0xffff;
	v36 =	vmul.f32 v36, v7  }
0x167: {  	v47 =	vld.idx.msk [tilespmem:v63+s11+$0x0], $0xffff;
	v43 =	vmul.f32 v43, v8;
	v35 =	vadd.f32 v55, v38;
	v55 =	vmul.f32 v39, v11  }
0x168: {  	v29 =	vadd.f32 v29, v32;
	v61 =	vadd.s32 $0xA, v17;
	v40 =	vld.idx.msk [tilespmem:v54+s11+$0x0], $0xffff;
	v36 =	vadd.f32 v46, v36  }
0x169: {  	v63 =	vld.idx.msk [tilespmem:v57+s11+$0x0], $0xffff;
	v37 =	vadd.f32 v37, v43;
	v38 =	vadd.f32 v41, v55;
	v35 =	vmul.f32 v35, v12  }
0x16a: {  	v52 =	vadd.s32 $0xB, v17;
	v54 =	vld.idx.msk [tilespmem:v60+s11+$0x0], $0xffff;
	v57 =	vadd.s32 $0x9, v17;
	v36 =	vmul.f32 v36, v7  }
0x16b: {  	v39 =	vld.idx.msk [tilespmem:v56+s11+$0x0], $0xffff;
	v37 =	vmul.f32 v37, v8;
	v35 =	vadd.f32 v42, v35;
	v38 =	vmul.f32 v38, v11  }
0x16c: {  	v56 =	vadd.s32 $0x2B, v14;
	v46 =	vld.idx.msk [tilespmem:v59+s11+$0x0], $0xffff;
	v55 =	vadd.s32 $0x8, v17;
	v36 =	vadd.f32 v47, v36  }
0x16d: {  	v41 =	vld.idx.msk [tilespmem:v58+s11+$0x0], $0xffff;
	v37 =	vadd.f32 v40, v37;
	v34 =	vadd.f32 v53, v38;
	v35 =	vmul.f32 v35, v12  }
0x16e: {  	v58 =	vadd.f32 v24, v25;
	v42 =	vld.idx.msk [tilespmem:v61+s11+$0x0], $0xffff;
	v53 =	vadd.s32 $0x1, v19;
	v36 =	vmul.f32 v36, v7  }
0x16f: {  	v61 =	vld.idx.msk [tilespmem:v52+s11+$0x0], $0xffff;
	v37 =	vmul.f32 v37, v8;
	v35 =	vadd.f32 v44, v35;
	v34 =	vmul.f32 v34, v11  }
0x170: {  	v43 =	vld.idx.msk [tilespmem:v57+s11+$0x0], $0xffff;
	v57 =	vor.u32 $0x3, v17;
	v47 =	vadd.s32 $0x4, v17;
	v36 =	vadd.f32 v63, v36  }
0x171: {  	v25 =	vld.idx.msk [tilespmem:v56+s11+$0x0], $0xffff;
	v37 =	vadd.f32 v46, v37;
	v34 =	vadd.f32 v45, v34;
	v35 =	vmul.f32 v35, v12  }
0x172: {  	v14 =	vadd.s32 $0x29, v14;
	v38 =	vld.idx.msk [tilespmem:v62+s11+$0x0], $0xffff;
	v63 =	vadd.s32 $0x6, v17;
	v36 =	vmul.f32 v36, v7  }
0x173: {  	v40 =	vld.idx.msk [tilespmem:v55+s11+$0x0], $0xffff;
	v37 =	vmul.f32 v37, v8;
	v59 =	vadd.f32 v39, v35;
	v60 =	vmul.f32 v34, v11  }
0x174: {  	v52 =	vadd.s32 $0x3B, v13;
	v46 =	vadd.s32 $0x7, v17;
	v62 =	vld.idx.msk [tilespmem:v53+s12+$0x0], $0xffff;
	v36 =	vadd.f32 v42, v36  }
0x175: {  	v34 =	vadd.f32 v61, v37;
	v37 =	vld.idx.msk [tilespmem:v47+s11+$0x0], $0xffff;
	v41 =	vadd.f32 v41, v60;
	v24 =	vmul.f32 v59, v12  }
0x176: {  	v56 =	vadd.s32 $0x38, v13;
	v19 =	vadd.s32 $0x2, v19;
	v61 =	vld.idx.msk [tilespmem:v57+s11+$0x0], $0xffff;
	v36 =	vmul.f32 v36, v7  }
0x177: {  	v47 =	vld.idx.msk [tilespmem:v17+s11+$0x0], $0xffff;
	v59 =	vor.u32 $0x1, v17;
	v24 =	vadd.f32 v54, v24;
	v41 =	vmul.f32 v41, v11  }
0x178: {  	v39 =	vld.idx.msk [tilespmem:v63+s11+$0x0], $0xffff;
	v34 =	vmul.f32 v34, v8;
	v54 =	vor.u32 $0x2, v17;
	v49 =	vadd.f32 v40, v36  }
0x179: {  	v55 =	vmul.f32 v58, v10;
	v42 =	vld.idx.msk [tilespmem:v46+s11+$0x0], $0xffff;
	v38 =	vadd.f32 v38, v41;
	v35 =	vadd.f32 v62, v24  }
0x17a: {  	v58 =	vadd.s32 $0x39, v13;
	v45 =	vmul.f32 v29, v9;
	v53 =	vadd.f32 v43, v34;
	v36 =	vld.idx.msk [tilespmem:v50+s11+$0x0], $0xffff  }
0x17b: {  	v31 =	vadd.f32 v31, v55;
	v24 =	vld.idx.msk [tilespmem:v14+s11+$0x0], $0xffff;
	v14 =	vmul.f32 v49, v7;
	v35 =	vadd.f32 v35, v38  }
0x17c: {  	v55 =	vadd.s32 $0x30, v13;
	v29 =	vadd.f32 v30, v45;
	v16 =	vmul.f32 v53, v8;
	v49 =	vld.idx.msk [tilespmem:v59+s11+$0x0], $0xffff  }
0x17d: {  	v31 =	vmul.f32 v31, v10;
	v57 =	vadd.s32 $0x31, v13;
	v14 =	vadd.f32 v39, v14;
	v34 =	vld.idx.msk [tilespmem:v54+s11+$0x0], $0xffff;
	[tilespmem:s22+$0xFFFFFFB0] =	vst v35  }
0x17e: {  	v60 =	vadd.s32 $0x36, v13;
	v29 =	vmul.f32 v29, v9;
	v16 =	vadd.f32 v42, v16;
	v41 =	vld.idx.msk [tilespmem:v48+s11+$0x0], $0xffff  }
0x17f: {  	v63 =	vadd.s32 $0x37, v13;
	v53 =	vadd.s32 $0x33, v13;
	v38 =	vld.idx.msk [tilespmem:v52+s11+$0x0], $0xffff;
	v14 =	vmul.f32 v14, v7  }
0x180: {  	v46 =	vadd.s32 $0x34, v13;
	v25 =	vadd.f32 v25, v29;
	v35 =	vld.idx.msk [tilespmem:v56+s11+$0x0], $0xffff;
	v16 =	vmul.f32 v16, v8  }
0x181: {  	v40 =	vadd.f32 v28, v31;
	v62 =	vld.idx.msk [tilespmem:v58+s11+$0x0], $0xffff;
	v58 =	vadd.s32 $0x2E, v13;
	v14 =	vadd.f32 v37, v14  }
0x182: {  	v9 =	vmul.f32 v25, v9;
	v59 =	vadd.s32 $0x2F, v13;
	v52 =	vld.idx.msk [tilespmem:v22+s12+$0x0], $0xffff;
	v16 =	vadd.f32 v36, v16  }
0x183: {  	v40 =	vmul.f32 v40, v10;
	v48 =	vadd.s32 $0x35, v13;
	v32 =	vld.idx.msk [tilespmem:v60+s11+$0x0], $0xffff;
	v14 =	vmul.f32 v14, v7  }
0x184: {  	v42 =	vld.idx.msk [tilespmem:v53+s11+$0x0], $0xffff;
	v53 =	vadd.s32 $0x27, v17;
	v16 =	vmul.f32 v16, v8;
	v50 =	vmul.f32 v41, v12  }
0x185: {  	v54 =	vmul.f32 v38, v11;
	v38 =	vld.idx.msk [tilespmem:v55+s11+$0x0], $0xffff;
	v55 =	vadd.s32 $0x24, v17;
	v14 =	vadd.f32 v34, v14  }
0x186: {  	v16 =	vadd.f32 v61, v16;
	v61 =	vadd.s32 $0x2C, v13;
	v34 =	vld.idx.msk [tilespmem:v58+s11+$0x0], $0xffff;
	v58 =	vadd.s32 $0x25, v17  }
0x187: {  	v56 =	vld.idx.msk [tilespmem:v46+s11+$0x0], $0xffff;
	v28 =	vadd.f32 v35, v50;
	v33 =	vadd.f32 v62, v54;
	v14 =	vmul.f32 v14, v7  }
0x188: {  	v35 =	vld.idx.msk [tilespmem:v63+s11+$0x0], $0xffff;
	v62 =	vadd.s32 $0x2D, v13;
	v63 =	vadd.s32 $0x10, v27;
	v27 =	vadd.s32 $0xFFFFFE1C, v27  }
0x189: {  	v43 =	vld.idx.msk [tilespmem:v51+s11+$0x0], $0xffff;
	v50 =	vadd.s32 $0x2A, v13;
	v16 =	vmul.f32 v16, v8;
	v14 =	vadd.f32 v47, v14  }
0x18a: {  	v46 =	vld.idx.msk [tilespmem:v57+s11+$0x0], $0xffff;
	vm4 =	vgt.s32 v63, $0x1F3;
	v28 =	vmul.f32 v28, v12;
	v33 =	vmul.f32 v33, v11  }
0x18b: {  	v19 =	vld.idx.msk [tilespmem:v19+s12+$0x0], $0xffff;
	v16 =	vadd.f32 v49, v16;
	v14 =	vadd.f32 v52, v14;
	v52 =	vadd.s32 $0x26, v17  }
0x18c: {  	v37 =	vld.idx.msk [tilespmem:v48+s11+$0x0], $0xffff;
	v54 =	vsel vm4, $0x1, v1;
	v60 =	vadd.f32 v32, v28;
	v28 =	vsel vm4, v27, v63  }
0x18d: {  	v27 =	vadd.s32 v54, v21;
	v31 =	vld.idx.msk [tilespmem:v61+s11+$0x0], $0xffff;
	v61 =	vadd.s32 $0x23, v17;
	v14 =	vadd.f32 v14, v16  }
0x18e: {  	v32 =	vld.idx.msk [tilespmem:v59+s11+$0x0], $0xffff;
	v63 =	vadd.s32 $0x20, v17;
	v54 =	vadd.s32 $0x1D, v17;
	v57 =	vmul.u32 $0x199A, v28  }
0x18f: {  	v33 =	vadd.f32 v35, v33;
	v59 =	vmul.u32 $0x199A, v27;
	v30 =	vld.idx.msk [tilespmem:v62+s11+$0x0], $0xffff;
	v35 =	vadd.s32 $0x28, v13;
	[tilespmem:s22+$0xFFFFE130] =	vst v14  }
0x190: {  	v41 =	vmul.f32 v60, v12;
	v60 =	vadd.s32 $0x22, v17;
	v21 =	vshra.s32 v57, $0xF;
	v44 =	vld.idx.msk [tilespmem:v52+s11+$0x0], $0xffff  }
0x191: {  	v36 =	vshra.s32 v59, $0xF;
	v33 =	vmul.f32 v33, v11;
	v16 =	vmul.u32 $0x3C, v21;
	v62 =	vld.idx.msk [tilespmem:v53+s11+$0x0], $0xffff  }
0x192: {  	v57 =	vadd.s32 $0xA0, v6;
	v39 =	vadd.f32 v56, v41;
	v56 =	vmul.u32 $0x1770, v36;
	v49 =	vld.idx.msk [tilespmem:v55+s11+$0x0], $0xffff  }
0x193: {  	v21 =	vmul.u32 $0x3, v21;
	v37 =	vadd.f32 v37, v33;
	v16 =	vadd.s32 v3, v16;
	v51 =	vld.idx.msk [tilespmem:v58+s11+$0x0], $0xffff  }
0x194: {  	v33 =	vadd.f32 v15, v40;
	v52 =	vadd.s32 $0xA1, v6;
	v40 =	vld.idx.msk [tilespmem:v61+s11+$0x0], $0xffff;
	v16 =	vadd.s32 v56, v16  }
0x195: {  	v36 =	vmul.u32 $0x12C, v36;
	v39 =	vmul.f32 v39, v12;
	v54 =	vld.idx.msk [tilespmem:v54+s11+$0x0], $0xffff;
	v53 =	vadd.s32 $0x12, v16  }
0x196: {  	v61 =	vadd.s32 $0x21, v17;
	v55 =	vadd.s32 $0x14, v17;
	v48 =	vld.idx.msk [tilespmem:v60+s11+$0x0], $0xffff;
	v58 =	vadd.s32 $0x13, v16  }
0x197: {  	v59 =	vadd.f32 v43, v39;
	v39 =	vld.idx.msk [tilespmem:v63+s11+$0x0], $0xffff;
	v60 =	vadd.s32 $0x10, v16;
	v44 =	vmul.f32 v44, v7  }
0x198: {  	v21 =	vadd.s32 v4, v21;
	v37 =	vmul.f32 v37, v11;
	v56 =	vadd.s32 $0x1E, v17;
	v15 =	vld.idx.msk [tilespmem:v57+s20+$0x0], $0xffff  }
0x199: {  	v63 =	vadd.s32 $0x11, v16;
	v41 =	vmul.f32 v62, v8;
	v14 =	vld.idx.msk [tilespmem:v52+s20+$0x0], $0xffff;
	v44 =	vadd.f32 v49, v44  }
0x19a: {  	v10 =	vmul.f32 v33, v10;
	v37 =	vadd.f32 v42, v37;
	v62 =	vmul.f32 v59, v12;
	v57 =	vld.idx.msk [tilespmem:v53+s11+$0x0], $0xffff  }
0x19b: {  	v59 =	vadd.s32 $0x1F, v17;
	v41 =	vadd.f32 v51, v41;
	v42 =	vld.idx.msk [tilespmem:v58+s11+$0x0], $0xffff;
	v44 =	vmul.f32 v44, v7  }
0x19c: {  	v10 =	vadd.f32 v23, v10;
	v38 =	vadd.f32 v38, v62;
	v58 =	vadd.s32 $0xE, v16;
	v43 =	vld.idx.msk [tilespmem:v60+s11+$0x0], $0xffff  }
0x19d: {  	v60 =	vld.idx.msk [tilespmem:v61+s11+$0x0], $0xffff;
	v62 =	vadd.s32 $0x1C, v17;
	v41 =	vmul.f32 v41, v8;
	v44 =	vadd.f32 v48, v44  }
0x19e: {  	v21 =	vadd.s32 v36, v21;
	v37 =	vmul.f32 v37, v11;
	v61 =	vadd.s32 $0xF, v16;
	v63 =	vld.idx.msk [tilespmem:v63+s11+$0x0], $0xffff  }
0x19f: {  	v10 =	vadd.f32 v26, v10;
	v49 =	vld.idx.msk [tilespmem:v56+s11+$0x0], $0xffff;
	v40 =	vadd.f32 v40, v41;
	v44 =	vmul.f32 v44, v7  }
0x1a0: {  	v37 =	vadd.f32 v46, v37;
	v52 =	vld.idx.msk [tilespmem:v59+s11+$0x0], $0xffff;
	v51 =	vmul.f32 v57, v15;
	v57 =	vadd.s32 $0xC, v16  }
0x1a1: {  	v59 =	vadd.s32 $0x1A, v17;
	v45 =	vld.idx.msk [tilespmem:v58+s11+$0x0], $0xffff;
	v40 =	vmul.f32 v40, v8;
	v39 =	vadd.f32 v39, v44  }
0x1a2: {  	v42 =	vmul.f32 v42, v14;
	v58 =	vadd.s32 $0xD, v16;
	v41 =	vld.idx.msk [tilespmem:v62+s11+$0x0], $0xffff;
	v43 =	vadd.f32 v43, v51  }
0x1a3: {  	v62 =	vadd.s32 $0x1B, v17;
	v40 =	vadd.f32 v60, v40;
	v60 =	vld.idx.msk [tilespmem:v61+s11+$0x0], $0xffff;
	v39 =	vmul.f32 v39, v7  }
0x1a4: {  	v35 =	vld.idx.msk [tilespmem:v35+s11+$0x0], $0xffff;
	v42 =	vadd.f32 v63, v42;
	v61 =	vadd.s32 $0xA, v16;
	v43 =	vmul.f32 v43, v15  }
0x1a5: {  	v63 =	vadd.s32 $0xB, v16;
	v40 =	vmul.f32 v40, v8;
	v53 =	vld.idx.msk [tilespmem:v57+s11+$0x0], $0xffff;
	v39 =	vadd.f32 v49, v39  }
0x1a6: {  	v56 =	vadd.s32 $0x18, v17;
	v44 =	vld.idx.msk [tilespmem:v59+s11+$0x0], $0xffff;
	v42 =	vmul.f32 v42, v14;
	v43 =	vadd.f32 v45, v43  }
0x1a7: {  	v59 =	vadd.s32 $0x9, v16;
	v51 =	vld.idx.msk [tilespmem:v58+s11+$0x0], $0xffff;
	v40 =	vadd.f32 v52, v40;
	v39 =	vmul.f32 v39, v7  }
0x1a8: {  	v57 =	vadd.s32 $0x8, v16;
	v48 =	vld.idx.msk [tilespmem:v62+s11+$0x0], $0xffff;
	v42 =	vadd.f32 v60, v42;
	v43 =	vmul.f32 v43, v15  }
0x1a9: {  	v58 =	vadd.s32 $0x19, v17;
	v47 =	vld.idx.msk [tilespmem:v61+s11+$0x0], $0xffff;
	v40 =	vmul.f32 v40, v8;
	v39 =	vadd.f32 v41, v39  }
0x1aa: {  	v62 =	vadd.s32 $0x17, v17;
	v45 =	vld.idx.msk [tilespmem:v63+s11+$0x0], $0xffff;
	v43 =	vadd.f32 v53, v43;
	v42 =	vmul.f32 v42, v14  }
0x1ab: {  	v49 =	vld.idx.msk [tilespmem:v56+s11+$0x0], $0xffff;
	v60 =	vadd.s32 $0x16, v17;
	v40 =	vadd.f32 v54, v40;
	v39 =	vmul.f32 v39, v7  }
0x1ac: {  	v61 =	vadd.s32 $0x6, v16;
	v56 =	vld.idx.msk [tilespmem:v59+s11+$0x0], $0xffff;
	v42 =	vadd.f32 v51, v42;
	v43 =	vmul.f32 v43, v15  }
0x1ad: {  	v38 =	vmul.f32 v38, v12;
	v46 =	vld.idx.msk [tilespmem:v57+s11+$0x0], $0xffff;
	v40 =	vmul.f32 v40, v8;
	v39 =	vadd.f32 v44, v39  }
0x1ae: {  	v63 =	vadd.s32 $0x7, v16;
	v52 =	vld.idx.msk [tilespmem:v58+s11+$0x0], $0xffff;
	v43 =	vadd.f32 v47, v43;
	v42 =	vmul.f32 v42, v14  }
0x1af: {  	v58 =	vadd.s32 $0x15, v17;
	v59 =	vld.idx.msk [tilespmem:v62+s11+$0x0], $0xffff;
	v40 =	vadd.f32 v48, v40;
	v39 =	vmul.f32 v39, v7  }
0x1b0: {  	v57 =	vadd.s32 $0x4, v16;
	v41 =	vld.idx.msk [tilespmem:v60+s11+$0x0], $0xffff;
	v42 =	vadd.f32 v45, v42;
	v43 =	vmul.f32 v43, v15  }
0x1b1: {  	v51 =	vld.idx.msk [tilespmem:v61+s11+$0x0], $0xffff;
	v61 =	vadd.s32 $0x1, v22;
	v40 =	vmul.f32 v40, v8;
	v39 =	vadd.f32 v49, v39  }
0x1b2: {  	v62 =	vld.idx.msk [tilespmem:v55+s11+$0x0], $0xffff;
	v60 =	vadd.s32 $0x5, v16;
	v43 =	vadd.f32 v46, v43;
	v42 =	vmul.f32 v42, v14  }
0x1b3: {  	v37 =	vmul.f32 v37, v11;
	v47 =	vld.idx.msk [tilespmem:v63+s11+$0x0], $0xffff;
	v40 =	vadd.f32 v52, v40;
	v39 =	vmul.f32 v39, v7  }
0x1b4: {  	v63 =	vor.u32 $0x2, v16;
	v48 =	vld.idx.msk [tilespmem:v58+s11+$0x0], $0xffff;
	v42 =	vadd.f32 v56, v42;
	v43 =	vmul.f32 v43, v15  }
0x1b5: {  	v34 =	vadd.f32 v34, v38;
	v45 =	vld.idx.msk [tilespmem:v57+s11+$0x0], $0xffff;
	v40 =	vmul.f32 v40, v8;
	v39 =	vadd.f32 v41, v39  }
0x1b6: {  	v58 =	vld.idx.msk [tilespmem:v61+s12+$0x0], $0xffff;
	v56 =	vor.u32 $0x3, v16;
	v43 =	vadd.f32 v51, v43;
	v42 =	vmul.f32 v42, v14  }
0x1b7: {  	v54 =	vadd.s32 $0x2B, v13;
	v57 =	vld.idx.msk [tilespmem:v60+s11+$0x0], $0xffff;
	v40 =	vadd.f32 v59, v40;
	v39 =	vmul.f32 v39, v7  }
0x1b8: {  	v32 =	vadd.f32 v32, v37;
	v55 =	vld.idx.msk [tilespmem:v21+s12+$0x0], $0xffff;
	v42 =	vadd.f32 v47, v42;
	v43 =	vmul.f32 v43, v15  }
0x1b9: {  	v13 =	vadd.s32 $0x29, v13;
	v44 =	vld.idx.msk [tilespmem:v63+s11+$0x0], $0xffff;
	v61 =	vadd.f32 v62, v39;
	v62 =	vmul.f32 v40, v8  }
0x1ba: {  	v49 =	vld.idx.msk [tilespmem:v50+s11+$0x0], $0xffff;
	v59 =	vor.u32 $0x1, v16;
	v60 =	vadd.f32 v45, v43;
	v42 =	vmul.f32 v42, v14  }
0x1bb: {  	v52 =	vadd.s32 $0x3A, v17;
	v63 =	vld.idx.msk [tilespmem:v56+s11+$0x0], $0xffff;
	v39 =	vadd.f32 v48, v62;
	v38 =	vadd.f32 v58, v61  }
0x1bc: {  	v50 =	vld.idx.msk [tilespmem:v54+s11+$0x0], $0xffff;
	v54 =	vadd.s32 $0x3B, v17;
	v41 =	vadd.f32 v57, v42;
	v36 =	vmul.f32 v60, v15  }
0x1bd: {  	v34 =	vmul.f32 v34, v12;
	v51 =	vld.idx.msk [tilespmem:v16+s11+$0x0], $0xffff;
	v56 =	vadd.s32 $0x38, v17;
	v38 =	vadd.f32 v38, v39  }
0x1be: {  	v13 =	vld.idx.msk [tilespmem:v13+s11+$0x0], $0xffff;
	v57 =	vadd.s32 $0x39, v17;
	v36 =	vadd.f32 v44, v36;
	v41 =	vmul.f32 v41, v14  }
0x1bf: {  	v32 =	vmul.f32 v32, v11;
	v31 =	vadd.f32 v31, v34;
	v53 =	vld.idx.msk [tilespmem:v59+s11+$0x0], $0xffff;
	v58 =	vadd.s32 $0x36, v17;
	[tilespmem:s22+$0xFFFFFFC0] =	vst v38  }
0x1c0: {  	v59 =	vadd.s32 $0x37, v17;
	v40 =	vadd.f32 v63, v41;
	v36 =	vmul.f32 v36, v15;
	v41 =	vld.idx.msk [tilespmem:v52+s11+$0x0], $0xffff  }
0x1c1: {  	v26 =	vadd.s32 $0x28, v17;
	v30 =	vadd.f32 v30, v32;
	v31 =	vmul.f32 v31, v12;
	v39 =	vld.idx.msk [tilespmem:v54+s11+$0x0], $0xffff  }
0x1c2: {  	v63 =	vadd.s32 $0x34, v17;
	v36 =	vadd.f32 v51, v36;
	v40 =	vmul.f32 v40, v14;
	v44 =	vld.idx.msk [tilespmem:v56+s11+$0x0], $0xffff  }
0x1c3: {  	v30 =	vmul.f32 v30, v11;
	v31 =	vadd.f32 v49, v31;
	v37 =	vld.idx.msk [tilespmem:v57+s11+$0x0], $0xffff;
	v51 =	vadd.s32 $0x32, v17  }
0x1c4: {  	v60 =	vadd.s32 $0x26, v16;
	v38 =	vld.idx.msk [tilespmem:v58+s11+$0x0], $0xffff;
	v40 =	vadd.f32 v53, v40;
	v36 =	vadd.f32 v55, v36  }
0x1c5: {  	v30 =	vadd.f32 v50, v30;
	v12 =	vmul.f32 v31, v12;
	v61 =	vadd.s32 $0x27, v16;
	v46 =	vld.idx.msk [tilespmem:v59+s11+$0x0], $0xffff  }
0x1c6: {  	v9 =	vadd.f32 v24, v9;
	v62 =	vadd.s32 $0x24, v16;
	v26 =	vld.idx.msk [tilespmem:v26+s11+$0x0], $0xffff;
	v36 =	vadd.f32 v36, v40  }
0x1c7: {  	v11 =	vmul.f32 v30, v11;
	v12 =	vadd.f32 v35, v12;
	v53 =	vadd.s32 $0x33, v17;
	v35 =	vld.idx.msk [tilespmem:v63+s11+$0x0], $0xffff  }
0x1c8: {  	v10 =	vadd.f32 v10, v9;
	v47 =	vadd.s32 $0x35, v17;
	v54 =	vadd.s32 $0x30, v17;
	v34 =	vld.idx.msk [tilespmem:v51+s11+$0x0], $0xffff;
	[tilespmem:s22+$0xFFFFE140] =	vst v36  }
0x1c9: {  	v13 =	vadd.f32 v13, v11;
	v12 =	vadd.f32 v19, v12;
	v36 =	vadd.s32 $0x25, v16;
	v48 =	vld.idx.msk [tilespmem:v60+s11+$0x0], $0xffff  }
0x1ca: {  	v57 =	vadd.s32 $0x31, v17;
	v40 =	vmul.f32 v41, v7;
	v39 =	vmul.f32 v39, v8;
	v49 =	vld.idx.msk [tilespmem:v61+s11+$0x0], $0xffff  }
0x1cb: {  	v50 =	vadd.s32 $0x22, v16;
	v11 =	vadd.f32 v20, v18;
	v9 =	vadd.f32 v12, v13;
	v52 =	vld.idx.msk [tilespmem:v62+s11+$0x0], $0xffff  }
0x1cc: {  	v31 =	vld.idx.msk [tilespmem:v53+s11+$0x0], $0xffff;
	v53 =	vadd.s32 $0x1E, v16;
	v40 =	vadd.f32 v44, v40;
	v37 =	vadd.f32 v37, v39  }
0x1cd: {  	v56 =	vadd.s32 $0x23, v16;
	v59 =	vadd.s32 $0x2E, v17;
	v63 =	vadd.s32 $0x2C, v17;
	v30 =	vld.idx.msk [tilespmem:v54+s11+$0x0], $0xffff  }
0x1ce: {  	v62 =	vadd.s32 $0x20, v16;
	v40 =	vmul.f32 v40, v7;
	v37 =	vmul.f32 v37, v8;
	v29 =	vld.idx.msk [tilespmem:v36+s11+$0x0], $0xffff  }
0x1cf: {  	v20 =	vld.idx.msk [tilespmem:v57+s11+$0x0], $0xffff;
	v54 =	vadd.s32 $0xFFFFFE1C, v28;
	v60 =	vadd.s32 $0x2F, v17;
	v55 =	vmul.f32 v48, v15  }
0x1d0: {  	v58 =	vld.idx.msk [tilespmem:v50+s11+$0x0], $0xffff;
	v38 =	vadd.f32 v38, v40;
	v37 =	vadd.f32 v46, v37;
	v23 =	vmul.f32 v49, v14  }
0x1d1: {  	v49 =	vadd.s32 $0x21, v16;
	v42 =	vld.idx.msk [tilespmem:v53+s11+$0x0], $0xffff;
	v53 =	vadd.s32 $0x18, v16;
	v18 =	vadd.f32 v52, v55  }
0x1d2: {  	v48 =	vld.idx.msk [tilespmem:v56+s11+$0x0], $0xffff;
	v38 =	vmul.f32 v38, v7;
	v52 =	vadd.s32 $0x10, v28;
	v55 =	vadd.s32 $0x1F, v16  }
0x1d3: {  	v57 =	vld.idx.msk [tilespmem:v62+s11+$0x0], $0xffff;
	vm5 =	vgt.s32 v52, $0x1F3;
	v61 =	vadd.f32 v29, v23;
	v18 =	vmul.f32 v18, v15  }
0x1d4: {  	v25 =	vsel vm5, v54, v52;
	v56 =	vsel vm5, $0x1, v1;
	v23 =	vld.idx.msk [tilespmem:v63+s11+$0x0], $0xffff;
	v63 =	vadd.s32 $0x1A, v16  }
0x1d5: {  	v29 =	vld.idx.msk [tilespmem:v59+s11+$0x0], $0xffff;
	v52 =	vadd.s32 $0x1B, v16;
	v24 =	vadd.s32 v56, v27;
	v59 =	vmul.u32 $0x199A, v25  }
0x1d6: {  	v19 =	vld.idx.msk [tilespmem:v60+s11+$0x0], $0xffff;
	v50 =	vadd.f32 v58, v18;
	v51 =	vmul.f32 v61, v14;
	v62 =	vmul.u32 $0x199A, v24  }
0x1d7: {  	v60 =	vld.idx.msk [tilespmem:v49+s11+$0x0], $0xffff;
	v58 =	vadd.s32 $0x1C, v16;
	v61 =	vadd.s32 $0x1D, v16;
	v33 =	vshra.s32 v59, $0xF  }
0x1d8: {  	v36 =	vld.idx.msk [tilespmem:v47+s11+$0x0], $0xffff;
	v13 =	vadd.f32 v48, v51;
	v12 =	vmul.f32 v50, v15;
	v32 =	vshra.s32 v62, $0xF  }
0x1d9: {  	v37 =	vmul.f32 v37, v8;
	v28 =	vld.idx.msk [tilespmem:v55+s11+$0x0], $0xffff;
	v18 =	vmul.u32 $0x3C, v33;
	v54 =	vmul.u32 $0x1770, v32  }
0x1da: {  	v44 =	vld.idx.msk [tilespmem:v63+s11+$0x0], $0xffff;
	v63 =	vadd.s32 $0x16, v16;
	v13 =	vmul.f32 v13, v14;
	v12 =	vadd.f32 v57, v12  }
0x1db: {  	v55 =	vadd.s32 $0x19, v16;
	v39 =	vld.idx.msk [tilespmem:v52+s11+$0x0], $0xffff;
	v18 =	vadd.s32 v3, v18;
	v57 =	vadd.s32 $0xC0, v6  }
0x1dc: {  	v43 =	vld.idx.msk [tilespmem:v58+s11+$0x0], $0xffff;
	v18 =	vadd.s32 v54, v18;
	v13 =	vadd.f32 v60, v13;
	v12 =	vmul.f32 v12, v15  }
0x1dd: {  	v35 =	vadd.f32 v35, v38;
	v37 =	vadd.f32 v36, v37;
	v56 =	vld.idx.msk [tilespmem:v61+s11+$0x0], $0xffff;
	v58 =	vadd.s32 $0x12, v18  }
0x1de: {  	v60 =	vadd.s32 $0x10, v18;
	v13 =	vmul.f32 v13, v14;
	v12 =	vadd.f32 v42, v12;
	v42 =	vld.idx.msk [tilespmem:v53+s11+$0x0], $0xffff  }
0x1df: {  	v22 =	vadd.s32 $0x2, v22;
	v35 =	vmul.f32 v35, v7;
	v61 =	vadd.s32 $0x13, v18;
	v36 =	vld.idx.msk [tilespmem:v63+s11+$0x0], $0xffff  }
0x1e0: {  	v37 =	vmul.f32 v37, v8;
	v59 =	vadd.s32 $0xC1, v6;
	v13 =	vadd.f32 v28, v13;
	v28 =	vld.idx.msk [tilespmem:v55+s11+$0x0], $0xffff  }
0x1e1: {  	v46 =	vadd.s32 $0x39, v16;
	v54 =	vadd.s32 $0x11, v18;
	v62 =	vmul.f32 v12, v15;
	v12 =	vld.idx.msk [tilespmem:v57+s20+$0x0], $0xffff  }
0x1e2: {  	v34 =	vadd.f32 v34, v35;
	v31 =	vadd.f32 v31, v37;
	v55 =	vadd.s32 $0xE, v18;
	v53 =	vld.idx.msk [tilespmem:v58+s11+$0x0], $0xffff  }
0x1e3: {  	v57 =	vadd.s32 $0x14, v16;
	v47 =	vld.idx.msk [tilespmem:v60+s11+$0x0], $0xffff;
	v52 =	vmul.f32 v13, v14;
	v40 =	vadd.f32 v43, v62  }
0x1e4: {  	v33 =	vmul.u32 $0x3, v33;
	v50 =	vadd.s32 $0x36, v16;
	v45 =	vld.idx.msk [tilespmem:v61+s11+$0x0], $0xffff;
	v62 =	vadd.s32 $0x15, v16  }
0x1e5: {  	v13 =	vld.idx.msk [tilespmem:v59+s20+$0x0], $0xffff;
	v27 =	vadd.f32 v56, v52;
	v56 =	vadd.s32 $0x17, v16;
	v40 =	vmul.f32 v40, v15  }
0x1e6: {  	v34 =	vmul.f32 v34, v7;
	v58 =	vadd.s32 $0xF, v18;
	v60 =	vld.idx.msk [tilespmem:v54+s11+$0x0], $0xffff;
	v61 =	vadd.s32 $0xC, v18  }
0x1e7: {  	v43 =	vld.idx.msk [tilespmem:v55+s11+$0x0], $0xffff;
	v27 =	vmul.f32 v27, v14;
	v40 =	vadd.f32 v44, v40;
	v59 =	vmul.f32 v53, v12  }
0x1e8: {  	v30 =	vadd.f32 v30, v34;
	v63 =	vadd.s32 $0x1, v21;
	v54 =	vadd.s32 $0xD, v18;
	v38 =	vld.idx.msk [tilespmem:v57+s11+$0x0], $0xffff  }
0x1e9: {  	v27 =	vadd.f32 v39, v27;
	v40 =	vmul.f32 v40, v15;
	v44 =	vadd.f32 v47, v59;
	v39 =	vld.idx.msk [tilespmem:v62+s11+$0x0], $0xffff  }
0x1ea: {  	v48 =	vor.u32 $0x3, v18;
	v45 =	vmul.f32 v45, v13;
	v62 =	vadd.s32 $0x8, v18;
	v41 =	vld.idx.msk [tilespmem:v56+s11+$0x0], $0xffff  }
0x1eb: {  	v56 =	vadd.s32 $0xA, v18;
	v40 =	vadd.f32 v42, v40;
	v55 =	vmul.f32 v44, v12;
	v44 =	vld.idx.msk [tilespmem:v58+s11+$0x0], $0xffff  }
0x1ec: {  	v57 =	vadd.s32 $0x2D, v17;
	v59 =	vld.idx.msk [tilespmem:v61+s11+$0x0], $0xffff;
	v27 =	vmul.f32 v27, v14;
	v58 =	vadd.f32 v60, v45  }
0x1ed: {  	v47 =	vld.idx.msk [tilespmem:v54+s11+$0x0], $0xffff;
	v60 =	vadd.s32 $0x2A, v17;
	v40 =	vmul.f32 v40, v15;
	v42 =	vadd.f32 v43, v55  }
0x1ee: {  	v61 =	vadd.s32 $0xB, v18;
	v27 =	vadd.f32 v28, v27;
	v43 =	vld.idx.msk [tilespmem:v63+s12+$0x0], $0xffff;
	v28 =	vmul.f32 v58, v13  }
0x1ef: {  	v30 =	vmul.f32 v30, v7;
	v62 =	vld.idx.msk [tilespmem:v62+s11+$0x0], $0xffff;
	v40 =	vadd.f32 v36, v40;
	v42 =	vmul.f32 v42, v12  }
0x1f0: {  	v63 =	vadd.s32 $0x2B, v17;
	v27 =	vmul.f32 v27, v14;
	v56 =	vld.idx.msk [tilespmem:v56+s11+$0x0], $0xffff;
	v28 =	vadd.f32 v44, v28  }
0x1f1: {  	v52 =	vadd.s32 $0x7, v18;
	v36 =	vld.idx.msk [tilespmem:v57+s11+$0x0], $0xffff;
	v40 =	vmul.f32 v40, v15;
	v42 =	vadd.f32 v59, v42  }
0x1f2: {  	v57 =	vadd.s32 $0x9, v18;
	v35 =	vld.idx.msk [tilespmem:v60+s11+$0x0], $0xffff;
	v27 =	vadd.f32 v41, v27;
	v28 =	vmul.f32 v28, v13  }
0x1f3: {  	v60 =	vadd.s32 $0x6, v18;
	v59 =	vld.idx.msk [tilespmem:v61+s11+$0x0], $0xffff;
	v38 =	vadd.f32 v38, v40;
	v58 =	vmul.f32 v42, v12  }
0x1f4: {  	v27 =	vmul.f32 v27, v14;
	v42 =	vadd.f32 v29, v30;
	v29 =	vld.idx.msk [tilespmem:v22+s12+$0x0], $0xffff;
	v61 =	vadd.f32 v47, v28  }
0x1f5: {  	v17 =	vadd.s32 $0x29, v17;
	v28 =	vld.idx.msk [tilespmem:v63+s11+$0x0], $0xffff;
	v63 =	vadd.s32 $0x3A, v16;
	v40 =	vadd.f32 v56, v58  }
0x1f6: {  	v30 =	vld.idx.msk [tilespmem:v48+s11+$0x0], $0xffff;
	v27 =	vadd.f32 v39, v27;
	v38 =	vadd.f32 v43, v38;
	v39 =	vmul.f32 v61, v13  }
0x1f7: {  	v32 =	vmul.u32 $0x12C, v32;
	v53 =	vadd.s32 $0x4, v18;
	v44 =	vld.idx.msk [tilespmem:v57+s11+$0x0], $0xffff;
	v40 =	vmul.f32 v40, v12  }
0x1f8: {  	v55 =	vld.idx.msk [tilespmem:v60+s11+$0x0], $0xffff;
	v56 =	vadd.s32 $0x3B, v16;
	v38 =	vadd.f32 v38, v27;
	v39 =	vadd.f32 v59, v39  }
0x1f9: {  	v60 =	vadd.s32 $0x5, v18;
	v42 =	vmul.f32 v42, v7;
	v61 =	vld.idx.msk [tilespmem:v52+s11+$0x0], $0xffff;
	v57 =	vadd.f32 v62, v40  }
0x1fa: {  	v31 =	vmul.f32 v31, v8;
	v54 =	vadd.s32 $0x38, v16;
	v27 =	vld.idx.msk [tilespmem:v17+s11+$0x0], $0xffff;
	[tilespmem:s22+$0xFFFFFFD0] =	vst v38;
	v59 =	vmul.f32 v39, v13  }
0x1fb: {  	v23 =	vadd.f32 v23, v42;
	v62 =	vor.u32 $0x2, v18;
	v58 =	vld.idx.msk [tilespmem:v63+s11+$0x0], $0xffff;
	v37 =	vmul.f32 v57, v12  }
0x1fc: {  	v51 =	vadd.s32 v4, v33;
	v48 =	vadd.s32 $0x2E, v16;
	v63 =	vld.idx.msk [tilespmem:v53+s11+$0x0], $0xffff;
	v38 =	vadd.f32 v44, v59  }
0x1fd: {  	v23 =	vmul.f32 v23, v7;
	v17 =	vld.idx.msk [tilespmem:v56+s11+$0x0], $0xffff;
	v53 =	vor.u32 $0x1, v18;
	v37 =	vadd.f32 v55, v37  }
0x1fe: {  	v49 =	vld.idx.msk [tilespmem:v60+s11+$0x0], $0xffff;
	v56 =	vadd.s32 $0x34, v16;
	v60 =	vadd.s32 $0x30, v16;
	v47 =	vmul.f32 v38, v13  }
0x1ff: {  	v45 =	vld.idx.msk [tilespmem:v54+s11+$0x0], $0xffff;
	v57 =	vadd.s32 $0x35, v16;
	v44 =	vadd.f32 v20, v31;
	v37 =	vmul.f32 v37, v12  }
0x200: {  	v20 =	vadd.s32 v32, v51;
	v59 =	vadd.s32 $0x32, v16;
	v41 =	vld.idx.msk [tilespmem:v62+s11+$0x0], $0xffff;
	v40 =	vadd.f32 v61, v47  }
0x201: {  	v31 =	vld.idx.msk [tilespmem:v46+s11+$0x0], $0xffff;
	v46 =	vadd.s32 $0x33, v16;
	v55 =	vadd.s32 $0x37, v16;
	v52 =	vadd.f32 v63, v37  }
0x202: {  	v32 =	vld.idx.msk [tilespmem:v48+s11+$0x0], $0xffff;
	v62 =	vadd.s32 $0x10, v25;
	v44 =	vmul.f32 v44, v8;
	v54 =	vmul.f32 v40, v13  }
0x203: {  	v25 =	vadd.s32 $0xFFFFFE1C, v25;
	v34 =	vmul.f32 v58, v15;
	v58 =	vld.idx.msk [tilespmem:v18+s11+$0x0], $0xffff;
	v33 =	vmul.f32 v52, v12  }
0x204: {  	v17 =	vmul.f32 v17, v14;
	vm6 =	vgt.s32 v62, $0x1F3;
	v38 =	vld.idx.msk [tilespmem:v57+s11+$0x0], $0xffff;
	v22 =	vadd.f32 v49, v54  }
0x205: {  	v47 =	vadd.s32 $0x31, v16;
	v25 =	vsel vm6, v25, v62;
	v37 =	vld.idx.msk [tilespmem:v53+s11+$0x0], $0xffff;
	v33 =	vadd.f32 v41, v33  }
0x206: {  	v43 =	vadd.f32 v45, v34;
	v61 =	vld.idx.msk [tilespmem:v20+s12+$0x0], $0xffff;
	v57 =	vmul.u32 $0x199A, v25;
	v22 =	vmul.f32 v22, v13  }
0x207: {  	v17 =	vadd.f32 v31, v17;
	v52 =	vld.idx.msk [tilespmem:v56+s11+$0x0], $0xffff;
	v56 =	vsel vm6, $0x1, v1;
	v33 =	vmul.f32 v33, v12  }
0x208: {  	v45 =	vld.idx.msk [tilespmem:v50+s11+$0x0], $0xffff;
	v39 =	vshra.s32 v57, $0xF;
	v57 =	vmul.f32 v43, v15;
	v22 =	vadd.f32 v30, v22  }
0x209: {  	v50 =	vld.idx.msk [tilespmem:v59+s11+$0x0], $0xffff;
	v24 =	vadd.s32 v56, v24;
	v63 =	vadd.f32 v58, v33;
	v58 =	vadd.s32 $0x2F, v16  }
0x20a: {  	v46 =	vld.idx.msk [tilespmem:v46+s11+$0x0], $0xffff;
	v54 =	vadd.s32 $0x2C, v16;
	v59 =	vmul.u32 $0x199A, v24;
	v22 =	vmul.f32 v22, v13  }
0x20b: {  	v34 =	vld.idx.msk [tilespmem:v60+s11+$0x0], $0xffff;
	v60 =	vmul.u32 $0x3C, v39;
	v30 =	vadd.f32 v61, v63;
	v63 =	vadd.s32 $0xE0, v6  }
0x20c: {  	v51 =	vld.idx.msk [tilespmem:v55+s11+$0x0], $0xffff;
	v40 =	vshra.s32 v59, $0xF;
	v22 =	vadd.f32 v37, v22;
	v37 =	vadd.s32 $0x26, v18  }
0x20d: {  	v41 =	vadd.f32 v45, v57;
	v33 =	vld.idx.msk [tilespmem:v47+s11+$0x0], $0xffff;
	v47 =	vadd.s32 $0x27, v18;
	v61 =	vmul.u32 $0x1770, v40  }
0x20e: {  	v56 =	vadd.s32 v3, v60;
	v57 =	vadd.s32 $0x22, v18;
	v62 =	vadd.f32 v30, v22;
	v31 =	vld.idx.msk [tilespmem:v58+s11+$0x0], $0xffff  }
0x20f: {  	v41 =	vmul.f32 v41, v15;
	v58 =	vadd.s32 $0xE1, v6;
	v22 =	vadd.s32 v61, v56;
	v30 =	vld.idx.msk [tilespmem:v54+s11+$0x0], $0xffff  }
0x210: {  	v44 =	vadd.f32 v19, v44;
	v17 =	vmul.f32 v17, v14;
	v59 =	vadd.s32 $0x12, v22;
	[tilespmem:s22+$0xFFFFE150] =	vst v62;
	v19 =	vld.idx.msk [tilespmem:v63+s20+$0x0], $0xffff  }
0x211: {  	v35 =	vadd.f32 v35, v23;
	v41 =	vadd.f32 v52, v41;
	v60 =	vadd.s32 $0x13, v22;
	v45 =	vld.idx.msk [tilespmem:v37+s11+$0x0], $0xffff  }
0x212: {  	v17 =	vadd.f32 v51, v17;
	v49 =	vadd.s32 $0x10, v22;
	v47 =	vld.idx.msk [tilespmem:v47+s11+$0x0], $0xffff  }
0x213: {  	v7 =	vmul.f32 v35, v7;
	v61 =	vadd.s32 $0x24, v18;
	v56 =	vmul.f32 v41, v15;
	v41 =	vld.idx.msk [tilespmem:v57+s11+$0x0], $0xffff  }
0x214: {  	v44 =	vmul.f32 v44, v8;
	v51 =	vmul.f32 v17, v14;
	v62 =	vadd.s32 $0x11, v22;
	v17 =	vld.idx.msk [tilespmem:v58+s20+$0x0], $0xffff  }
0x215: {  	v7 =	vadd.f32 v26, v7;
	v63 =	vadd.s32 $0x25, v18;
	v48 =	vld.idx.msk [tilespmem:v59+s11+$0x0], $0xffff  }
0x216: {  	v36 =	vadd.f32 v36, v44;
	v38 =	vadd.f32 v38, v51;
	v51 =	vadd.s32 $0xE, v22;
	v44 =	vld.idx.msk [tilespmem:v60+s11+$0x0], $0xffff  }
0x217: {  	v21 =	vadd.s32 $0x2, v21;
	v57 =	vadd.s32 $0x21, v18;
	v49 =	vld.idx.msk [tilespmem:v49+s11+$0x0], $0xffff  }
0x218: {  	v7 =	vadd.f32 v29, v7;
	v36 =	vmul.f32 v36, v8;
	v42 =	vld.idx.msk [tilespmem:v61+s11+$0x0], $0xffff;
	v58 =	vadd.s32 $0xF, v22  }
0x219: {  	v40 =	vmul.u32 $0x12C, v40;
	v38 =	vmul.f32 v38, v14;
	v59 =	vadd.s32 $0x23, v18;
	v43 =	vld.idx.msk [tilespmem:v62+s11+$0x0], $0xffff  }
0x21a: {  	v23 =	vadd.f32 v50, v56;
	v61 =	vadd.s32 $0xC, v22;
	v60 =	vld.idx.msk [tilespmem:v63+s11+$0x0], $0xffff;
	v48 =	vmul.f32 v48, v19  }
0x21b: {  	v51 =	vld.idx.msk [tilespmem:v51+s11+$0x0], $0xffff;
	v63 =	vadd.s32 $0x20, v18;
	v62 =	vmul.f32 v45, v12;
	v56 =	vmul.f32 v47, v13  }
0x21c: {  	v47 =	vld.idx.msk [tilespmem:v57+s11+$0x0], $0xffff;
	v44 =	vmul.f32 v44, v17;
	v48 =	vadd.f32 v49, v48;
	v49 =	vadd.s32 $0xD, v22  }
0x21d: {  	v38 =	vadd.f32 v46, v38;
	v54 =	vmul.f32 v23, v15;
	v23 =	vadd.f32 v42, v62;
	v53 =	vld.idx.msk [tilespmem:v58+s11+$0x0], $0xffff  }
0x21e: {  	v50 =	vld.idx.msk [tilespmem:v59+s11+$0x0], $0xffff;
	v59 =	vadd.s32 $0xA, v22;
	v43 =	vadd.f32 v43, v44;
	v58 =	vmul.f32 v48, v19  }
0x21f: {  	v52 =	vld.idx.msk [tilespmem:v61+s11+$0x0], $0xffff;
	v42 =	vadd.f32 v60, v56;
	v23 =	vmul.f32 v23, v12;
	v60 =	vadd.s32 $0x1E, v18  }
0x220: {  	v61 =	vadd.s32 $0xB, v22;
	v45 =	vld.idx.msk [tilespmem:v63+s11+$0x0], $0xffff;
	v43 =	vmul.f32 v43, v17;
	v44 =	vadd.f32 v51, v58  }
0x221: {  	v57 =	vadd.s32 $0x1C, v18;
	v23 =	vadd.f32 v41, v23;
	v62 =	vmul.f32 v42, v13;
	v49 =	vld.idx.msk [tilespmem:v49+s11+$0x0], $0xffff  }
0x222: {  	v56 =	vadd.s32 $0x8, v22;
	v43 =	vadd.f32 v53, v43;
	v44 =	vmul.f32 v44, v19  }
0x223: {  	v63 =	vadd.s32 $0x1F, v18;
	v41 =	vadd.f32 v50, v62;
	v23 =	vmul.f32 v23, v12;
	v48 =	vld.idx.msk [tilespmem:v59+s11+$0x0], $0xffff  }
0x224: {  	v46 =	vld.idx.msk [tilespmem:v60+s11+$0x0], $0xffff;
	v58 =	vadd.s32 $0x9, v22;
	v43 =	vmul.f32 v43, v17;
	v44 =	vadd.f32 v52, v44  }
0x225: {  	v59 =	vadd.s32 $0x1D, v18;
	v62 =	vadd.s32 $0x7, v22;
	v51 =	vld.idx.msk [tilespmem:v61+s11+$0x0], $0xffff;
	v23 =	vadd.f32 v45, v23  }
0x226: {  	v50 =	vld.idx.msk [tilespmem:v57+s11+$0x0], $0xffff;
	v60 =	vadd.s32 $0x6, v22;
	v43 =	vadd.f32 v49, v43;
	v44 =	vmul.f32 v44, v19  }
0x227: {  	v61 =	vadd.s32 $0x1A, v18;
	v53 =	vld.idx.msk [tilespmem:v56+s11+$0x0], $0xffff;
	v41 =	vmul.f32 v41, v13;
	v23 =	vmul.f32 v23, v12  }
0x228: {  	v57 =	vadd.s32 $0x18, v18;
	v42 =	vld.idx.msk [tilespmem:v63+s11+$0x0], $0xffff;
	v44 =	vadd.f32 v48, v44;
	v43 =	vmul.f32 v43, v17  }
0x229: {  	v63 =	vadd.s32 $0x1B, v18;
	v41 =	vadd.f32 v47, v41;
	v23 =	vadd.f32 v46, v23;
	v52 =	vld.idx.msk [tilespmem:v58+s11+$0x0], $0xffff  }
0x22a: {  	v56 =	vadd.s32 $0x4, v22;
	v45 =	vld.idx.msk [tilespmem:v59+s11+$0x0], $0xffff;
	v43 =	vadd.f32 v51, v43;
	v44 =	vmul.f32 v44, v19  }
0x22b: {  	v59 =	vadd.s32 $0x19, v18;
	v41 =	vmul.f32 v41, v13;
	v49 =	vld.idx.msk [tilespmem:v60+s11+$0x0], $0xffff;
	v23 =	vmul.f32 v23, v12  }
0x22c: {  	v47 =	vld.idx.msk [tilespmem:v61+s11+$0x0], $0xffff;
	v58 =	vadd.s32 $0x5, v22;
	v44 =	vadd.f32 v53, v44;
	v43 =	vmul.f32 v43, v17  }
0x22d: {  	v61 =	vadd.s32 $0x16, v18;
	v41 =	vadd.f32 v42, v41;
	v48 =	vld.idx.msk [tilespmem:v62+s11+$0x0], $0xffff;
	v23 =	vadd.f32 v50, v23  }
0x22e: {  	v46 =	vld.idx.msk [tilespmem:v63+s11+$0x0], $0xffff;
	v60 =	vor.u32 $0x2, v22;
	v43 =	vadd.f32 v52, v43;
	v44 =	vmul.f32 v44, v19  }
0x22f: {  	v62 =	vor.u32 $0x3, v22;
	v41 =	vmul.f32 v41, v13;
	v51 =	vld.idx.msk [tilespmem:v56+s11+$0x0], $0xffff;
	v23 =	vmul.f32 v23, v12  }
0x230: {  	v42 =	vld.idx.msk [tilespmem:v57+s11+$0x0], $0xffff;
	v56 =	vmul.u32 $0x3, v39;
	v44 =	vadd.f32 v49, v44;
	v43 =	vmul.f32 v43, v17  }
0x231: {  	v63 =	vadd.s32 $0x17, v18;
	v57 =	vld.idx.msk [tilespmem:v58+s11+$0x0], $0xffff;
	v41 =	vadd.f32 v45, v41;
	v47 =	vadd.f32 v47, v23  }
0x232: {  	v50 =	vld.idx.msk [tilespmem:v59+s11+$0x0], $0xffff;
	v23 =	vadd.s32 v4, v56;
	v43 =	vadd.f32 v48, v43;
	v44 =	vmul.f32 v44, v19  }
0x233: {  	v38 =	vmul.f32 v38, v14;
	v58 =	vld.idx.msk [tilespmem:v60+s11+$0x0], $0xffff;
	v41 =	vmul.f32 v41, v13;
	v23 =	vadd.s32 v40, v23  }
0x234: {  	v59 =	vor.u32 $0x1, v22;
	v45 =	vld.idx.msk [tilespmem:v61+s11+$0x0], $0xffff;
	v60 =	vadd.f32 v51, v44;
	v43 =	vmul.f32 v43, v17  }
0x235: {  	v37 =	vadd.s32 $0x28, v16;
	v41 =	vadd.f32 v46, v41;
	v61 =	vmul.f32 v47, v12;
	v47 =	vld.idx.msk [tilespmem:v62+s11+$0x0], $0xffff  }
0x236: {  	v33 =	vadd.f32 v33, v38;
	v49 =	vld.idx.msk [tilespmem:v63+s11+$0x0], $0xffff;
	v39 =	vadd.f32 v57, v43;
	v40 =	vmul.f32 v60, v19  }
0x237: {  	v62 =	vadd.s32 $0x15, v18;
	v63 =	vld.idx.msk [tilespmem:v22+s11+$0x0], $0xffff;
	v42 =	vadd.f32 v42, v61;
	v41 =	vmul.f32 v41, v13  }
0x238: {  	v61 =	vadd.s32 $0x2B, v16;
	v60 =	vld.idx.msk [tilespmem:v23+s12+$0x0], $0xffff;
	v40 =	vadd.f32 v58, v40;
	v39 =	vmul.f32 v39, v17  }
0x239: {  	v34 =	vadd.f32 v34, v54;
	v41 =	vadd.f32 v50, v41;
	v44 =	vadd.s32 $0x14, v18;
	v58 =	vld.idx.msk [tilespmem:v59+s11+$0x0], $0xffff  }
0x23a: {  	v21 =	vld.idx.msk [tilespmem:v21+s12+$0x0], $0xffff;
	v43 =	vadd.s32 $0x1, v20;
	v39 =	vadd.f32 v47, v39;
	v40 =	vmul.f32 v40, v19  }
0x23b: {  	v37 =	vld.idx.msk [tilespmem:v37+s11+$0x0], $0xffff;
	v34 =	vmul.f32 v34, v15;
	v41 =	vmul.f32 v41, v13;
	v57 =	vadd.s32 $0x2D, v16  }
0x23c: {  	v62 =	vld.idx.msk [tilespmem:v62+s11+$0x0], $0xffff;
	v59 =	vadd.s32 $0x2A, v16;
	v40 =	vadd.f32 v63, v40;
	v39 =	vmul.f32 v39, v17  }
0x23d: {  	v42 =	vmul.f32 v42, v12;
	v41 =	vadd.f32 v49, v41;
	v49 =	vld.idx.msk [tilespmem:v61+s11+$0x0], $0xffff;
	v16 =	vadd.s32 $0x29, v16  }
0x23e: {  	v44 =	vld.idx.msk [tilespmem:v44+s11+$0x0], $0xffff;
	v63 =	vadd.s32 $0x26, v22;
	v39 =	vadd.f32 v58, v39;
	v40 =	vadd.f32 v60, v40  }
0x23f: {  	v33 =	vmul.f32 v33, v14;
	v52 =	vadd.s32 $0x27, v22;
	v42 =	vadd.f32 v45, v42;
	v43 =	vld.idx.msk [tilespmem:v43+s12+$0x0], $0xffff  }
0x240: {  	v32 =	vadd.f32 v32, v34;
	v53 =	vadd.s32 $0x24, v22;
	v46 =	vld.idx.msk [tilespmem:v57+s11+$0x0], $0xffff;
	v39 =	vadd.f32 v40, v39  }
0x241: {  	v28 =	vadd.f32 v28, v36;
	v55 =	vadd.s32 $0x25, v22;
	v42 =	vmul.f32 v42, v12;
	v47 =	vld.idx.msk [tilespmem:v59+s11+$0x0], $0xffff  }
0x242: {  	v31 =	vadd.f32 v31, v33;
	v32 =	vmul.f32 v32, v15;
	v16 =	vld.idx.msk [tilespmem:v16+s11+$0x0], $0xffff;
	v60 =	vadd.s32 $0x22, v22;
	[tilespmem:s22+$0xFFFFE160] =	vst v39  }
0x243: {  	v48 =	vadd.s32 $0x20, v22;
	v41 =	vmul.f32 v41, v13;
	v42 =	vadd.f32 v44, v42;
	v58 =	vld.idx.msk [tilespmem:v63+s11+$0x0], $0xffff  }
0x244: {  	v54 =	vadd.s32 $0x3A, v18;
	v30 =	vadd.f32 v30, v32;
	v51 =	vadd.s32 $0x21, v22;
	v59 =	vld.idx.msk [tilespmem:v52+s11+$0x0], $0xffff  }
0x245: {  	v31 =	vmul.f32 v31, v14;
	v41 =	vadd.f32 v62, v41;
	v42 =	vadd.f32 v43, v42;
	v62 =	vld.idx.msk [tilespmem:v53+s11+$0x0], $0xffff  }
0x246: {  	v8 =	vmul.f32 v28, v8;
	v30 =	vmul.f32 v30, v15;
	v57 =	vadd.s32 $0x3B, v18;
	v36 =	vld.idx.msk [tilespmem:v55+s11+$0x0], $0xffff  }
0x247: {  	v61 =	vadd.s32 $0x38, v18;
	v31 =	vadd.f32 v46, v31;
	v56 =	vadd.f32 v42, v41;
	v35 =	vld.idx.msk [tilespmem:v60+s11+$0x0], $0xffff  }
0x248: {  	v8 =	vadd.f32 v27, v8;
	v50 =	vadd.s32 $0x36, v18;
	v44 =	vadd.s32 $0x39, v18;
	v40 =	vld.idx.msk [tilespmem:v48+s11+$0x0], $0xffff  }
0x249: {  	v30 =	vadd.f32 v47, v30;
	v31 =	vmul.f32 v31, v14;
	v63 =	vadd.s32 $0x23, v22;
	v39 =	vld.idx.msk [tilespmem:v51+s11+$0x0], $0xffff;
	[tilespmem:s22+$0xFFFFFFE0] =	vst v56  }
0x24a: {  	v47 =	vadd.s32 $0x2E, v18;
	v52 =	vadd.s32 $0x37, v18;
	v55 =	vadd.s32 $0x34, v18;
	v26 =	vld.idx.msk [tilespmem:v54+s11+$0x0], $0xffff  }
0x24b: {  	v60 =	vadd.s32 $0x32, v18;
	v51 =	vadd.s32 $0x1B, v22;
	v29 =	vld.idx.msk [tilespmem:v57+s11+$0x0], $0xffff;
	v45 =	vmul.f32 v58, v19  }
0x24c: {  	v56 =	vadd.s32 $0x1F, v22;
	v31 =	vadd.f32 v49, v31;
	v15 =	vmul.f32 v30, v15;
	v34 =	vld.idx.msk [tilespmem:v61+s11+$0x0], $0xffff  }
0x24d: {  	v33 =	vld.idx.msk [tilespmem:v44+s11+$0x0], $0xffff;
	v54 =	vadd.s32 $0x1E, v22;
	v28 =	vmul.f32 v59, v17;
	v38 =	vadd.f32 v62, v45  }
0x24e: {  	v49 =	vadd.s32 $0x2F, v18;
	v15 =	vadd.f32 v37, v15;
	v14 =	vmul.f32 v31, v14;
	v27 =	vld.idx.msk [tilespmem:v63+s11+$0x0], $0xffff  }
0x24f: {  	v32 =	vld.idx.msk [tilespmem:v50+s11+$0x0], $0xffff;
	v57 =	vadd.s32 $0x35, v18;
	v28 =	vadd.f32 v36, v28;
	v53 =	vmul.f32 v38, v19  }
0x250: {  	v41 =	vld.idx.msk [tilespmem:v52+s11+$0x0], $0xffff;
	v59 =	vadd.s32 $0x1C, v22;
	v14 =	vadd.f32 v16, v14;
	v15 =	vadd.f32 v21, v15  }
0x251: {  	v63 =	vadd.s32 $0x33, v18;
	v31 =	vld.idx.msk [tilespmem:v60+s11+$0x0], $0xffff;
	v28 =	vmul.f32 v28, v17;
	v35 =	vadd.f32 v35, v53  }
0x252: {  	v21 =	vadd.f32 v7, v8;
	v7 =	vadd.s32 $0x30, v18;
	v52 =	vadd.s32 $0x18, v22;
	v61 =	vld.idx.msk [tilespmem:v54+s11+$0x0], $0xffff  }
0x253: {  	v62 =	vadd.s32 $0x1D, v22;
	v36 =	vld.idx.msk [tilespmem:v56+s11+$0x0], $0xffff;
	v27 =	vadd.f32 v27, v28;
	v58 =	vmul.f32 v35, v19  }
0x254: {  	v42 =	vld.idx.msk [tilespmem:v57+s11+$0x0], $0xffff;
	v45 =	vadd.s32 $0x1A, v22;
	v15 =	vadd.f32 v15, v14;
	v29 =	vmul.f32 v29, v13  }
0x255: {  	v26 =	vmul.f32 v26, v12;
	v38 =	vld.idx.msk [tilespmem:v55+s11+$0x0], $0xffff;
	v27 =	vmul.f32 v27, v17;
	v28 =	vadd.f32 v40, v58  }
0x256: {  	v54 =	vadd.s32 $0x2D, v18;
	v56 =	vadd.s32 $0x19, v22;
	v29 =	vadd.f32 v33, v29;
	v8 =	vld.idx.msk [tilespmem:v59+s11+$0x0], $0xffff  }
0x257: {  	v55 =	vadd.s32 $0x10, v25;
	v33 =	vld.idx.msk [tilespmem:v7+s11+$0x0], $0xffff;
	v27 =	vadd.f32 v39, v27;
	v28 =	vmul.f32 v28, v19  }
0x258: {  	v57 =	vadd.s32 $0xFFFFFE1C, v25;
	v34 =	vadd.f32 v34, v26;
	vm7 =	vgt.s32 v55, $0x1F3;
	v60 =	vld.idx.msk [tilespmem:v52+s11+$0x0], $0xffff  }
0x259: {  	v53 =	vadd.s32 $0x2C, v18;
	v48 =	vld.idx.msk [tilespmem:v62+s11+$0x0], $0xffff;
	v27 =	vmul.f32 v27, v17;
	v28 =	vadd.f32 v61, v28  }
0x25a: {  	v52 =	vadd.s32 $0x17, v22;
	v25 =	vsel vm7, v57, v55;
	v59 =	vsel vm7, $0x1, v1;
	v50 =	vld.idx.msk [tilespmem:v45+s11+$0x0], $0xffff  }
0x25b: {  	v55 =	vadd.s32 $0x15, v22;
	v35 =	vld.idx.msk [tilespmem:v47+s11+$0x0], $0xffff;
	v27 =	vadd.f32 v36, v27;
	v28 =	vmul.f32 v28, v19  }
0x25c: {  	v57 =	vadd.s32 $0x1, v23;
	v34 =	vmul.f32 v34, v12;
	v29 =	vmul.f32 v29, v13;
	v39 =	vld.idx.msk [tilespmem:v63+s11+$0x0], $0xffff  }
0x25d: {  	v24 =	vadd.s32 v59, v24;
	v58 =	vld.idx.msk [tilespmem:v51+s11+$0x0], $0xffff;
	v7 =	vadd.f32 v8, v28;
	v8 =	vmul.f32 v27, v17  }
0x25e: {  	v62 =	vmul.u32 $0x199A, v25;
	v32 =	vadd.f32 v32, v34;
	v29 =	vadd.f32 v41, v29;
	v47 =	vld.idx.msk [tilespmem:v53+s11+$0x0], $0xffff  }
0x25f: {  	v61 =	vadd.s32 $0x16, v22;
	v27 =	vld.idx.msk [tilespmem:v54+s11+$0x0], $0xffff;
	v8 =	vadd.f32 v48, v8;
	v7 =	vmul.f32 v7, v19  }
0x260: {  	v16 =	vshra.s32 v62, $0xF;
	v40 =	vadd.s32 $0x2A, v18;
	v53 =	vmul.u32 $0x199A, v24;
	v54 =	vld.idx.msk [tilespmem:v56+s11+$0x0], $0xffff  }
0x261: {  	v63 =	vadd.s32 $0x14, v22;
	v28 =	vld.idx.msk [tilespmem:v55+s11+$0x0], $0xffff;
	v7 =	vadd.f32 v50, v7;
	v8 =	vmul.f32 v8, v17  }
0x262: {  	v30 =	vshra.s32 v53, $0xF;
	v56 =	vmul.u32 $0x3C, v16;
	v55 =	vld.idx.msk [tilespmem:v57+s12+$0x0], $0xffff;
	v57 =	vadd.s32 $0x2B, v18  }
0x263: {  	v43 =	vld.idx.msk [tilespmem:v49+s11+$0x0], $0xffff;
	v7 =	vmul.f32 v7, v19;
	v8 =	vadd.f32 v58, v8;
	v58 =	vmul.u32 $0x1770, v30  }
0x264: {  	v62 =	vadd.s32 $0x101, v6;
	v29 =	vmul.f32 v29, v13;
	v59 =	vld.idx.msk [tilespmem:v61+s11+$0x0], $0xffff;
	v49 =	vadd.s32 v3, v56  }
0x265: {  	v26 =	vld.idx.msk [tilespmem:v40+s11+$0x0], $0xffff;
	v7 =	vadd.f32 v60, v7;
	v60 =	vadd.s32 $0x100, v6;
	v14 =	vadd.s32 v58, v49  }
0x266: {  	v29 =	vadd.f32 v42, v29;
	v45 =	vld.idx.msk [tilespmem:v63+s11+$0x0], $0xffff;
	v8 =	vmul.f32 v8, v17;
	v63 =	vadd.s32 $0x12, v14  }
0x267: {  	v32 =	vmul.f32 v32, v12;
	v61 =	vld.idx.msk [tilespmem:v52+s11+$0x0], $0xffff;
	v56 =	vadd.s32 $0x10, v14;
	v7 =	vmul.f32 v7, v19  }
0x268: {  	v53 =	vmul.f32 v29, v13;
	v29 =	vld.idx.msk [tilespmem:v57+s11+$0x0], $0xffff;
	v8 =	vadd.f32 v54, v8;
	v54 =	vadd.s32 $0x13, v14  }
0x269: {  	v46 =	vadd.s32 $0x31, v18;
	v37 =	vadd.f32 v59, v7;
	v7 =	vld.idx.msk [tilespmem:v62+s20+$0x0], $0xffff  }
0x26a: {  	v32 =	vadd.f32 v38, v32;
	v58 =	vmul.f32 v8, v17;
	v59 =	vadd.s32 $0x11, v14;
	v8 =	vld.idx.msk [tilespmem:v60+s20+$0x0], $0xffff  }
0x26b: {  	v20 =	vadd.s32 $0x2, v20;
	v57 =	vadd.s32 $0xC, v14;
	v48 =	vld.idx.msk [tilespmem:v63+s11+$0x0], $0xffff  }
0x26c: {  	v23 =	vadd.s32 $0x2, v23;
	v32 =	vmul.f32 v32, v12;
	v62 =	vadd.s32 $0xE, v14;
	v40 =	vld.idx.msk [tilespmem:v56+s11+$0x0], $0xffff  }
0x26d: {  	v60 =	vadd.s32 $0x28, v18;
	v49 =	vadd.f32 v61, v58;
	v37 =	vmul.f32 v37, v19;
	v61 =	vld.idx.msk [tilespmem:v54+s11+$0x0], $0xffff  }
0x26e: {  	v51 =	vadd.s32 $0x36, v22;
	v36 =	vld.idx.msk [tilespmem:v46+s11+$0x0], $0xffff;
	v31 =	vadd.f32 v31, v32;
	v54 =	vadd.s32 $0xF, v14  }
0x26f: {  	v63 =	vadd.s32 $0x29, v18;
	v50 =	vadd.f32 v45, v37;
	v52 =	vmul.f32 v49, v17;
	v46 =	vld.idx.msk [tilespmem:v59+s11+$0x0], $0xffff  }
0x270: {  	v39 =	vadd.f32 v39, v53;
	v49 =	vld.idx.msk [tilespmem:v57+s11+$0x0], $0xffff;
	v59 =	vadd.s32 $0xD, v14;
	v56 =	vmul.f32 v48, v8  }
0x271: {  	v42 =	vld.idx.msk [tilespmem:v62+s11+$0x0], $0xffff;
	v28 =	vadd.f32 v28, v52;
	v34 =	vadd.f32 v55, v50;
	v55 =	vadd.s32 $0x3A, v22  }
0x272: {  	v58 =	vadd.s32 $0x3B, v22;
	v18 =	vld.idx.msk [tilespmem:v60+s11+$0x0], $0xffff;
	v38 =	vmul.f32 v61, v7;
	v32 =	vadd.f32 v40, v56  }
0x273: {  	v31 =	vmul.f32 v31, v12;
	v60 =	vadd.s32 $0x38, v22;
	v34 =	vadd.f32 v34, v28;
	v41 =	vld.idx.msk [tilespmem:v54+s11+$0x0], $0xffff  }
0x274: {  	v28 =	vld.idx.msk [tilespmem:v63+s11+$0x0], $0xffff;
	v61 =	vadd.s32 $0xA, v14;
	v38 =	vadd.f32 v46, v38;
	v32 =	vmul.f32 v32, v8  }
0x275: {  	v53 =	vadd.s32 $0x37, v22;
	v16 =	vmul.u32 $0x3, v16;
	v31 =	vadd.f32 v33, v31;
	[tilespmem:s22+$0xFFFFFFF0] =	vst v34;
	v40 =	vld.idx.msk [tilespmem:v59+s11+$0x0], $0xffff  }
0x276: {  	v50 =	vadd.s32 $0xB, v14;
	v37 =	vld.idx.msk [tilespmem:v55+s11+$0x0], $0xffff;
	v38 =	vmul.f32 v38, v7;
	v32 =	vadd.f32 v42, v32  }
0x277: {  	v39 =	vmul.f32 v39, v13;
	v16 =	vadd.s32 v4, v16;
	v31 =	vmul.f32 v31, v12;
	v45 =	vld.idx.msk [tilespmem:v58+s11+$0x0], $0xffff  }
0x278: {  	v52 =	vadd.s32 $0x8, v14;
	v34 =	vld.idx.msk [tilespmem:v60+s11+$0x0], $0xffff;
	v38 =	vadd.f32 v41, v38;
	v32 =	vmul.f32 v32, v8  }
0x279: {  	v31 =	vadd.f32 v35, v31;
	v62 =	vadd.f32 v36, v39;
	v63 =	vadd.s32 $0x39, v22;
	v54 =	vld.idx.msk [tilespmem:v61+s11+$0x0], $0xffff  }
0x27a: {  	v55 =	vadd.s32 $0x9, v14;
	v46 =	vld.idx.msk [tilespmem:v51+s11+$0x0], $0xffff;
	v38 =	vmul.f32 v38, v7;
	v32 =	vadd.f32 v49, v32  }
0x27b: {  	v31 =	vmul.f32 v31, v12;
	v33 =	vmul.f32 v62, v13;
	v62 =	vadd.s32 $0x33, v22;
	v42 =	vld.idx.msk [tilespmem:v50+s11+$0x0], $0xffff  }
0x27c: {  	v57 =	vadd.s32 $0x6, v14;
	v35 =	vld.idx.msk [tilespmem:v53+s11+$0x0], $0xffff;
	v38 =	vadd.f32 v40, v38;
	v32 =	vmul.f32 v32, v8  }
0x27d: {  	v31 =	vadd.f32 v47, v31;
	v56 =	vadd.s32 $0x34, v22;
	v41 =	vld.idx.msk [tilespmem:v52+s11+$0x0], $0xffff;
	v37 =	vmul.f32 v37, v19  }
0x27e: {  	v59 =	vadd.s32 $0x7, v14;
	v36 =	vld.idx.msk [tilespmem:v63+s11+$0x0], $0xffff;
	v38 =	vmul.f32 v38, v7;
	v32 =	vadd.f32 v54, v32  }
0x27f: {  	v33 =	vadd.f32 v43, v33;
	v60 =	vadd.s32 $0x32, v22;
	v39 =	vld.idx.msk [tilespmem:v55+s11+$0x0], $0xffff;
	v34 =	vadd.f32 v34, v37  }
0x280: {  	v51 =	vld.idx.msk [tilespmem:v62+s11+$0x0], $0xffff;
	v61 =	vadd.s32 $0x4, v14;
	v38 =	vadd.f32 v42, v38;
	v32 =	vmul.f32 v32, v8  }
0x281: {  	v58 =	vadd.s32 $0x35, v22;
	v45 =	vmul.f32 v45, v17;
	v40 =	vld.idx.msk [tilespmem:v57+s11+$0x0], $0xffff;
	v34 =	vmul.f32 v34, v19  }
0x282: {  	v63 =	vadd.s32 $0x5, v14;
	v44 =	vld.idx.msk [tilespmem:v56+s11+$0x0], $0xffff;
	v38 =	vmul.f32 v38, v7;
	v32 =	vadd.f32 v41, v32  }
0x283: {  	v53 =	vadd.s32 $0x2E, v22;
	v43 =	vld.idx.msk [tilespmem:v59+s11+$0x0], $0xffff;
	v36 =	vadd.f32 v36, v45;
	v34 =	vadd.f32 v46, v34  }
0x284: {  	v47 =	vld.idx.msk [tilespmem:v60+s11+$0x0], $0xffff;
	v49 =	vor.u32 $0x2, v14;
	v38 =	vadd.f32 v39, v38;
	v32 =	vmul.f32 v32, v8  }
0x285: {  	v48 =	vadd.s32 $0x30, v22;
	v36 =	vmul.f32 v36, v17;
	v42 =	vld.idx.msk [tilespmem:v61+s11+$0x0], $0xffff;
	v34 =	vmul.f32 v34, v19  }
0x286: {  	v52 =	vor.u32 $0x3, v14;
	v37 =	vld.idx.msk [tilespmem:v58+s11+$0x0], $0xffff;
	v38 =	vmul.f32 v38, v7;
	v32 =	vadd.f32 v40, v32  }
0x287: {  	v50 =	vadd.s32 $0x31, v22;
	v35 =	vadd.f32 v35, v36;
	v41 =	vld.idx.msk [tilespmem:v63+s11+$0x0], $0xffff;
	v34 =	vadd.f32 v44, v34  }
0x288: {  	v30 =	vmul.u32 $0x12C, v30;
	v58 =	vld.idx.msk [tilespmem:v53+s11+$0x0], $0xffff;
	v38 =	vadd.f32 v43, v38;
	v32 =	vmul.f32 v32, v8  }
0x289: {  	v54 =	vor.u32 $0x1, v14;
	v35 =	vmul.f32 v35, v17;
	v39 =	vld.idx.msk [tilespmem:v49+s11+$0x0], $0xffff;
	v34 =	vmul.f32 v34, v19  }
0x28a: {  	v16 =	vadd.s32 v30, v16;
	v46 =	vld.idx.msk [tilespmem:v48+s11+$0x0], $0xffff;
	v56 =	vmul.f32 v38, v7;
	v55 =	vadd.f32 v42, v32  }
0x28b: {  	v31 =	vmul.f32 v31, v12;
	v57 =	vld.idx.msk [tilespmem:v52+s11+$0x0], $0xffff;
	v35 =	vadd.f32 v37, v35;
	v34 =	vadd.f32 v47, v34  }
0x28c: {  	v33 =	vmul.f32 v33, v13;
	v36 =	vld.idx.msk [tilespmem:v50+s11+$0x0], $0xffff;
	v32 =	vadd.f32 v41, v56;
	v30 =	vmul.f32 v55, v8  }
0x28d: {  	v59 =	vadd.s32 $0x2F, v22;
	v61 =	vld.idx.msk [tilespmem:v14+s11+$0x0], $0xffff;
	v35 =	vmul.f32 v35, v17;
	v34 =	vmul.f32 v34, v19  }
0x28e: {  	v60 =	vadd.s32 $0x2C, v22;
	v63 =	vld.idx.msk [tilespmem:v54+s11+$0x0], $0xffff;
	v32 =	vmul.f32 v32, v7;
	v30 =	vadd.f32 v39, v30  }
0x28f: {  	v62 =	vadd.s32 $0x2D, v22;
	v49 =	vld.idx.msk [tilespmem:v16+s12+$0x0], $0xffff;
	v35 =	vadd.f32 v51, v35;
	v34 =	vadd.f32 v46, v34  }
0x290: {  	v20 =	vld.idx.msk [tilespmem:v20+s12+$0x0], $0xffff;
	v48 =	vadd.s32 $0x2A, v22;
	v32 =	vadd.f32 v57, v32;
	v30 =	vmul.f32 v30, v8  }
0x291: {  	v23 =	vld.idx.msk [tilespmem:v23+s12+$0x0], $0xffff;
	v50 =	vadd.s32 $0x2B, v22;
	v35 =	vmul.f32 v35, v17;
	v34 =	vmul.f32 v34, v19  }
0x292: {  	v40 =	vld.idx.msk [tilespmem:v59+s11+$0x0], $0xffff;
	v51 =	vadd.s32 $0x28, v22;
	v32 =	vmul.f32 v32, v7;
	v30 =	vadd.f32 v61, v30  }
0x293: {  	v22 =	vadd.s32 $0x29, v22;
	v41 =	vld.idx.msk [tilespmem:v60+s11+$0x0], $0xffff;
	v35 =	vadd.f32 v36, v35;
	v34 =	vadd.f32 v58, v34  }
0x294: {  	v52 =	vld.idx.msk [tilespmem:v62+s11+$0x0], $0xffff;
	v54 =	vadd.s32 $0x26, v14;
	v32 =	vadd.f32 v63, v32;
	v30 =	vadd.f32 v49, v30  }
0x295: {  	v27 =	vadd.f32 v27, v33;
	v53 =	vld.idx.msk [tilespmem:v48+s11+$0x0], $0xffff;
	v56 =	vadd.s32 $0x27, v14;
	v35 =	vmul.f32 v35, v17  }
0x296: {  	v55 =	vld.idx.msk [tilespmem:v50+s11+$0x0], $0xffff;
	v57 =	vadd.s32 $0x24, v14;
	v34 =	vmul.f32 v34, v19;
	v30 =	vadd.f32 v30, v32  }
0x297: {  	v26 =	vadd.f32 v26, v31;
	v27 =	vmul.f32 v27, v13;
	v59 =	vadd.s32 $0x25, v14;
	v37 =	vld.idx.msk [tilespmem:v51+s11+$0x0], $0xffff  }
0x298: {  	v60 =	vadd.s32 $0x22, v14;
	v22 =	vld.idx.msk [tilespmem:v22+s11+$0x0], $0xffff;
	v58 =	vadd.f32 v40, v35;
	v34 =	vadd.f32 v41, v34;
	[tilespmem:s22+$0xFFFFE170] =	vst v30  }
0x299: {  	v12 =	vmul.f32 v26, v12;
	v27 =	vadd.f32 v29, v27;
	v61 =	vadd.s32 $0x23, v14;
	v39 =	vld.idx.msk [tilespmem:v54+s11+$0x0], $0xffff  }
0x29a: {  	v33 =	vmul.f32 v58, v17;
	v63 =	vadd.s32 $0x20, v14;
	v62 =	vmul.f32 v34, v19;
	v34 =	vld.idx.msk [tilespmem:v56+s11+$0x0], $0xffff  }
0x29b: {  	v12 =	vadd.f32 v18, v12;
	v13 =	vmul.f32 v27, v13;
	v44 =	vadd.s32 $0x21, v14;
	v32 =	vld.idx.msk [tilespmem:v57+s11+$0x0], $0xffff  }
0x29c: {  	v46 =	vadd.s32 $0x1E, v14;
	v43 =	vadd.f32 v52, v33;
	v45 =	vadd.f32 v53, v62;
	v31 =	vld.idx.msk [tilespmem:v59+s11+$0x0], $0xffff  }
0x29d: {  	v20 =	vadd.f32 v20, v12;
	v28 =	vadd.f32 v28, v13;
	v48 =	vadd.s32 $0x1F, v14;
	v29 =	vld.idx.msk [tilespmem:v60+s11+$0x0], $0xffff  }
0x29e: {  	[tilespmem:s22+$0x1E30] =	vst v10;
	v50 =	vadd.s32 $0x1C, v14;
	v47 =	vmul.f32 v43, v17;
	v49 =	vmul.f32 v45, v19;
	v19 =	vld.idx.msk [tilespmem:v61+s11+$0x0], $0xffff  }
0x29f: {  	[tilespmem:s22+$0x1E40] =	vst v9;
	v10 =	vadd.s32 $0x15, v14;
	v9 =	vadd.f32 v20, v28;
	v52 =	vadd.s32 $0x1D, v14;
	v27 =	vld.idx.msk [tilespmem:v63+s11+$0x0], $0xffff  }
0x2a0: {  	v58 =	vadd.s32 $0x19, v14;
	v51 =	vadd.f32 v55, v47;
	v53 =	vadd.s32 $0x1A, v14;
	v33 =	vld.idx.msk [tilespmem:v44+s11+$0x0], $0xffff  }
0x2a1: {  	v55 =	vadd.s32 $0x10, v25;
	v62 =	vadd.s32 $0x17, v14;
	v47 =	vadd.s32 $0x1, v16;
	v35 =	vld.idx.msk [tilespmem:v46+s11+$0x0], $0xffff  }
0x2a2: {  	vm8 =	vgt.s32 v55, $0x1F3;
	v17 =	vmul.f32 v51, v17;
	v30 =	vld.idx.msk [tilespmem:v48+s11+$0x0], $0xffff;
	v57 =	vadd.s32 $0xFFFFFE1C, v25  }
0x2a3: {  	v54 =	vadd.s32 $0x1B, v14;
	v25 =	vld.idx.msk [tilespmem:v50+s11+$0x0], $0xffff;
	v59 =	vsel vm8, $0x1, v1;
	v13 =	vsel vm8, v57, v55  }
0x2a4: {  	v56 =	vadd.s32 $0x18, v14;
	v36 =	vld.idx.msk [tilespmem:v52+s11+$0x0], $0xffff;
	v12 =	vadd.s32 v59, v24;
	v61 =	vmul.u32 $0x199A, v13  }
0x2a5: {  	v60 =	vadd.s32 $0x16, v14;
	v20 =	vld.idx.msk [tilespmem:v58+s11+$0x0], $0xffff;
	v18 =	vadd.f32 v37, v49;
	v63 =	vmul.u32 $0x199A, v12  }
0x2a6: {  	v45 =	vadd.s32 $0x14, v14;
	v17 =	vadd.f32 v22, v17;
	v22 =	vld.idx.msk [tilespmem:v53+s11+$0x0], $0xffff;
	v24 =	vshra.s32 v61, $0xF  }
0x2a7: {  	[tilespmem:s22+$0x1E20] =	vst v11;
	v37 =	vld.idx.msk [tilespmem:v62+s11+$0x0], $0xffff;
	v11 =	vadd.f32 v23, v18;
	v40 =	vshra.s32 v63, $0xF;
	v46 =	vmul.u32 $0x3C, v24  }
0x2a8: {  	[tilespmem:s22+$0x1E50] =	vst v21;
	v49 =	vadd.s32 $0x120, v6;
	v23 =	vld.idx.msk [tilespmem:v54+s11+$0x0], $0xffff;
	v48 =	vmul.u32 $0x1770, v40;
	v50 =	vmul.f32 v39, v8  }
0x2a9: {  	v38 =	vld.idx.msk [tilespmem:v56+s11+$0x0], $0xffff;
	v34 =	vmul.f32 v34, v7;
	v17 =	vadd.f32 v11, v17;
	v11 =	vadd.s32 v3, v46  }
0x2aa: {  	[tilespmem:s22+$0x1E70] =	vst v9;
	v51 =	vadd.s32 $0x121, v6;
	v21 =	vld.idx.msk [tilespmem:v60+s11+$0x0], $0xffff;
	v9 =	vadd.f32 v32, v50;
	v11 =	vadd.s32 v48, v11  }
0x2ab: {  	[tilespmem:s22+$0x1E60] =	vst v15;
	v18 =	vld.idx.msk [tilespmem:v45+s11+$0x0], $0xffff;
	v31 =	vadd.f32 v31, v34;
	v52 =	vadd.s32 $0x13, v11  }
0x2ac: {  	[tilespmem:s22+$0x1E80] =	vst v17;
	v17 =	vld.idx.msk [tilespmem:v10+s11+$0x0], $0xffff;
	v28 =	vadd.s32 $0x12, v11;
	v54 =	vmul.f32 v9, v8  }
0x2ad: {  	v26 =	vld.idx.msk [tilespmem:v47+s12+$0x0], $0xffff;
	v55 =	vadd.s32 $0x11, v11;
	v31 =	vmul.f32 v31, v7  }
0x2ae: {  	v53 =	vadd.s32 $0x10, v11;
	v10 =	vld.idx.msk [tilespmem:v49+s20+$0x0], $0xffff;
	v29 =	vadd.f32 v29, v54  }
0x2af: {  	v9 =	vld.idx.msk [tilespmem:v51+s20+$0x0], $0xffff;
	v19 =	vadd.f32 v19, v31  }
0x2b0: {  	v29 =	vmul.f32 v29, v8;
	v15 =	vld.idx.msk [tilespmem:v52+s11+$0x0], $0xffff  }
0x2b1: {  	v57 =	vadd.s32 $0xF, v11;
	v19 =	vmul.f32 v19, v7;
	v28 =	vld.idx.msk [tilespmem:v28+s11+$0x0], $0xffff  }
0x2b2: {  	v56 =	vadd.s32 $0xE, v11;
	v58 =	vld.idx.msk [tilespmem:v55+s11+$0x0], $0xffff;
	v27 =	vadd.f32 v27, v29  }
0x2b3: {  	v32 =	vld.idx.msk [tilespmem:v53+s11+$0x0], $0xffff;
	v19 =	vadd.f32 v33, v19  }
0x2b4: {  	v27 =	vmul.f32 v27, v8  }
0x2b5: {  	v60 =	vadd.s32 $0xD, v11;
	v19 =	vmul.f32 v19, v7;
	v15 =	vmul.f32 v15, v9  }
0x2b6: {  	v59 =	vadd.s32 $0xC, v11;
	v61 =	vld.idx.msk [tilespmem:v57+s11+$0x0], $0xffff;
	v28 =	vmul.f32 v28, v10;
	v27 =	vadd.f32 v35, v27  }
0x2b7: {  	v34 =	vld.idx.msk [tilespmem:v56+s11+$0x0], $0xffff;
	v19 =	vadd.f32 v30, v19;
	v15 =	vadd.f32 v58, v15  }
0x2b8: {  	v28 =	vadd.f32 v32, v28;
	v27 =	vmul.f32 v27, v8  }
0x2b9: {  	v63 =	vadd.s32 $0xB, v11;
	v19 =	vmul.f32 v19, v7;
	v15 =	vmul.f32 v15, v9  }
0x2ba: {  	v62 =	vadd.s32 $0xA, v11;
	v35 =	vld.idx.msk [tilespmem:v60+s11+$0x0], $0xffff;
	v28 =	vmul.f32 v28, v10;
	v25 =	vadd.f32 v25, v27  }
0x2bb: {  	v31 =	vld.idx.msk [tilespmem:v59+s11+$0x0], $0xffff;
	v19 =	vadd.f32 v36, v19;
	v15 =	vadd.f32 v61, v15  }
0x2bc: {  	v28 =	vadd.f32 v34, v28;
	v25 =	vmul.f32 v25, v8  }
0x2bd: {  	v41 =	vadd.s32 $0x9, v11;
	v19 =	vmul.f32 v19, v7;
	v15 =	vmul.f32 v15, v9  }
0x2be: {  	v39 =	vadd.s32 $0x8, v11;
	v42 =	vld.idx.msk [tilespmem:v63+s11+$0x0], $0xffff;
	v28 =	vmul.f32 v28, v10;
	v22 =	vadd.f32 v22, v25  }
0x2bf: {  	v29 =	vld.idx.msk [tilespmem:v62+s11+$0x0], $0xffff;
	v19 =	vadd.f32 v23, v19;
	v15 =	vadd.f32 v35, v15  }
0x2c0: {  	v28 =	vadd.f32 v31, v28;
	v22 =	vmul.f32 v22, v8  }
0x2c1: {  	v45 =	vadd.s32 $0x7, v11;
	v19 =	vmul.f32 v19, v7;
	v15 =	vmul.f32 v15, v9  }
0x2c2: {  	v44 =	vadd.s32 $0x6, v11;
	v46 =	vld.idx.msk [tilespmem:v41+s11+$0x0], $0xffff;
	v43 =	vmul.f32 v28, v10;
	v22 =	vadd.f32 v38, v22  }
0x2c3: {  	v48 =	vadd.s32 $0x4, v11;
	v30 =	vld.idx.msk [tilespmem:v39+s11+$0x0], $0xffff;
	v19 =	vadd.f32 v20, v19;
	v15 =	vadd.f32 v42, v15  }
0x2c4: {  	v49 =	vadd.s32 $0x5, v11;
	v27 =	vadd.f32 v29, v43;
	v22 =	vmul.f32 v22, v8  }
0x2c5: {  	v53 =	vor.u32 $0x2, v11;
	v19 =	vmul.f32 v19, v7;
	v15 =	vmul.f32 v15, v9  }
0x2c6: {  	v51 =	vld.idx.msk [tilespmem:v45+s11+$0x0], $0xffff;
	v56 =	vmul.u32 $0x3, v24;
	v47 =	vmul.f32 v27, v10;
	v50 =	vadd.f32 v21, v22  }
0x2c7: {  	v55 =	vor.u32 $0x3, v11;
	v28 =	vld.idx.msk [tilespmem:v44+s11+$0x0], $0xffff;
	v19 =	vadd.f32 v37, v19;
	v15 =	vadd.f32 v46, v15  }
0x2c8: {  	v59 =	vadd.s32 v4, v56;
	v25 =	vadd.f32 v30, v47;
	v20 =	vmul.f32 v50, v8  }
0x2c9: {  	v58 =	vmul.u32 $0x12C, v40;
	v19 =	vmul.f32 v19, v7;
	v15 =	vmul.f32 v15, v9  }
0x2ca: {  	v54 =	vld.idx.msk [tilespmem:v48+s11+$0x0], $0xffff;
	v61 =	vor.u32 $0x1, v11;
	v52 =	vmul.f32 v25, v10;
	v18 =	vadd.f32 v18, v20  }
0x2cb: {  	v57 =	vld.idx.msk [tilespmem:v49+s11+$0x0], $0xffff;
	v17 =	vadd.f32 v17, v19;
	v21 =	vadd.f32 v51, v15;
	v15 =	vadd.s32 v58, v59  }
0x2cc: {  	v63 =	vadd.s32 $0x3A, v14;
	v60 =	vld.idx.msk [tilespmem:v53+s11+$0x0], $0xffff;
	v22 =	vadd.f32 v28, v52;
	v18 =	vadd.f32 v26, v18  }
0x2cd: {  	v62 =	vld.idx.msk [tilespmem:v55+s11+$0x0], $0xffff;
	v30 =	vadd.s32 $0x3B, v14  }
0x2ce: {  	v36 =	vadd.s32 $0x38, v14;
	v31 =	vld.idx.msk [tilespmem:v11+s11+$0x0], $0xffff;
	v22 =	vmul.f32 v22, v10;
	v17 =	vadd.f32 v18, v17  }
0x2cf: {  	v38 =	vadd.s32 $0x39, v14;
	v37 =	vld.idx.msk [tilespmem:v61+s11+$0x0], $0xffff  }
0x2d0: {  	v40 =	vadd.s32 $0x36, v14;
	v21 =	vmul.f32 v21, v9;
	v22 =	vadd.f32 v54, v22;
	[tilespmem:s22+$0x0] =	vst v17;
	v39 =	vld.idx.msk [tilespmem:v15+s12+$0x0], $0xffff  }
0x2d1: {  	v42 =	vadd.s32 $0x34, v14;
	v25 =	vld.idx.msk [tilespmem:v63+s11+$0x0], $0xffff  }
0x2d2: {  	v43 =	vadd.s32 $0x35, v14;
	v21 =	vadd.f32 v57, v21;
	v34 =	vld.idx.msk [tilespmem:v30+s11+$0x0], $0xffff;
	v22 =	vmul.f32 v22, v10  }
0x2d3: {  	v49 =	vadd.s32 $0x33, v14;
	v24 =	vld.idx.msk [tilespmem:v36+s11+$0x0], $0xffff  }
0x2d4: {  	v51 =	vadd.s32 $0x31, v14;
	v35 =	vld.idx.msk [tilespmem:v38+s11+$0x0], $0xffff;
	v21 =	vmul.f32 v21, v9;
	v20 =	vadd.f32 v60, v22  }
0x2d5: {  	v52 =	vadd.s32 $0x2E, v14;
	v36 =	vld.idx.msk [tilespmem:v40+s11+$0x0], $0xffff  }
0x2d6: {  	v56 =	vadd.s32 $0x2F, v14;
	v38 =	vld.idx.msk [tilespmem:v42+s11+$0x0], $0xffff;
	v19 =	vadd.f32 v62, v21;
	v20 =	vmul.f32 v20, v10  }
0x2d7: {  	v50 =	vadd.s32 $0x30, v14;
	v26 =	vld.idx.msk [tilespmem:v43+s11+$0x0], $0xffff  }
0x2d8: {  	v41 =	vadd.s32 $0x37, v14;
	v30 =	vld.idx.msk [tilespmem:v49+s11+$0x0], $0xffff;
	v19 =	vmul.f32 v19, v9;
	v20 =	vadd.f32 v31, v20  }
0x2d9: {  	v48 =	vadd.s32 $0x32, v14;
	v29 =	vld.idx.msk [tilespmem:v51+s11+$0x0], $0xffff  }
0x2da: {  	v44 =	vadd.s32 $0x26, v11;
	v28 =	vld.idx.msk [tilespmem:v52+s11+$0x0], $0xffff;
	v19 =	vadd.f32 v37, v19;
	v20 =	vadd.f32 v39, v20  }
0x2db: {  	v45 =	vadd.s32 $0x27, v11;
	v27 =	vld.idx.msk [tilespmem:v56+s11+$0x0], $0xffff  }
0x2dc: {  	v46 =	vadd.s32 $0x24, v11;
	v21 =	vld.idx.msk [tilespmem:v50+s11+$0x0], $0xffff;
	v19 =	vadd.f32 v20, v19  }
0x2dd: {  	v16 =	vadd.s32 $0x2, v16;
	v47 =	vadd.s32 $0x25, v11;
	v37 =	vld.idx.msk [tilespmem:v41+s11+$0x0], $0xffff  }
0x2de: {  	v53 =	vadd.s32 $0x22, v11;
	v55 =	vadd.s32 $0x23, v11;
	v61 =	vadd.s32 $0x21, v11;
	v31 =	vld.idx.msk [tilespmem:v48+s11+$0x0], $0xffff;
	[tilespmem:s22+$0xFFFFE180] =	vst v19  }
0x2df: {  	v58 =	vadd.s32 $0x2D, v14;
	v60 =	vadd.s32 $0x20, v11;
	v34 =	vmul.f32 v34, v7;
	v22 =	vld.idx.msk [tilespmem:v44+s11+$0x0], $0xffff  }
0x2e0: {  	v57 =	vadd.s32 $0x2C, v14;
	v63 =	vadd.s32 $0x1E, v11;
	v62 =	vadd.s32 $0x10, v13;
	v17 =	vld.idx.msk [tilespmem:v45+s11+$0x0], $0xffff  }
0x2e1: {  	v13 =	vadd.s32 $0xFFFFFE1C, v13;
	vm9 =	vgt.s32 v62, $0x1F3;
	v34 =	vadd.f32 v35, v34;
	v20 =	vld.idx.msk [tilespmem:v46+s11+$0x0], $0xffff  }
0x2e2: {  	v50 =	vadd.s32 $0x1C, v11;
	v49 =	vsel vm9, $0x1, v1;
	v48 =	vadd.s32 $0x1F, v11;
	v18 =	vld.idx.msk [tilespmem:v47+s11+$0x0], $0xffff  }
0x2e3: {  	v39 =	vmul.f32 v25, v8;
	v25 =	vsel vm9, v13, v62;
	v34 =	vmul.f32 v34, v7;
	v32 =	vld.idx.msk [tilespmem:v53+s11+$0x0], $0xffff  }
0x2e4: {  	v23 =	vadd.s32 v49, v12;
	v51 =	vmul.u32 $0x199A, v25;
	v53 =	vld.idx.msk [tilespmem:v60+s11+$0x0], $0xffff;
	v54 =	vmul.f32 v22, v10  }
0x2e5: {  	v62 =	vadd.s32 $0x141, v6;
	v34 =	vadd.f32 v37, v34;
	v56 =	vld.idx.msk [tilespmem:v61+s11+$0x0], $0xffff;
	v17 =	vmul.f32 v17, v9  }
0x2e6: {  	v24 =	vadd.f32 v24, v39;
	v33 =	vshra.s32 v51, $0xF;
	v22 =	vld.idx.msk [tilespmem:v55+s11+$0x0], $0xffff;
	v19 =	vadd.f32 v20, v54  }
0x2e7: {  	v12 =	vmul.u32 $0x3C, v33;
	v43 =	vld.idx.msk [tilespmem:v63+s11+$0x0], $0xffff;
	v34 =	vmul.f32 v34, v7;
	v17 =	vadd.f32 v18, v17  }
0x2e8: {  	v44 =	vld.idx.msk [tilespmem:v48+s11+$0x0], $0xffff;
	v55 =	vmul.u32 $0x199A, v23;
	v54 =	vadd.s32 $0x1D, v11;
	v59 =	vmul.f32 v19, v10  }
0x2e9: {  	v34 =	vadd.f32 v26, v34;
	v18 =	vld.idx.msk [tilespmem:v57+s11+$0x0], $0xffff;
	v57 =	vadd.s32 $0x1A, v11;
	v17 =	vmul.f32 v17, v9  }
0x2ea: {  	v19 =	vld.idx.msk [tilespmem:v58+s11+$0x0], $0xffff;
	v58 =	vadd.s32 $0x1B, v11;
	v52 =	vadd.f32 v32, v59;
	v32 =	vshra.s32 v55, $0xF  }
0x2eb: {  	v26 =	vld.idx.msk [tilespmem:v16+s12+$0x0], $0xffff;
	v17 =	vadd.f32 v22, v17;
	v59 =	vadd.s32 $0x18, v11;
	v60 =	vmul.u32 $0x1770, v32  }
0x2ec: {  	v61 =	vadd.s32 $0x140, v6;
	v12 =	vadd.s32 v3, v12;
	v20 =	vld.idx.msk [tilespmem:v50+s11+$0x0], $0xffff;
	v13 =	vmul.f32 v52, v10  }
0x2ed: {  	v24 =	vmul.f32 v24, v8;
	v40 =	vld.idx.msk [tilespmem:v54+s11+$0x0], $0xffff;
	v17 =	vmul.f32 v17, v9;
	v12 =	vadd.s32 v60, v12  }
0x2ee: {  	v22 =	vld.idx.msk [tilespmem:v57+s11+$0x0], $0xffff;
	v13 =	vadd.f32 v53, v13;
	v63 =	vadd.s32 $0x12, v12  }
0x2ef: {  	v24 =	vadd.f32 v36, v24;
	v39 =	vld.idx.msk [tilespmem:v58+s11+$0x0], $0xffff;
	v17 =	vadd.f32 v56, v17;
	v52 =	vadd.s32 $0x13, v12  }
0x2f0: {  	v54 =	vadd.s32 $0x10, v12;
	v46 =	vld.idx.msk [tilespmem:v59+s11+$0x0], $0xffff;
	v13 =	vmul.f32 v13, v10  }
0x2f1: {  	v24 =	vmul.f32 v24, v8;
	v55 =	vadd.s32 $0x11, v12;
	v53 =	vmul.f32 v17, v9;
	v17 =	vld.idx.msk [tilespmem:v61+s20+$0x0], $0xffff  }
0x2f2: {  	v57 =	vadd.s32 $0x19, v11;
	v43 =	vadd.f32 v43, v13;
	v13 =	vld.idx.msk [tilespmem:v62+s20+$0x0], $0xffff  }
0x2f3: {  	v38 =	vadd.f32 v38, v24;
	v59 =	vadd.s32 $0x16, v11;
	v56 =	vadd.f32 v44, v53;
	v42 =	vld.idx.msk [tilespmem:v63+s11+$0x0], $0xffff  }
0x2f4: {  	v61 =	vadd.s32 $0xE, v12;
	v60 =	vld.idx.msk [tilespmem:v52+s11+$0x0], $0xffff;
	v58 =	vmul.f32 v43, v10  }
0x2f5: {  	v38 =	vmul.f32 v38, v8;
	v62 =	vld.idx.msk [tilespmem:v54+s11+$0x0], $0xffff;
	v63 =	vadd.s32 $0xF, v12;
	v35 =	vmul.f32 v56, v9  }
0x2f6: {  	v33 =	vmul.u32 $0x3, v33;
	v52 =	vadd.s32 $0x17, v11;
	v53 =	vld.idx.msk [tilespmem:v55+s11+$0x0], $0xffff;
	v20 =	vadd.f32 v20, v58  }
0x2f7: {  	v31 =	vadd.f32 v31, v38;
	v44 =	vld.idx.msk [tilespmem:v57+s11+$0x0], $0xffff;
	v54 =	vadd.s32 $0x14, v11;
	v35 =	vadd.f32 v40, v35  }
0x2f8: {  	v55 =	vadd.s32 $0xC, v12;
	v41 =	vld.idx.msk [tilespmem:v59+s11+$0x0], $0xffff;
	v20 =	vmul.f32 v20, v10;
	v42 =	vmul.f32 v42, v17  }
0x2f9: {  	v59 =	vadd.s32 $0x15, v11;
	v57 =	vld.idx.msk [tilespmem:v61+s11+$0x0], $0xffff;
	v35 =	vmul.f32 v35, v9;
	v56 =	vmul.f32 v60, v13  }
0x2fa: {  	v58 =	vadd.s32 $0xD, v12;
	v60 =	vld.idx.msk [tilespmem:v63+s11+$0x0], $0xffff;
	v20 =	vadd.f32 v22, v20;
	v36 =	vadd.f32 v62, v42  }
0x2fb: {  	v61 =	vadd.s32 $0x1, v15;
	v37 =	vld.idx.msk [tilespmem:v52+s11+$0x0], $0xffff;
	v35 =	vadd.f32 v39, v35;
	v22 =	vadd.f32 v53, v56  }
0x2fc: {  	v24 =	vld.idx.msk [tilespmem:v54+s11+$0x0], $0xffff;
	v62 =	vadd.s32 $0xA, v12;
	v20 =	vmul.f32 v20, v10;
	v36 =	vmul.f32 v36, v17  }
0x2fd: {  	v63 =	vld.idx.msk [tilespmem:v55+s11+$0x0], $0xffff;
	v52 =	vadd.s32 $0xB, v12;
	v35 =	vmul.f32 v35, v9;
	v22 =	vmul.f32 v22, v13  }
0x2fe: {  	v53 =	vadd.s32 $0x2A, v14;
	v39 =	vld.idx.msk [tilespmem:v59+s11+$0x0], $0xffff;
	v20 =	vadd.f32 v46, v20;
	v36 =	vadd.f32 v57, v36  }
0x2ff: {  	v54 =	vld.idx.msk [tilespmem:v58+s11+$0x0], $0xffff;
	v58 =	vadd.s32 $0x9, v12;
	v35 =	vadd.f32 v44, v35;
	v22 =	vadd.f32 v60, v22  }
0x300: {  	v56 =	vld.idx.msk [tilespmem:v61+s12+$0x0], $0xffff;
	v57 =	vadd.s32 $0x8, v12;
	v20 =	vmul.f32 v20, v10;
	v36 =	vmul.f32 v36, v17  }
0x301: {  	v55 =	vadd.s32 $0x2B, v14;
	v59 =	vadd.s32 $0x28, v14;
	v40 =	vld.idx.msk [tilespmem:v62+s11+$0x0], $0xffff;
	v35 =	vmul.f32 v35, v9  }
0x302: {  	v60 =	vld.idx.msk [tilespmem:v52+s11+$0x0], $0xffff;
	v22 =	vmul.f32 v22, v13;
	v20 =	vadd.f32 v41, v20;
	v36 =	vadd.f32 v63, v36  }
0x303: {  	v49 =	vor.u32 $0x2, v12;
	v62 =	vadd.s32 $0x6, v12;
	v37 =	vadd.f32 v37, v35;
	v35 =	vld.idx.msk [tilespmem:v53+s11+$0x0], $0xffff  }
0x304: {  	v22 =	vadd.f32 v54, v22;
	v53 =	vld.idx.msk [tilespmem:v58+s11+$0x0], $0xffff;
	v61 =	vmul.f32 v20, v10;
	v36 =	vmul.f32 v36, v17  }
0x305: {  	v14 =	vadd.s32 $0x29, v14;
	v52 =	vadd.s32 $0x7, v12;
	v45 =	vld.idx.msk [tilespmem:v57+s11+$0x0], $0xffff;
	v37 =	vmul.f32 v37, v9  }
0x306: {  	v20 =	vld.idx.msk [tilespmem:v55+s11+$0x0], $0xffff;
	v22 =	vmul.f32 v22, v13;
	v63 =	vadd.f32 v24, v61;
	v36 =	vadd.f32 v40, v36  }
0x307: {  	v58 =	vadd.s32 $0x4, v12;
	v37 =	vadd.f32 v39, v37;
	v24 =	vld.idx.msk [tilespmem:v59+s11+$0x0], $0xffff;
	v61 =	vadd.s32 $0x5, v12  }
0x308: {  	v39 =	vld.idx.msk [tilespmem:v49+s11+$0x0], $0xffff;
	v54 =	vadd.f32 v56, v63;
	v56 =	vadd.f32 v60, v22;
	v57 =	vmul.f32 v36, v17  }
0x309: {  	v47 =	vadd.s32 $0x38, v11;
	v31 =	vmul.f32 v31, v8;
	v55 =	vadd.s32 $0x3A, v11;
	v60 =	vld.idx.msk [tilespmem:v62+s11+$0x0], $0xffff  }
0x30a: {  	v22 =	vld.idx.msk [tilespmem:v14+s11+$0x0], $0xffff;
	v62 =	vadd.s32 $0x3B, v11;
	v59 =	vmul.f32 v56, v13;
	v14 =	vadd.f32 v45, v57  }
0x30b: {  	v34 =	vmul.f32 v34, v7;
	v31 =	vadd.f32 v21, v31;
	v63 =	vld.idx.msk [tilespmem:v52+s11+$0x0], $0xffff;
	v37 =	vadd.f32 v54, v37  }
0x30c: {  	v50 =	vor.u32 $0x3, v12;
	v36 =	vld.idx.msk [tilespmem:v58+s11+$0x0], $0xffff;
	v48 =	vadd.f32 v53, v59;
	v14 =	vmul.f32 v14, v17  }
0x30d: {  	v51 =	vadd.s32 $0x39, v11;
	v33 =	vadd.s32 v4, v33;
	v31 =	vmul.f32 v31, v8;
	v52 =	vld.idx.msk [tilespmem:v61+s11+$0x0], $0xffff;
	[tilespmem:s22+$0x10] =	vst v37  }
0x30e: {  	v30 =	vadd.f32 v30, v34;
	v40 =	vld.idx.msk [tilespmem:v55+s11+$0x0], $0xffff;
	v37 =	vmul.f32 v48, v13;
	v14 =	vadd.f32 v60, v14  }
0x30f: {  	v32 =	vmul.u32 $0x12C, v32;
	v41 =	vadd.f32 v28, v31;
	v58 =	vadd.s32 $0x34, v11;
	v42 =	vld.idx.msk [tilespmem:v62+s11+$0x0], $0xffff  }
0x310: {  	v54 =	vor.u32 $0x1, v12;
	v16 =	vld.idx.msk [tilespmem:v47+s11+$0x0], $0xffff;
	v37 =	vadd.f32 v63, v37;
	v14 =	vmul.f32 v14, v17  }
0x311: {  	v30 =	vmul.f32 v30, v7;
	v21 =	vadd.s32 v32, v33;
	v41 =	vmul.f32 v41, v8;
	v55 =	vld.idx.msk [tilespmem:v50+s11+$0x0], $0xffff  }
0x312: {  	v56 =	vadd.s32 $0x37, v11;
	v45 =	vld.idx.msk [tilespmem:v51+s11+$0x0], $0xffff;
	v37 =	vmul.f32 v37, v13;
	v14 =	vadd.f32 v36, v14  }
0x313: {  	v29 =	vadd.f32 v29, v30;
	v41 =	vadd.f32 v18, v41;
	v61 =	vadd.s32 $0x32, v11;
	v60 =	vld.idx.msk [tilespmem:v12+s11+$0x0], $0xffff  }
0x314: {  	v48 =	vld.idx.msk [tilespmem:v58+s11+$0x0], $0xffff;
	v58 =	vadd.s32 $0x2F, v11;
	v57 =	vadd.f32 v52, v37;
	v14 =	vmul.f32 v14, v17  }
0x315: {  	v29 =	vmul.f32 v29, v7;
	v41 =	vmul.f32 v41, v8;
	v53 =	vadd.s32 $0x36, v11;
	v62 =	vld.idx.msk [tilespmem:v54+s11+$0x0], $0xffff  }
0x316: {  	v59 =	vadd.s32 $0x35, v11;
	v54 =	vld.idx.msk [tilespmem:v21+s12+$0x0], $0xffff;
	v34 =	vmul.f32 v57, v13;
	v14 =	vadd.f32 v39, v14  }
0x317: {  	v46 =	vadd.f32 v27, v29;
	v35 =	vadd.f32 v35, v41;
	v44 =	vld.idx.msk [tilespmem:v56+s11+$0x0], $0xffff;
	v56 =	vadd.s32 $0x31, v11  }
0x318: {  	v63 =	vadd.s32 $0x33, v11;
	v33 =	vld.idx.msk [tilespmem:v61+s11+$0x0], $0xffff;
	v32 =	vadd.f32 v55, v34;
	v14 =	vmul.f32 v14, v17  }
0x319: {  	v61 =	vadd.s32 $0x27, v12;
	v28 =	vld.idx.msk [tilespmem:v58+s11+$0x0], $0xffff;
	v52 =	vadd.s32 $0x10, v25;
	v57 =	vadd.s32 $0x2E, v11  }
0x31a: {  	v37 =	vld.idx.msk [tilespmem:v53+s11+$0x0], $0xffff;
	v55 =	vadd.s32 $0x30, v11;
	v32 =	vmul.f32 v32, v13;
	v14 =	vadd.f32 v60, v14  }
0x31b: {  	v25 =	vadd.s32 $0xFFFFFE1C, v25;
	vm10 =	vgt.s32 v52, $0x1F3;
	v34 =	vld.idx.msk [tilespmem:v59+s11+$0x0], $0xffff;
	v59 =	vadd.s32 $0x2C, v11  }
0x31c: {  	v30 =	vld.idx.msk [tilespmem:v56+s11+$0x0], $0xffff;
	v25 =	vsel vm10, v25, v52;
	v53 =	vadd.f32 v62, v32;
	v14 =	vadd.f32 v54, v14  }
0x31d: {  	v40 =	vmul.f32 v40, v10;
	v60 =	vmul.u32 $0x199A, v25;
	v32 =	vld.idx.msk [tilespmem:v63+s11+$0x0], $0xffff;
	v63 =	vadd.s32 $0x24, v12  }
0x31e: {  	v58 =	vadd.s32 $0x22, v12;
	v29 =	vld.idx.msk [tilespmem:v57+s11+$0x0], $0xffff;
	v54 =	vsel vm10, $0x1, v1;
	v14 =	vadd.f32 v14, v53  }
0x31f: {  	v38 =	vshra.s32 v60, $0xF;
	v60 =	vadd.s32 $0x160, v6;
	v31 =	vld.idx.msk [tilespmem:v55+s11+$0x0], $0xffff;
	v23 =	vadd.s32 v54, v23  }
0x320: {  	v42 =	vmul.f32 v42, v9;
	v55 =	vadd.s32 $0x26, v12;
	v27 =	vld.idx.msk [tilespmem:v59+s11+$0x0], $0xffff;
	v62 =	vmul.u32 $0x199A, v23;
	[tilespmem:s22+$0xFFFFE190] =	vst v14  }
0x321: {  	v56 =	vadd.s32 $0x25, v12;
	v16 =	vadd.f32 v16, v40;
	v57 =	vmul.u32 $0x3C, v38;
	v47 =	vld.idx.msk [tilespmem:v61+s11+$0x0], $0xffff  }
0x322: {  	v39 =	vshra.s32 v62, $0xF;
	v62 =	vmul.f32 v46, v7;
	v61 =	vadd.s32 $0x161, v6;
	v40 =	vld.idx.msk [tilespmem:v63+s11+$0x0], $0xffff  }
0x323: {  	v59 =	vmul.u32 $0x1770, v39;
	v63 =	vmul.f32 v16, v10;
	v54 =	vld.idx.msk [tilespmem:v58+s11+$0x0], $0xffff;
	v58 =	vadd.s32 $0x23, v12  }
0x324: {  	v51 =	vadd.s32 v3, v57;
	v16 =	vld.idx.msk [tilespmem:v60+s20+$0x0], $0xffff;
	v36 =	vadd.f32 v19, v62;
	v62 =	vadd.s32 $0x20, v12  }
0x325: {  	v43 =	vld.idx.msk [tilespmem:v55+s11+$0x0], $0xffff;
	v18 =	vadd.s32 v59, v51;
	v60 =	vadd.f32 v37, v63;
	v63 =	vadd.s32 $0x21, v12  }
0x326: {  	v8 =	vmul.f32 v35, v8;
	v46 =	vld.idx.msk [tilespmem:v56+s11+$0x0], $0xffff;
	v50 =	vadd.s32 $0x12, v18  }
0x327: {  	v15 =	vadd.s32 $0x2, v15;
	v59 =	vadd.f32 v45, v42;
	v49 =	vadd.s32 $0x13, v18;
	v14 =	vld.idx.msk [tilespmem:v61+s20+$0x0], $0xffff  }
0x328: {  	v8 =	vadd.f32 v24, v8;
	v39 =	vmul.u32 $0x12C, v39;
	v57 =	vadd.s32 $0x10, v18;
	v19 =	vld.idx.msk [tilespmem:v58+s11+$0x0], $0xffff  }
0x329: {  	v56 =	vadd.s32 $0x2A, v11;
	v37 =	vadd.s32 $0x28, v11;
	v41 =	vmul.f32 v59, v9;
	v59 =	vld.idx.msk [tilespmem:v62+s11+$0x0], $0xffff  }
0x32a: {  	v52 =	vadd.s32 $0xE, v18;
	v61 =	vadd.s32 $0x11, v18;
	v43 =	vmul.f32 v43, v17;
	v53 =	vld.idx.msk [tilespmem:v63+s11+$0x0], $0xffff  }
0x32b: {  	v42 =	vmul.f32 v60, v10;
	v47 =	vmul.f32 v47, v13;
	v58 =	vadd.s32 $0x1E, v12;
	v50 =	vld.idx.msk [tilespmem:v50+s11+$0x0], $0xffff  }
0x32c: {  	v41 =	vadd.f32 v44, v41;
	v62 =	vadd.s32 $0x1F, v12;
	v49 =	vld.idx.msk [tilespmem:v49+s11+$0x0], $0xffff;
	v43 =	vadd.f32 v40, v43  }
0x32d: {  	v63 =	vadd.s32 $0xD, v18;
	v55 =	vld.idx.msk [tilespmem:v57+s11+$0x0], $0xffff;
	v40 =	vadd.f32 v48, v42;
	v57 =	vadd.f32 v46, v47  }
0x32e: {  	v42 =	vadd.s32 $0xF, v18;
	v41 =	vmul.f32 v41, v9;
	v43 =	vmul.f32 v43, v17  }
0x32f: {  	v45 =	vld.idx.msk [tilespmem:v61+s11+$0x0], $0xffff;
	v61 =	vadd.s32 $0xC, v18;
	v44 =	vmul.f32 v57, v13;
	v57 =	vadd.s32 $0x1C, v12  }
0x330: {  	v46 =	vld.idx.msk [tilespmem:v58+s11+$0x0], $0xffff;
	v58 =	vadd.s32 $0xA, v18;
	v34 =	vadd.f32 v34, v41;
	v60 =	vmul.f32 v50, v16  }
0x331: {  	v52 =	vld.idx.msk [tilespmem:v52+s11+$0x0], $0xffff;
	v40 =	vmul.f32 v40, v10;
	v43 =	vadd.f32 v54, v43;
	v19 =	vadd.f32 v19, v44  }
0x332: {  	v54 =	vld.idx.msk [tilespmem:v63+s11+$0x0], $0xffff;
	v63 =	vadd.s32 $0x8, v18;
	v49 =	vmul.f32 v49, v14;
	v48 =	vadd.f32 v55, v60  }
0x333: {  	v33 =	vadd.f32 v33, v40;
	v34 =	vmul.f32 v34, v9;
	v42 =	vld.idx.msk [tilespmem:v42+s11+$0x0], $0xffff;
	v43 =	vmul.f32 v43, v17  }
0x334: {  	v15 =	vld.idx.msk [tilespmem:v15+s12+$0x0], $0xffff;
	v45 =	vadd.f32 v45, v49;
	v60 =	vadd.s32 $0xB, v18;
	v48 =	vmul.f32 v48, v16  }
0x335: {  	v19 =	vmul.f32 v19, v13;
	v50 =	vld.idx.msk [tilespmem:v61+s11+$0x0], $0xffff;
	v43 =	vadd.f32 v59, v43;
	v59 =	vadd.s32 $0x1D, v12  }
0x336: {  	v51 =	vld.idx.msk [tilespmem:v62+s11+$0x0], $0xffff;
	v61 =	vadd.s32 $0x1A, v12;
	v45 =	vmul.f32 v45, v14;
	v48 =	vadd.f32 v52, v48  }
0x337: {  	v44 =	vld.idx.msk [tilespmem:v57+s11+$0x0], $0xffff;
	v57 =	vadd.s32 $0x1B, v12;
	v19 =	vadd.f32 v53, v19;
	v43 =	vmul.f32 v43, v17  }
0x338: {  	v49 =	vld.idx.msk [tilespmem:v58+s11+$0x0], $0xffff;
	v58 =	vadd.s32 $0x9, v18;
	v42 =	vadd.f32 v42, v45;
	v62 =	vmul.f32 v48, v16  }
0x339: {  	v55 =	vadd.s32 $0x14, v12;
	v19 =	vmul.f32 v19, v13;
	v43 =	vadd.f32 v46, v43;
	v52 =	vld.idx.msk [tilespmem:v60+s11+$0x0], $0xffff  }
0x33a: {  	v60 =	vadd.s32 $0x6, v18;
	v47 =	vld.idx.msk [tilespmem:v59+s11+$0x0], $0xffff;
	v42 =	vmul.f32 v42, v14;
	v45 =	vadd.f32 v50, v62  }
0x33b: {  	v19 =	vadd.f32 v51, v19;
	v53 =	vld.idx.msk [tilespmem:v61+s11+$0x0], $0xffff;
	v59 =	vadd.s32 $0x18, v12;
	v43 =	vmul.f32 v43, v17  }
0x33c: {  	v61 =	vadd.s32 $0x19, v12;
	v46 =	vld.idx.msk [tilespmem:v57+s11+$0x0], $0xffff;
	v42 =	vadd.f32 v54, v42;
	v45 =	vmul.f32 v45, v16  }
0x33d: {  	v48 =	vld.idx.msk [tilespmem:v63+s11+$0x0], $0xffff;
	v63 =	vadd.s32 $0x16, v12;
	v19 =	vmul.f32 v19, v13;
	v43 =	vadd.f32 v44, v43  }
0x33e: {  	v62 =	vadd.s32 $0x7, v18;
	v50 =	vld.idx.msk [tilespmem:v58+s11+$0x0], $0xffff;
	v42 =	vmul.f32 v42, v14;
	v45 =	vadd.f32 v49, v45  }
0x33f: {  	v58 =	vadd.s32 $0x17, v12;
	v54 =	vld.idx.msk [tilespmem:v60+s11+$0x0], $0xffff;
	v19 =	vadd.f32 v47, v19;
	v43 =	vmul.f32 v43, v17  }
0x340: {  	v57 =	vadd.s32 $0x4, v18;
	v51 =	vld.idx.msk [tilespmem:v59+s11+$0x0], $0xffff;
	v42 =	vadd.f32 v52, v42;
	v45 =	vmul.f32 v45, v16  }
0x341: {  	v44 =	vld.idx.msk [tilespmem:v61+s11+$0x0], $0xffff;
	v59 =	vadd.s32 $0x5, v18;
	v43 =	vadd.f32 v53, v43;
	v19 =	vmul.f32 v19, v13  }
0x342: {  	v60 =	vor.u32 $0x2, v18;
	v47 =	vld.idx.msk [tilespmem:v63+s11+$0x0], $0xffff;
	v42 =	vmul.f32 v42, v14;
	v45 =	vadd.f32 v48, v45  }
0x343: {  	v61 =	vadd.s32 $0x15, v12;
	v19 =	vadd.f32 v46, v19;
	v43 =	vmul.f32 v43, v17;
	v46 =	vld.idx.msk [tilespmem:v62+s11+$0x0], $0xffff  }
0x344: {  	v52 =	vld.idx.msk [tilespmem:v58+s11+$0x0], $0xffff;
	v58 =	vmul.u32 $0x3, v38;
	v42 =	vadd.f32 v50, v42;
	v45 =	vmul.f32 v45, v16  }
0x345: {  	v62 =	vld.idx.msk [tilespmem:v57+s11+$0x0], $0xffff;
	v57 =	vadd.s32 $0x1, v21;
	v43 =	vadd.f32 v51, v43;
	v19 =	vmul.f32 v19, v13  }
0x346: {  	v63 =	vor.u32 $0x3, v18;
	v59 =	vld.idx.msk [tilespmem:v59+s11+$0x0], $0xffff;
	v42 =	vmul.f32 v42, v14;
	v45 =	vadd.f32 v54, v45  }
0x347: {  	v48 =	vld.idx.msk [tilespmem:v55+s11+$0x0], $0xffff;
	v44 =	vadd.f32 v44, v19;
	v43 =	vmul.f32 v43, v17;
	v19 =	vadd.s32 v4, v58  }
0x348: {  	v50 =	vld.idx.msk [tilespmem:v61+s11+$0x0], $0xffff;
	v58 =	vadd.s32 $0x2B, v11;
	v42 =	vadd.f32 v46, v42;
	v45 =	vmul.f32 v45, v16  }
0x349: {  	v46 =	vld.idx.msk [tilespmem:v60+s11+$0x0], $0xffff;
	v60 =	vor.u32 $0x1, v18;
	v43 =	vadd.f32 v47, v43;
	v44 =	vmul.f32 v44, v13  }
0x34a: {  	v19 =	vadd.s32 v39, v19;
	v57 =	vld.idx.msk [tilespmem:v57+s12+$0x0], $0xffff;
	v42 =	vmul.f32 v42, v14;
	v61 =	vadd.f32 v62, v45  }
0x34b: {  	v32 =	vadd.f32 v32, v34;
	v63 =	vld.idx.msk [tilespmem:v63+s11+$0x0], $0xffff;
	v44 =	vadd.f32 v52, v44;
	v43 =	vmul.f32 v43, v17  }
0x34c: {  	v62 =	vadd.s32 $0x2D, v11;
	v38 =	vadd.f32 v59, v42;
	v59 =	vld.idx.msk [tilespmem:v18+s11+$0x0], $0xffff;
	v39 =	vmul.f32 v61, v16  }
0x34d: {  	v33 =	vmul.f32 v33, v10;
	v42 =	vld.idx.msk [tilespmem:v58+s11+$0x0], $0xffff;
	v43 =	vadd.f32 v48, v43;
	v44 =	vmul.f32 v44, v13  }
0x34e: {  	v11 =	vadd.s32 $0x29, v11;
	v60 =	vld.idx.msk [tilespmem:v60+s11+$0x0], $0xffff;
	v38 =	vmul.f32 v38, v14;
	v39 =	vadd.f32 v46, v39  }
0x34f: {  	v58 =	vadd.s32 $0x39, v12;
	v61 =	vld.idx.msk [tilespmem:v19+s12+$0x0], $0xffff;
	v44 =	vadd.f32 v50, v44;
	v43 =	vadd.f32 v57, v43  }
0x350: {  	v47 =	vld.idx.msk [tilespmem:v56+s11+$0x0], $0xffff;
	v38 =	vadd.f32 v63, v38;
	v63 =	vadd.s32 $0x3B, v12;
	v39 =	vmul.f32 v39, v16  }
0x351: {  	v31 =	vadd.f32 v31, v33;
	v45 =	vld.idx.msk [tilespmem:v62+s11+$0x0], $0xffff;
	v62 =	vadd.s32 $0x3A, v12;
	v52 =	vadd.f32 v43, v44  }
0x352: {  	v53 =	vadd.s32 $0x38, v12;
	v50 =	vld.idx.msk [tilespmem:v37+s11+$0x0], $0xffff;
	v38 =	vmul.f32 v38, v14;
	v39 =	vadd.f32 v59, v39  }
0x353: {  	v32 =	vmul.f32 v32, v9;
	v31 =	vmul.f32 v31, v10;
	v11 =	vld.idx.msk [tilespmem:v11+s11+$0x0], $0xffff;
	[tilespmem:s22+$0x20] =	vst v52;
	v52 =	vadd.s32 $0x34, v12  }
0x354: {  	v54 =	vadd.s32 $0x26, v18;
	v38 =	vadd.f32 v60, v38;
	v41 =	vld.idx.msk [tilespmem:v58+s11+$0x0], $0xffff;
	v39 =	vadd.f32 v61, v39  }
0x355: {  	v30 =	vadd.f32 v30, v32;
	v56 =	vmul.f32 v36, v7;
	v60 =	vadd.s32 $0x36, v12;
	v36 =	vld.idx.msk [tilespmem:v63+s11+$0x0], $0xffff  }
0x356: {  	v49 =	vadd.f32 v29, v31;
	v57 =	vadd.s32 $0x24, v18;
	v37 =	vld.idx.msk [tilespmem:v62+s11+$0x0], $0xffff;
	v39 =	vadd.f32 v39, v38  }
0x357: {  	v8 =	vadd.f32 v26, v8;
	v55 =	vadd.s32 $0x27, v18;
	v20 =	vadd.f32 v20, v56;
	v38 =	vld.idx.msk [tilespmem:v53+s11+$0x0], $0xffff  }
0x358: {  	v26 =	vmul.f32 v49, v10;
	v51 =	vmul.f32 v30, v9;
	v59 =	vadd.s32 $0x25, v18;
	v30 =	vld.idx.msk [tilespmem:v52+s11+$0x0], $0xffff;
	[tilespmem:s22+$0xFFFFE1A0] =	vst v39  }
0x359: {  	v7 =	vmul.f32 v20, v7;
	v62 =	vadd.s32 $0x22, v18;
	v39 =	vld.idx.msk [tilespmem:v54+s11+$0x0], $0xffff  }
0x35a: {  	v26 =	vadd.f32 v27, v26;
	v48 =	vadd.s32 $0x23, v18;
	v43 =	vld.idx.msk [tilespmem:v60+s11+$0x0], $0xffff  }
0x35b: {  	v21 =	vadd.s32 $0x2, v21;
	v56 =	vadd.s32 $0x21, v18;
	v7 =	vadd.f32 v22, v7;
	v46 =	vld.idx.msk [tilespmem:v57+s11+$0x0], $0xffff  }
0x35c: {  	v26 =	vmul.f32 v26, v10;
	v28 =	vadd.f32 v28, v51;
	v58 =	vadd.s32 $0x32, v12;
	v61 =	vld.idx.msk [tilespmem:v55+s11+$0x0], $0xffff  }
0x35d: {  	v51 =	vadd.s32 $0x2E, v12;
	v7 =	vadd.f32 v8, v7;
	v63 =	vadd.s32 $0x37, v12;
	v53 =	vld.idx.msk [tilespmem:v59+s11+$0x0], $0xffff  }
0x35e: {  	v44 =	vadd.s32 $0x14, v18;
	v54 =	vadd.s32 $0x20, v18;
	v24 =	vld.idx.msk [tilespmem:v62+s11+$0x0], $0xffff;
	v8 =	vmul.f32 v39, v16  }
0x35f: {  	v52 =	vadd.s32 $0x1C, v18;
	v60 =	vadd.s32 $0x33, v12;
	v55 =	vadd.s32 $0x35, v12;
	v22 =	vld.idx.msk [tilespmem:v48+s11+$0x0], $0xffff  }
0x360: {  	v57 =	vmul.f32 v28, v9;
	v59 =	vadd.s32 $0x1E, v18;
	v32 =	vld.idx.msk [tilespmem:v56+s11+$0x0], $0xffff;
	v8 =	vadd.f32 v46, v8  }
0x361: {  	v62 =	vadd.f32 v47, v26;
	v26 =	vld.idx.msk [tilespmem:v58+s11+$0x0], $0xffff;
	v58 =	vadd.s32 $0x2D, v12;
	v20 =	vmul.f32 v61, v14  }
0x362: {  	v36 =	vmul.f32 v36, v13;
	v48 =	vadd.s32 $0x31, v12;
	v39 =	vld.idx.msk [tilespmem:v63+s11+$0x0], $0xffff;
	v8 =	vmul.f32 v8, v16  }
0x363: {  	v56 =	vadd.s32 $0x1D, v18;
	v27 =	vadd.f32 v45, v57;
	v33 =	vld.idx.msk [tilespmem:v54+s11+$0x0], $0xffff;
	v20 =	vadd.f32 v53, v20  }
0x364: {  	v10 =	vmul.f32 v62, v10;
	v62 =	vadd.s32 $0x1B, v18;
	v29 =	vld.idx.msk [tilespmem:v55+s11+$0x0], $0xffff;
	v8 =	vadd.f32 v24, v8  }
0x365: {  	v27 =	vmul.f32 v27, v9;
	v61 =	vadd.s32 $0x1F, v18;
	v31 =	vld.idx.msk [tilespmem:v59+s11+$0x0], $0xffff;
	v20 =	vmul.f32 v20, v14  }
0x366: {  	v36 =	vadd.f32 v41, v36;
	v63 =	vadd.s32 $0x30, v12;
	v35 =	vld.idx.msk [tilespmem:v58+s11+$0x0], $0xffff;
	v8 =	vmul.f32 v8, v16  }
0x367: {  	v57 =	vadd.s32 $0x1A, v18;
	v49 =	vadd.f32 v42, v27;
	v27 =	vld.idx.msk [tilespmem:v60+s11+$0x0], $0xffff;
	v20 =	vadd.f32 v22, v20  }
0x368: {  	v10 =	vadd.f32 v50, v10;
	v60 =	vld.idx.msk [tilespmem:v52+s11+$0x0], $0xffff;
	v53 =	vadd.s32 $0x2F, v12;
	v8 =	vadd.f32 v33, v8  }
0x369: {  	v55 =	vadd.s32 $0x2C, v12;
	v59 =	vadd.s32 $0x2A, v12;
	v40 =	vld.idx.msk [tilespmem:v62+s11+$0x0], $0xffff;
	v20 =	vmul.f32 v20, v14  }
0x36a: {  	v10 =	vadd.f32 v15, v10;
	v9 =	vmul.f32 v49, v9;
	v54 =	vld.idx.msk [tilespmem:v61+s11+$0x0], $0xffff;
	v8 =	vmul.f32 v8, v16  }
0x36b: {  	v52 =	vadd.s32 $0x18, v18;
	v28 =	vld.idx.msk [tilespmem:v63+s11+$0x0], $0xffff;
	v61 =	vadd.s32 $0x10, v25;
	v20 =	vadd.f32 v32, v20  }
0x36c: {  	v9 =	vadd.f32 v11, v9;
	v63 =	vld.idx.msk [tilespmem:v56+s11+$0x0], $0xffff;
	vm11 =	vgt.s32 v61, $0x1F3;
	v8 =	vadd.f32 v31, v8  }
0x36d: {  	v25 =	vadd.s32 $0xFFFFFE1C, v25;
	v34 =	vld.idx.msk [tilespmem:v53+s11+$0x0], $0xffff;
	v53 =	vsel vm11, $0x1, v1;
	v11 =	vmul.f32 v20, v14  }
0x36e: {  	v22 =	vsel vm11, v25, v61;
	v15 =	vadd.s32 v53, v23;
	v20 =	vld.idx.msk [tilespmem:v57+s11+$0x0], $0xffff;
	v8 =	vmul.f32 v8, v16  }
0x36f: {  	v42 =	vadd.f32 v54, v11;
	v11 =	vld.idx.msk [tilespmem:v55+s11+$0x0], $0xffff;
	v54 =	vadd.s32 $0x19, v18;
	v55 =	vmul.u32 $0x199A, v22  }
0x370: {  	v24 =	vld.idx.msk [tilespmem:v48+s11+$0x0], $0xffff;
	v56 =	vmul.u32 $0x199A, v15;
	v31 =	vadd.s32 $0x16, v18;
	v8 =	vadd.f32 v60, v8  }
0x371: {  	v33 =	vld.idx.msk [tilespmem:v51+s11+$0x0], $0xffff;
	v57 =	vadd.s32 $0x17, v18;
	v42 =	vmul.f32 v42, v14;
	v23 =	vshra.s32 v55, $0xF  }
0x372: {  	v32 =	vld.idx.msk [tilespmem:v59+s11+$0x0], $0xffff;
	v25 =	vshra.s32 v56, $0xF;
	v58 =	vmul.u32 $0x3C, v23;
	v8 =	vmul.f32 v8, v16  }
0x373: {  	v59 =	vld.idx.msk [tilespmem:v52+s11+$0x0], $0xffff;
	v61 =	vmul.u32 $0x1770, v25;
	v42 =	vadd.f32 v63, v42;
	v60 =	vadd.s32 $0x15, v18  }
0x374: {  	v63 =	vadd.s32 $0x180, v6;
	v48 =	vld.idx.msk [tilespmem:v54+s11+$0x0], $0xffff;
	v62 =	vadd.f32 v20, v8;
	v8 =	vadd.s32 v3, v58  }
0x375: {  	v31 =	vld.idx.msk [tilespmem:v31+s11+$0x0], $0xffff;
	v54 =	vadd.s32 $0x181, v6;
	v42 =	vmul.f32 v42, v14;
	v20 =	vadd.s32 v61, v8  }
0x376: {  	v8 =	vadd.f32 v10, v9;
	v9 =	vmul.f32 v37, v17;
	v37 =	vld.idx.msk [tilespmem:v57+s11+$0x0], $0xffff;
	v55 =	vadd.s32 $0x12, v20  }
0x377: {  	v10 =	vadd.f32 v40, v42;
	v42 =	vld.idx.msk [tilespmem:v44+s11+$0x0], $0xffff;
	v56 =	vmul.f32 v62, v16;
	v57 =	vadd.s32 $0x13, v20  }
0x378: {  	v36 =	vmul.f32 v36, v13;
	v47 =	vld.idx.msk [tilespmem:v60+s11+$0x0], $0xffff;
	v58 =	vadd.s32 $0x10, v20;
	v9 =	vadd.f32 v38, v9  }
0x379: {  	v60 =	vadd.s32 $0x1, v19;
	v40 =	vadd.f32 v59, v56;
	v59 =	vmul.f32 v10, v14;
	v10 =	vld.idx.msk [tilespmem:v63+s20+$0x0], $0xffff  }
0x37a: {  	v49 =	vadd.s32 $0x31, v18;
	v62 =	vadd.s32 $0x11, v20;
	v61 =	vmul.f32 v9, v17;
	v9 =	vld.idx.msk [tilespmem:v54+s20+$0x0], $0xffff  }
0x37b: {  	v39 =	vadd.f32 v39, v36;
	v23 =	vmul.u32 $0x3, v23;
	v53 =	vadd.s32 $0xE, v20;
	v45 =	vld.idx.msk [tilespmem:v55+s11+$0x0], $0xffff  }
0x37c: {  	v63 =	vadd.s32 $0x2B, v12;
	v46 =	vadd.f32 v48, v59;
	v40 =	vmul.f32 v40, v16;
	v52 =	vld.idx.msk [tilespmem:v57+s11+$0x0], $0xffff  }
0x37d: {  	v23 =	vadd.s32 v4, v23;
	v54 =	vadd.s32 $0x28, v12;
	v41 =	vadd.f32 v43, v61;
	v56 =	vld.idx.msk [tilespmem:v58+s11+$0x0], $0xffff  }
0x37e: {  	v59 =	vadd.s32 $0xF, v20;
	v58 =	vld.idx.msk [tilespmem:v60+s12+$0x0], $0xffff;
	v31 =	vadd.f32 v31, v40;
	v55 =	vmul.f32 v46, v14  }
0x37f: {  	v12 =	vadd.s32 $0x29, v12;
	v60 =	vld.idx.msk [tilespmem:v62+s11+$0x0], $0xffff;
	v62 =	vadd.s32 $0xC, v20;
	v57 =	vmul.f32 v41, v17  }
0x380: {  	v44 =	vld.idx.msk [tilespmem:v53+s11+$0x0], $0xffff;
	v53 =	vadd.s32 $0x3A, v18;
	v37 =	vadd.f32 v37, v55;
	v31 =	vmul.f32 v31, v16  }
0x381: {  	v38 =	vld.idx.msk [tilespmem:v63+s11+$0x0], $0xffff;
	v30 =	vadd.f32 v30, v57;
	v57 =	vadd.s32 $0xA, v20;
	v61 =	vmul.f32 v45, v10  }
0x382: {  	v31 =	vadd.f32 v42, v31;
	v63 =	vmul.f32 v37, v14;
	v37 =	vld.idx.msk [tilespmem:v54+s11+$0x0], $0xffff;
	v43 =	vmul.f32 v52, v9  }
0x383: {  	v52 =	vadd.s32 $0xD, v20;
	v54 =	vld.idx.msk [tilespmem:v59+s11+$0x0], $0xffff;
	v59 =	vadd.s32 $0x3B, v18;
	v46 =	vadd.f32 v56, v61  }
0x384: {  	v45 =	vld.idx.msk [tilespmem:v62+s11+$0x0], $0xffff;
	v62 =	vadd.s32 $0x38, v18;
	v42 =	vadd.f32 v47, v63;
	v31 =	vadd.f32 v58, v31  }
0x385: {  	v36 =	vld.idx.msk [tilespmem:v12+s11+$0x0], $0xffff;
	v30 =	vmul.f32 v30, v17;
	v55 =	vadd.f32 v60, v43;
	v58 =	vmul.f32 v39, v13  }
0x386: {  	v39 =	vld.idx.msk [tilespmem:v21+s12+$0x0], $0xffff;
	v61 =	vadd.s32 $0xB, v20;
	v56 =	vmul.f32 v46, v10;
	v31 =	vadd.f32 v31, v42  }
0x387: {  	v26 =	vadd.f32 v26, v30;
	v12 =	vmul.f32 v55, v9;
	v29 =	vadd.f32 v29, v58;
	v43 =	vld.idx.msk [tilespmem:v57+s11+$0x0], $0xffff  }
0x388: {  	v55 =	vadd.s32 $0x36, v18;
	v57 =	vadd.s32 $0x6, v20;
	v63 =	vld.idx.msk [tilespmem:v52+s11+$0x0], $0xffff;
	v60 =	vadd.f32 v44, v56;
	[tilespmem:s22+$0x30] =	vst v31  }
0x389: {  	v58 =	vadd.s32 $0x37, v18;
	v52 =	vadd.s32 $0x8, v20;
	v26 =	vmul.f32 v26, v17;
	v40 =	vld.idx.msk [tilespmem:v53+s11+$0x0], $0xffff  }
0x38a: {  	v12 =	vadd.f32 v54, v12;
	v29 =	vmul.f32 v29, v13;
	v41 =	vld.idx.msk [tilespmem:v59+s11+$0x0], $0xffff;
	v21 =	vmul.f32 v60, v10  }
0x38b: {  	v54 =	vadd.s32 $0x9, v20;
	v53 =	vadd.s32 $0x39, v18;
	v56 =	vld.idx.msk [tilespmem:v61+s11+$0x0], $0xffff;
	v26 =	vadd.f32 v28, v26  }
0x38c: {  	v44 =	vld.idx.msk [tilespmem:v62+s11+$0x0], $0xffff;
	v62 =	vadd.s32 $0x32, v18;
	v12 =	vmul.f32 v12, v9;
	v21 =	vadd.f32 v45, v21  }
0x38d: {  	v59 =	vadd.s32 $0x34, v18;
	v27 =	vadd.f32 v27, v29;
	v60 =	vadd.s32 $0x35, v18;
	v46 =	vld.idx.msk [tilespmem:v57+s11+$0x0], $0xffff  }
0x38e: {  	v51 =	vmul.f32 v26, v17;
	v30 =	vld.idx.msk [tilespmem:v58+s11+$0x0], $0xffff;
	v12 =	vadd.f32 v63, v12;
	v21 =	vmul.f32 v21, v10  }
0x38f: {  	v57 =	vadd.s32 $0x4, v20;
	v58 =	vadd.s32 $0x10, v22;
	v22 =	vadd.s32 $0xFFFFFE1C, v22;
	v47 =	vld.idx.msk [tilespmem:v52+s11+$0x0], $0xffff  }
0x390: {  	v52 =	vmul.u32 $0x12C, v25;
	v25 =	vld.idx.msk [tilespmem:v49+s11+$0x0], $0xffff;
	v12 =	vmul.f32 v12, v9;
	v21 =	vadd.f32 v43, v21  }
0x391: {  	v27 =	vmul.f32 v27, v13;
	v63 =	vadd.s32 $0x33, v18;
	v26 =	vld.idx.msk [tilespmem:v62+s11+$0x0], $0xffff;
	v62 =	vor.u32 $0x3, v20  }
0x392: {  	v61 =	vld.idx.msk [tilespmem:v54+s11+$0x0], $0xffff;
	v12 =	vadd.f32 v56, v12;
	v56 =	vadd.s32 $0x7, v20;
	v21 =	vmul.f32 v21, v10  }
0x393: {  	vm12 =	vgt.s32 v58, $0x1F3;
	v49 =	vadd.s32 $0x1A0, v6;
	v33 =	vadd.f32 v33, v51;
	v45 =	vld.idx.msk [tilespmem:v53+s11+$0x0], $0xffff  }
0x394: {  	v22 =	vsel vm12, v22, v58;
	v50 =	vadd.f32 v24, v27;
	v29 =	vld.idx.msk [tilespmem:v59+s11+$0x0], $0xffff;
	v21 =	vadd.f32 v47, v21  }
0x395: {  	v59 =	vadd.s32 $0x5, v20;
	v28 =	vld.idx.msk [tilespmem:v60+s11+$0x0], $0xffff;
	v43 =	vadd.s32 $0x30, v18;
	v12 =	vmul.f32 v12, v9  }
0x396: {  	v53 =	vor.u32 $0x2, v20;
	v23 =	vadd.s32 v52, v23;
	v52 =	vld.idx.msk [tilespmem:v62+s11+$0x0], $0xffff;
	v21 =	vmul.f32 v21, v10  }
0x397: {  	v60 =	vsel vm12, $0x1, v1;
	v62 =	vmul.f32 v50, v13;
	v12 =	vadd.f32 v61, v12;
	v48 =	vld.idx.msk [tilespmem:v56+s11+$0x0], $0xffff  }
0x398: {  	v27 =	vld.idx.msk [tilespmem:v63+s11+$0x0], $0xffff;
	v61 =	vmul.u32 $0x199A, v22;
	v46 =	vadd.f32 v46, v21;
	v21 =	vadd.s32 v60, v15  }
0x399: {  	v33 =	vmul.f32 v33, v17;
	v47 =	vld.idx.msk [tilespmem:v57+s11+$0x0], $0xffff;
	v57 =	vor.u32 $0x1, v20;
	v63 =	vmul.u32 $0x199A, v21  }
0x39a: {  	v24 =	vld.idx.msk [tilespmem:v43+s11+$0x0], $0xffff;
	v34 =	vadd.f32 v34, v62;
	v12 =	vmul.f32 v12, v9;
	v42 =	vshra.s32 v61, $0xF  }
0x39b: {  	v56 =	vld.idx.msk [tilespmem:v59+s11+$0x0], $0xffff;
	v62 =	vadd.s32 $0x2F, v18;
	v15 =	vmul.u32 $0x3C, v42;
	v43 =	vshra.s32 v63, $0xF  }
0x39c: {  	v31 =	vld.idx.msk [tilespmem:v55+s11+$0x0], $0xffff;
	v46 =	vmul.f32 v46, v10;
	v12 =	vadd.f32 v48, v12;
	v60 =	vmul.u32 $0x1770, v43  }
0x39d: {  	v33 =	vadd.f32 v11, v33;
	v61 =	vld.idx.msk [tilespmem:v53+s11+$0x0], $0xffff;
	v53 =	vadd.s32 $0x1A1, v6;
	v15 =	vadd.s32 v3, v15  }
0x39e: {  	v50 =	vld.idx.msk [tilespmem:v20+s11+$0x0], $0xffff;
	v46 =	vadd.f32 v47, v46;
	v12 =	vmul.f32 v12, v9;
	v15 =	vadd.s32 v60, v15  }
0x39f: {  	v19 =	vadd.s32 $0x2, v19;
	v33 =	vmul.f32 v33, v17;
	v54 =	vld.idx.msk [tilespmem:v57+s11+$0x0], $0xffff;
	v51 =	vadd.s32 $0x12, v15  }
0x3a0: {  	v48 =	vld.idx.msk [tilespmem:v23+s12+$0x0], $0xffff;
	v12 =	vadd.f32 v56, v12;
	v46 =	vmul.f32 v46, v10;
	v55 =	vadd.s32 $0x13, v15  }
0x3a1: {  	v32 =	vadd.f32 v32, v33;
	v34 =	vmul.f32 v34, v13;
	v33 =	vld.idx.msk [tilespmem:v62+s11+$0x0], $0xffff;
	v63 =	vadd.s32 $0x10, v15  }
0x3a2: {  	v11 =	vld.idx.msk [tilespmem:v53+s20+$0x0], $0xffff;
	v60 =	vadd.s32 $0x2E, v18;
	v46 =	vadd.f32 v61, v46;
	v61 =	vmul.f32 v12, v9  }
0x3a3: {  	v17 =	vmul.f32 v32, v17;
	v42 =	vmul.u32 $0x3, v42;
	v12 =	vld.idx.msk [tilespmem:v49+s20+$0x0], $0xffff;
	v49 =	vadd.s32 $0x11, v15  }
0x3a4: {  	v62 =	vadd.s32 $0xC, v15;
	v47 =	vadd.f32 v52, v61;
	v46 =	vmul.f32 v46, v10;
	v51 =	vld.idx.msk [tilespmem:v51+s11+$0x0], $0xffff  }
0x3a5: {  	v34 =	vadd.f32 v35, v34;
	v17 =	vadd.f32 v37, v17;
	v52 =	vadd.s32 $0xE, v15;
	v35 =	vld.idx.msk [tilespmem:v55+s11+$0x0], $0xffff  }
0x3a6: {  	v55 =	vadd.s32 $0x2C, v18;
	v46 =	vadd.f32 v50, v46;
	v47 =	vmul.f32 v47, v9;
	v50 =	vld.idx.msk [tilespmem:v63+s11+$0x0], $0xffff  }
0x3a7: {  	v57 =	vadd.s32 $0x24, v20;
	v63 =	vmul.f32 v34, v13;
	v34 =	vld.idx.msk [tilespmem:v60+s11+$0x0], $0xffff;
	v60 =	vadd.s32 $0xF, v15  }
0x3a8: {  	v61 =	vadd.s32 $0x26, v20;
	v49 =	vld.idx.msk [tilespmem:v49+s11+$0x0], $0xffff;
	v47 =	vadd.f32 v54, v47;
	v46 =	vadd.f32 v48, v46  }
0x3a9: {  	v62 =	vld.idx.msk [tilespmem:v62+s11+$0x0], $0xffff;
	v38 =	vadd.f32 v38, v63;
	v63 =	vadd.s32 $0x27, v20;
	v51 =	vmul.f32 v51, v12  }
0x3aa: {  	v17 =	vadd.f32 v39, v17;
	v54 =	vmul.f32 v40, v16;
	v52 =	vld.idx.msk [tilespmem:v52+s11+$0x0], $0xffff;
	v46 =	vadd.f32 v46, v47  }
0x3ab: {  	v32 =	vld.idx.msk [tilespmem:v55+s11+$0x0], $0xffff;
	v35 =	vmul.f32 v35, v11;
	v50 =	vadd.f32 v50, v51;
	v51 =	vadd.s32 $0xD, v15  }
0x3ac: {  	v43 =	vmul.u32 $0x12C, v43;
	v44 =	vadd.f32 v44, v54;
	v58 =	vld.idx.msk [tilespmem:v60+s11+$0x0], $0xffff;
	v60 =	vadd.s32 $0xA, v15;
	[tilespmem:s22+$0xFFFFE1B0] =	vst v46  }
0x3ad: {  	v55 =	vadd.s32 $0x22, v20;
	v46 =	vld.idx.msk [tilespmem:v61+s11+$0x0], $0xffff;
	v35 =	vadd.f32 v49, v35;
	v59 =	vmul.f32 v50, v12  }
0x3ae: {  	v13 =	vmul.f32 v38, v13;
	v54 =	vadd.s32 $0x21, v20;
	v44 =	vmul.f32 v44, v16;
	v47 =	vld.idx.msk [tilespmem:v63+s11+$0x0], $0xffff  }
0x3af: {  	v63 =	vadd.s32 $0xB, v15;
	v37 =	vld.idx.msk [tilespmem:v57+s11+$0x0], $0xffff;
	v35 =	vmul.f32 v35, v11;
	v48 =	vadd.f32 v52, v59  }
0x3b0: {  	v13 =	vadd.f32 v36, v13;
	v61 =	vadd.s32 $0x25, v20;
	v57 =	vadd.s32 $0x8, v15;
	v51 =	vld.idx.msk [tilespmem:v51+s11+$0x0], $0xffff  }
0x3b1: {  	v31 =	vadd.f32 v31, v44;
	v49 =	vld.idx.msk [tilespmem:v60+s11+$0x0], $0xffff;
	v35 =	vadd.f32 v58, v35;
	v56 =	vmul.f32 v48, v12  }
0x3b2: {  	v13 =	vadd.f32 v17, v13;
	v60 =	vadd.s32 $0x9, v15;
	v40 =	vld.idx.msk [tilespmem:v55+s11+$0x0], $0xffff;
	v55 =	vadd.s32 $0x7, v15  }
0x3b3: {  	v19 =	vld.idx.msk [tilespmem:v19+s12+$0x0], $0xffff;
	v31 =	vmul.f32 v31, v16;
	v35 =	vmul.f32 v35, v11;
	v38 =	vadd.f32 v62, v56  }
0x3b4: {  	v58 =	vmul.f32 v41, v14;
	v59 =	vadd.s32 $0x23, v20;
	v52 =	vadd.s32 $0x27, v15;
	v50 =	vld.idx.msk [tilespmem:v63+s11+$0x0], $0xffff  }
0x3b5: {  	v36 =	vld.idx.msk [tilespmem:v61+s11+$0x0], $0xffff;
	v63 =	vadd.s32 $0x6, v15;
	v35 =	vadd.f32 v51, v35;
	v38 =	vmul.f32 v38, v12  }
0x3b6: {  	v61 =	vmul.f32 v46, v10;
	v53 =	vmul.f32 v47, v9;
	v48 =	vld.idx.msk [tilespmem:v57+s11+$0x0], $0xffff;
	v62 =	vadd.s32 $0x20, v20  }
0x3b7: {  	v47 =	vld.idx.msk [tilespmem:v54+s11+$0x0], $0xffff;
	v54 =	vadd.s32 $0x1A, v20;
	v38 =	vadd.f32 v49, v38;
	v35 =	vmul.f32 v35, v11  }
0x3b8: {  	v45 =	vadd.f32 v45, v58;
	v58 =	vadd.s32 $0x1F, v20;
	v17 =	vadd.f32 v37, v61;
	v39 =	vld.idx.msk [tilespmem:v60+s11+$0x0], $0xffff  }
0x3b9: {  	v57 =	vadd.s32 $0x4, v15;
	v41 =	vld.idx.msk [tilespmem:v59+s11+$0x0], $0xffff;
	v35 =	vadd.f32 v50, v35;
	v38 =	vmul.f32 v38, v12  }
0x3ba: {  	v56 =	vadd.s32 $0x1E, v20;
	v17 =	vmul.f32 v17, v10;
	v36 =	vadd.f32 v36, v53;
	v51 =	vld.idx.msk [tilespmem:v63+s11+$0x0], $0xffff  }
0x3bb: {  	v59 =	vadd.s32 $0x5, v15;
	v46 =	vld.idx.msk [tilespmem:v62+s11+$0x0], $0xffff;
	v38 =	vadd.f32 v48, v38;
	v35 =	vmul.f32 v35, v11  }
0x3bc: {  	v60 =	vadd.s32 $0x1C, v20;
	v17 =	vadd.f32 v40, v17;
	v36 =	vmul.f32 v36, v9;
	v49 =	vld.idx.msk [tilespmem:v55+s11+$0x0], $0xffff  }
0x3bd: {  	v61 =	vor.u32 $0x2, v15;
	v40 =	vld.idx.msk [tilespmem:v58+s11+$0x0], $0xffff;
	v35 =	vadd.f32 v39, v35;
	v38 =	vmul.f32 v38, v12  }
0x3be: {  	v63 =	vor.u32 $0x3, v15;
	v17 =	vmul.f32 v17, v10;
	v36 =	vadd.f32 v41, v36;
	v50 =	vld.idx.msk [tilespmem:v57+s11+$0x0], $0xffff  }
0x3bf: {  	v37 =	vld.idx.msk [tilespmem:v56+s11+$0x0], $0xffff;
	v62 =	vadd.s32 $0x1D, v20;
	v38 =	vadd.f32 v51, v38;
	v35 =	vmul.f32 v35, v11  }
0x3c0: {  	v29 =	vadd.f32 v29, v31;
	v36 =	vmul.f32 v36, v9;
	v48 =	vld.idx.msk [tilespmem:v59+s11+$0x0], $0xffff;
	v17 =	vadd.f32 v46, v17  }
0x3c1: {  	v56 =	vadd.s32 v4, v42;
	v41 =	vld.idx.msk [tilespmem:v60+s11+$0x0], $0xffff;
	v35 =	vadd.f32 v49, v35;
	v38 =	vmul.f32 v38, v12  }
0x3c2: {  	v57 =	vor.u32 $0x1, v15;
	v36 =	vadd.f32 v47, v36;
	v39 =	vld.idx.msk [tilespmem:v61+s11+$0x0], $0xffff;
	v55 =	vmul.f32 v17, v10  }
0x3c3: {  	v59 =	vld.idx.msk [tilespmem:v63+s11+$0x0], $0xffff;
	v17 =	vadd.s32 v43, v56;
	v38 =	vadd.f32 v50, v38;
	v35 =	vmul.f32 v35, v11  }
0x3c4: {  	v58 =	vadd.s32 $0x1B, v20;
	v46 =	vld.idx.msk [tilespmem:v62+s11+$0x0], $0xffff;
	v36 =	vmul.f32 v36, v9;
	v37 =	vadd.f32 v37, v55  }
0x3c5: {  	v47 =	vld.idx.msk [tilespmem:v54+s11+$0x0], $0xffff;
	v62 =	vadd.s32 $0x2A, v18;
	v35 =	vadd.f32 v48, v35;
	v38 =	vmul.f32 v38, v12  }
0x3c6: {  	v61 =	vld.idx.msk [tilespmem:v15+s11+$0x0], $0xffff;
	v36 =	vadd.f32 v40, v36;
	v40 =	vadd.s32 $0x18, v20;
	v37 =	vmul.f32 v37, v10  }
0x3c7: {  	v60 =	vadd.s32 $0x2D, v18;
	v63 =	vld.idx.msk [tilespmem:v57+s11+$0x0], $0xffff;
	v38 =	vadd.f32 v39, v38;
	v35 =	vmul.f32 v35, v11  }
0x3c8: {  	v56 =	vadd.s32 $0x19, v20;
	v36 =	vmul.f32 v36, v9;
	v57 =	vld.idx.msk [tilespmem:v17+s12+$0x0], $0xffff;
	v37 =	vadd.f32 v41, v37  }
0x3c9: {  	v43 =	vld.idx.msk [tilespmem:v58+s11+$0x0], $0xffff;
	v58 =	vadd.s32 $0x16, v20;
	v49 =	vadd.f32 v59, v35;
	v38 =	vmul.f32 v38, v12  }
0x3ca: {  	v46 =	vadd.f32 v46, v36;
	v36 =	vld.idx.msk [tilespmem:v62+s11+$0x0], $0xffff;
	v62 =	vadd.s32 $0x15, v20;
	v37 =	vmul.f32 v37, v10  }
0x3cb: {  	v40 =	vld.idx.msk [tilespmem:v40+s11+$0x0], $0xffff;
	v59 =	vadd.s32 $0x17, v20;
	v38 =	vadd.f32 v61, v38;
	v61 =	vmul.f32 v49, v11  }
0x3cc: {  	v46 =	vmul.f32 v46, v9;
	v35 =	vld.idx.msk [tilespmem:v60+s11+$0x0], $0xffff;
	v60 =	vadd.s32 $0x14, v20;
	v37 =	vadd.f32 v47, v37  }
0x3cd: {  	v41 =	vld.idx.msk [tilespmem:v56+s11+$0x0], $0xffff;
	v39 =	vadd.f32 v63, v61;
	v38 =	vadd.f32 v57, v38;
	v63 =	vadd.s32 $0x26, v15  }
0x3ce: {  	v29 =	vmul.f32 v29, v16;
	v43 =	vadd.f32 v43, v46;
	v46 =	vld.idx.msk [tilespmem:v58+s11+$0x0], $0xffff;
	v37 =	vmul.f32 v37, v10  }
0x3cf: {  	v54 =	vadd.s32 $0x24, v15;
	v58 =	vmul.f32 v45, v14;
	v45 =	vld.idx.msk [tilespmem:v62+s11+$0x0], $0xffff;
	v38 =	vadd.f32 v38, v39  }
0x3d0: {  	v37 =	vadd.f32 v40, v37;
	v57 =	vadd.s32 $0x1, v23;
	v49 =	vld.idx.msk [tilespmem:v59+s11+$0x0], $0xffff  }
0x3d1: {  	v26 =	vadd.f32 v26, v29;
	v55 =	vmul.f32 v43, v9;
	v56 =	vld.idx.msk [tilespmem:v60+s11+$0x0], $0xffff;
	v59 =	vadd.s32 $0x25, v15;
	[tilespmem:s22+$0xFFFFE1C0] =	vst v38  }
0x3d2: {  	v30 =	vadd.f32 v30, v58;
	v58 =	vadd.s32 $0x21, v15;
	v37 =	vmul.f32 v37, v10;
	v61 =	vld.idx.msk [tilespmem:v63+s11+$0x0], $0xffff  }
0x3d3: {  	v26 =	vmul.f32 v26, v16;
	v62 =	vld.idx.msk [tilespmem:v52+s11+$0x0], $0xffff;
	v63 =	vadd.s32 $0x22, v15  }
0x3d4: {  	v40 =	vadd.f32 v41, v55;
	v60 =	vadd.s32 $0x2B, v18;
	v37 =	vadd.f32 v46, v37;
	v39 =	vld.idx.msk [tilespmem:v54+s11+$0x0], $0xffff  }
0x3d5: {  	v24 =	vadd.f32 v24, v26;
	v30 =	vmul.f32 v30, v14;
	v53 =	vld.idx.msk [tilespmem:v57+s12+$0x0], $0xffff;
	v54 =	vadd.s32 $0x23, v15  }
0x3d6: {  	v48 =	vadd.s32 $0x1F, v15;
	v40 =	vmul.f32 v40, v9;
	v37 =	vmul.f32 v37, v10;
	v38 =	vld.idx.msk [tilespmem:v59+s11+$0x0], $0xffff  }
0x3d7: {  	v55 =	vadd.s32 $0x20, v15;
	v28 =	vadd.f32 v28, v30;
	v50 =	vld.idx.msk [tilespmem:v58+s11+$0x0], $0xffff;
	v41 =	vmul.f32 v61, v12  }
0x3d8: {  	v51 =	vadd.s32 $0x1C, v15;
	v40 =	vadd.f32 v49, v40;
	v37 =	vadd.f32 v56, v37;
	v56 =	vld.idx.msk [tilespmem:v63+s11+$0x0], $0xffff  }
0x3d9: {  	v52 =	vadd.s32 $0x28, v18;
	v30 =	vld.idx.msk [tilespmem:v60+s11+$0x0], $0xffff;
	v57 =	vmul.f32 v62, v11;
	v39 =	vadd.f32 v39, v41  }
0x3da: {  	v24 =	vmul.f32 v24, v16;
	v18 =	vadd.s32 $0x29, v18;
	v40 =	vmul.f32 v40, v9;
	v60 =	vld.idx.msk [tilespmem:v54+s11+$0x0], $0xffff  }
0x3db: {  	v43 =	vld.idx.msk [tilespmem:v48+s11+$0x0], $0xffff;
	v61 =	vadd.s32 $0x1E, v15;
	v38 =	vadd.f32 v38, v57;
	v39 =	vmul.f32 v39, v12  }
0x3dc: {  	v59 =	vadd.s32 $0x3A, v20;
	v40 =	vadd.f32 v45, v40;
	v31 =	vadd.f32 v53, v37;
	v63 =	vld.idx.msk [tilespmem:v55+s11+$0x0], $0xffff  }
0x3dd: {  	v42 =	vld.idx.msk [tilespmem:v51+s11+$0x0], $0xffff;
	v62 =	vadd.s32 $0x3B, v20;
	v38 =	vmul.f32 v38, v11;
	v39 =	vadd.f32 v56, v39  }
0x3de: {  	v28 =	vmul.f32 v28, v14;
	v49 =	vadd.s32 $0x38, v20;
	v44 =	vld.idx.msk [tilespmem:v52+s11+$0x0], $0xffff;
	v31 =	vadd.f32 v31, v40  }
0x3df: {  	v18 =	vld.idx.msk [tilespmem:v18+s11+$0x0], $0xffff;
	v52 =	vadd.s32 $0x39, v20;
	v38 =	vadd.f32 v60, v38;
	v39 =	vmul.f32 v39, v12  }
0x3e0: {  	v24 =	vadd.f32 v34, v24;
	v27 =	vadd.f32 v27, v28;
	v53 =	vadd.s32 $0x1D, v15;
	[tilespmem:s22+$0x40] =	vst v31;
	v41 =	vld.idx.msk [tilespmem:v61+s11+$0x0], $0xffff  }
0x3e1: {  	v55 =	vadd.s32 $0x36, v20;
	v37 =	vld.idx.msk [tilespmem:v59+s11+$0x0], $0xffff;
	v38 =	vmul.f32 v38, v11;
	v39 =	vadd.f32 v63, v39  }
0x3e2: {  	v24 =	vmul.f32 v24, v16;
	v58 =	vadd.s32 $0x37, v20;
	v54 =	vmul.f32 v27, v14;
	v40 =	vld.idx.msk [tilespmem:v62+s11+$0x0], $0xffff  }
0x3e3: {  	v57 =	vadd.s32 $0x1A, v15;
	v29 =	vld.idx.msk [tilespmem:v49+s11+$0x0], $0xffff;
	v31 =	vadd.f32 v50, v38;
	v56 =	vmul.f32 v39, v12  }
0x3e4: {  	v24 =	vadd.f32 v32, v24;
	v25 =	vadd.f32 v25, v54;
	v28 =	vld.idx.msk [tilespmem:v52+s11+$0x0], $0xffff;
	v62 =	vadd.s32 $0x35, v20  }
0x3e5: {  	v59 =	vadd.s32 $0x1B, v15;
	v45 =	vld.idx.msk [tilespmem:v53+s11+$0x0], $0xffff;
	v31 =	vmul.f32 v31, v11;
	v38 =	vadd.f32 v41, v56  }
0x3e6: {  	v24 =	vmul.f32 v24, v16;
	v25 =	vmul.f32 v25, v14;
	v27 =	vld.idx.msk [tilespmem:v55+s11+$0x0], $0xffff;
	v49 =	vadd.s32 $0x16, v15  }
0x3e7: {  	v61 =	vadd.s32 $0x18, v15;
	v46 =	vld.idx.msk [tilespmem:v58+s11+$0x0], $0xffff;
	v31 =	vadd.f32 v43, v31;
	v38 =	vmul.f32 v38, v12  }
0x3e8: {  	v24 =	vadd.f32 v36, v24;
	v60 =	vadd.s32 $0x34, v20;
	v25 =	vadd.f32 v33, v25;
	v39 =	vld.idx.msk [tilespmem:v57+s11+$0x0], $0xffff  }
0x3e9: {  	v47 =	vadd.s32 $0x19, v15;
	v33 =	vld.idx.msk [tilespmem:v62+s11+$0x0], $0xffff;
	v31 =	vmul.f32 v31, v11;
	v63 =	vadd.f32 v42, v38  }
0x3ea: {  	v16 =	vmul.f32 v24, v16;
	v52 =	vadd.s32 $0x30, v20;
	v25 =	vmul.f32 v25, v14;
	v41 =	vld.idx.msk [tilespmem:v59+s11+$0x0], $0xffff  }
0x3eb: {  	v53 =	vadd.s32 $0x14, v15;
	v54 =	vld.idx.msk [tilespmem:v49+s11+$0x0], $0xffff;
	v31 =	vadd.f32 v45, v31;
	v26 =	vmul.f32 v63, v12  }
0x3ec: {  	v48 =	vadd.s32 $0x32, v20;
	v55 =	vadd.s32 $0x15, v15;
	v25 =	vadd.f32 v35, v25;
	v43 =	vld.idx.msk [tilespmem:v61+s11+$0x0], $0xffff  }
0x3ed: {  	v51 =	vadd.s32 $0x17, v15;
	v34 =	vld.idx.msk [tilespmem:v60+s11+$0x0], $0xffff;
	v31 =	vmul.f32 v31, v11;
	v26 =	vadd.f32 v39, v26  }
0x3ee: {  	v16 =	vadd.f32 v44, v16;
	v60 =	vadd.s32 $0x2F, v20;
	v25 =	vmul.f32 v25, v14;
	v38 =	vld.idx.msk [tilespmem:v47+s11+$0x0], $0xffff  }
0x3ef: {  	v44 =	vld.idx.msk [tilespmem:v52+s11+$0x0], $0xffff;
	v56 =	vadd.s32 $0x1, v17;
	v31 =	vadd.f32 v41, v31;
	v26 =	vmul.f32 v26, v12  }
0x3f0: {  	v58 =	vadd.s32 $0x2E, v20;
	v16 =	vadd.f32 v19, v16;
	v50 =	vadd.s32 $0x33, v20;
	v32 =	vld.idx.msk [tilespmem:v53+s11+$0x0], $0xffff  }
0x3f1: {  	v25 =	vadd.f32 v30, v25;
	v30 =	vld.idx.msk [tilespmem:v55+s11+$0x0], $0xffff;
	v31 =	vmul.f32 v31, v11;
	v26 =	vadd.f32 v43, v26  }
0x3f2: {  	v19 =	vadd.s32 $0x36, v15;
	v53 =	vmul.f32 v40, v9;
	v57 =	vadd.s32 $0x31, v20;
	v39 =	vld.idx.msk [tilespmem:v51+s11+$0x0], $0xffff  }
0x3f3: {  	v61 =	vadd.s32 $0x2C, v20;
	v49 =	vld.idx.msk [tilespmem:v60+s11+$0x0], $0xffff;
	v31 =	vadd.f32 v38, v31;
	v26 =	vmul.f32 v26, v12  }
0x3f4: {  	v28 =	vadd.f32 v28, v53;
	v14 =	vmul.f32 v25, v14;
	v42 =	vld.idx.msk [tilespmem:v56+s12+$0x0], $0xffff;
	v56 =	vadd.s32 $0x2, v23  }
0x3f5: {  	v45 =	vld.idx.msk [tilespmem:v48+s11+$0x0], $0xffff;
	v63 =	vadd.s32 $0x2D, v20;
	v62 =	vmul.f32 v31, v11;
	v24 =	vadd.f32 v54, v26  }
0x3f6: {  	v59 =	vmul.f32 v37, v10;
	v55 =	vadd.s32 $0x28, v20;
	v47 =	vld.idx.msk [tilespmem:v50+s11+$0x0], $0xffff;
	v14 =	vadd.f32 v18, v14  }
0x3f7: {  	v48 =	vld.idx.msk [tilespmem:v58+s11+$0x0], $0xffff;
	v26 =	vadd.f32 v39, v62;
	v54 =	vadd.s32 $0x2B, v20;
	v24 =	vmul.f32 v24, v12  }
0x3f8: {  	v18 =	vadd.f32 v29, v59;
	v58 =	vmul.f32 v28, v9;
	v50 =	vld.idx.msk [tilespmem:v61+s11+$0x0], $0xffff;
	v43 =	vadd.s32 $0x2A, v20  }
0x3f9: {  	v59 =	vadd.s32 $0x3A, v15;
	v25 =	vld.idx.msk [tilespmem:v56+s12+$0x0], $0xffff;
	v26 =	vmul.f32 v26, v11;
	v24 =	vadd.f32 v32, v24  }
0x3fa: {  	v61 =	vadd.s32 $0x10, v22;
	v18 =	vmul.f32 v18, v10;
	v51 =	vld.idx.msk [tilespmem:v63+s11+$0x0], $0xffff;
	v20 =	vadd.s32 $0x29, v20  }
0x3fb: {  	v22 =	vadd.s32 $0xFFFFFE1C, v22;
	v31 =	vld.idx.msk [tilespmem:v57+s11+$0x0], $0xffff;
	v57 =	vadd.f32 v30, v26;
	v24 =	vadd.f32 v42, v24  }
0x3fc: {  	vm13 =	vgt.s32 v61, $0x1F3;
	v18 =	vadd.f32 v27, v18;
	v28 =	vld.idx.msk [tilespmem:v54+s11+$0x0], $0xffff;
	v54 =	vadd.s32 $0x1C0, v6  }
0x3fd: {  	v60 =	vadd.s32 $0x3B, v15;
	v22 =	vsel vm13, v22, v61;
	v32 =	vld.idx.msk [tilespmem:v43+s11+$0x0], $0xffff;
	v23 =	vadd.f32 v24, v57  }
0x3fe: {  	v18 =	vmul.f32 v18, v10;
	v63 =	vadd.s32 $0x39, v15;
	v26 =	vld.idx.msk [tilespmem:v55+s11+$0x0], $0xffff;
	v55 =	vsel vm13, $0x1, v1  }
0x3ff: {  	v56 =	vmul.u32 $0x199A, v22;
	v62 =	vadd.s32 $0x38, v15;
	v27 =	vld.idx.msk [tilespmem:v20+s11+$0x0], $0xffff;
	[tilespmem:s22+$0x50] =	vst v23;
	v23 =	vadd.s32 v55, v21  }
0x400: {  	v14 =	vadd.f32 v16, v14;
	v57 =	vadd.f32 v46, v58;
	v46 =	vld.idx.msk [tilespmem:v59+s11+$0x0], $0xffff;
	v59 =	vmul.u32 $0x199A, v23  }
0x401: {  	v61 =	vadd.s32 $0x35, v15;
	v18 =	vadd.f32 v34, v18;
	v30 =	vshra.s32 v56, $0xF;
	v20 =	vld.idx.msk [tilespmem:v54+s20+$0x0], $0xffff  }
0x402: {  	v58 =	vadd.s32 $0x37, v15;
	v21 =	vmul.u32 $0x3C, v30;
	v41 =	vld.idx.msk [tilespmem:v60+s11+$0x0], $0xffff;
	v29 =	vshra.s32 v59, $0xF  }
0x403: {  	v18 =	vmul.f32 v18, v10;
	v42 =	vld.idx.msk [tilespmem:v63+s11+$0x0], $0xffff;
	v63 =	vadd.s32 $0x32, v15;
	v53 =	vmul.u32 $0x1770, v29  }
0x404: {  	v55 =	vadd.s32 $0x1C1, v6;
	v52 =	vld.idx.msk [tilespmem:v62+s11+$0x0], $0xffff;
	v62 =	vmul.f32 v57, v9;
	v21 =	vadd.s32 v3, v21  }
0x405: {  	v40 =	vadd.f32 v45, v18;
	v60 =	vadd.s32 $0x34, v15;
	v39 =	vld.idx.msk [tilespmem:v19+s11+$0x0], $0xffff;
	v21 =	vadd.s32 v53, v21  }
0x406: {  	v54 =	vadd.s32 $0x1E1, v6;
	v35 =	vld.idx.msk [tilespmem:v61+s11+$0x0], $0xffff;
	v33 =	vadd.f32 v33, v62;
	v56 =	vadd.s32 $0x12, v21  }
0x407: {  	v37 =	vld.idx.msk [tilespmem:v58+s11+$0x0], $0xffff;
	v62 =	vadd.s32 $0x10, v22;
	v58 =	vadd.s32 $0xFFFFFE1C, v22;
	v57 =	vadd.s32 $0x13, v21  }
0x408: {  	v22 =	vadd.s32 $0x33, v15;
	vm14 =	vgt.s32 v62, $0x1F3;
	v34 =	vld.idx.msk [tilespmem:v63+s11+$0x0], $0xffff;
	v63 =	vadd.s32 $0x10, v21  }
0x409: {  	v33 =	vmul.f32 v33, v9;
	v16 =	vsel vm14, v58, v62;
	v59 =	vsel vm14, $0x1, v1;
	v19 =	vld.idx.msk [tilespmem:v55+s20+$0x0], $0xffff  }
0x40a: {  	v36 =	vld.idx.msk [tilespmem:v60+s11+$0x0], $0xffff;
	v18 =	vadd.s32 v59, v23;
	v60 =	vmul.u32 $0x199A, v16;
	v53 =	vadd.s32 $0x11, v21  }
0x40b: {  	v30 =	vmul.u32 $0x3, v30;
	v62 =	vmul.f32 v40, v10;
	v61 =	vmul.u32 $0x199A, v18;
	v24 =	vld.idx.msk [tilespmem:v56+s11+$0x0], $0xffff  }
0x40c: {  	v33 =	vadd.f32 v47, v33;
	v47 =	vadd.s32 $0xE, v21;
	v40 =	vshra.s32 v60, $0xF;
	v55 =	vld.idx.msk [tilespmem:v57+s11+$0x0], $0xffff  }
0x40d: {  	v45 =	vadd.s32 $0xC, v21;
	v43 =	vshra.s32 v61, $0xF;
	v23 =	vld.idx.msk [tilespmem:v63+s11+$0x0], $0xffff;
	v63 =	vmul.u32 $0x3C, v40  }
0x40e: {  	v44 =	vadd.f32 v44, v62;
	v38 =	vld.idx.msk [tilespmem:v22+s11+$0x0], $0xffff;
	v61 =	vmul.u32 $0x1770, v43;
	v56 =	vadd.s32 $0xF, v21  }
0x40f: {  	v60 =	vadd.s32 $0xD, v21;
	v33 =	vmul.f32 v33, v9;
	v53 =	vld.idx.msk [tilespmem:v53+s11+$0x0], $0xffff;
	v57 =	vadd.s32 v3, v63  }
0x410: {  	v58 =	vadd.s32 $0x1E0, v6;
	v22 =	vld.idx.msk [tilespmem:v54+s20+$0x0], $0xffff;
	v59 =	vmul.f32 v24, v20;
	v24 =	vadd.s32 v61, v57  }
0x411: {  	v62 =	vmul.f32 v44, v10;
	v31 =	vadd.f32 v31, v33;
	v47 =	vld.idx.msk [tilespmem:v47+s11+$0x0], $0xffff;
	v44 =	vadd.s32 $0x12, v24  }
0x412: {  	v45 =	vld.idx.msk [tilespmem:v45+s11+$0x0], $0xffff;
	v55 =	vmul.f32 v55, v19;
	v57 =	vadd.s32 $0x13, v24;
	v23 =	vadd.f32 v23, v59  }
0x413: {  	v33 =	vadd.f32 v48, v62;
	v31 =	vmul.f32 v31, v9;
	v56 =	vld.idx.msk [tilespmem:v56+s11+$0x0], $0xffff;
	v59 =	vadd.s32 $0x10, v24  }
0x414: {  	v48 =	vld.idx.msk [tilespmem:v60+s11+$0x0], $0xffff;
	v60 =	vadd.s32 $0xA, v21;
	v53 =	vadd.f32 v53, v55;
	v55 =	vmul.f32 v23, v20  }
0x415: {  	v33 =	vmul.f32 v33, v10;
	v31 =	vadd.f32 v49, v31;
	v49 =	vadd.s32 $0x11, v24;
	v23 =	vld.idx.msk [tilespmem:v58+s20+$0x0], $0xffff  }
0x416: {  	v54 =	vadd.s32 $0xB, v21;
	v53 =	vmul.f32 v53, v19;
	v47 =	vadd.f32 v47, v55;
	v63 =	vld.idx.msk [tilespmem:v44+s11+$0x0], $0xffff  }
0x417: {  	v31 =	vmul.f32 v31, v9;
	v44 =	vadd.f32 v50, v33;
	v33 =	vld.idx.msk [tilespmem:v57+s11+$0x0], $0xffff;
	v50 =	vadd.s32 $0xE, v24  }
0x418: {  	v61 =	vadd.s32 $0x8, v21;
	v53 =	vadd.f32 v56, v53;
	v57 =	vld.idx.msk [tilespmem:v59+s11+$0x0], $0xffff;
	v47 =	vmul.f32 v47, v20  }
0x419: {  	v46 =	vmul.f32 v46, v12;
	v31 =	vadd.f32 v51, v31;
	v51 =	vld.idx.msk [tilespmem:v60+s11+$0x0], $0xffff;
	v58 =	vadd.s32 $0xF, v24  }
0x41a: {  	v62 =	vadd.s32 $0x9, v21;
	v49 =	vld.idx.msk [tilespmem:v49+s11+$0x0], $0xffff;
	v53 =	vmul.f32 v53, v19;
	v47 =	vadd.f32 v45, v47  }
0x41b: {  	v45 =	vadd.f32 v52, v46;
	v46 =	vld.idx.msk [tilespmem:v54+s11+$0x0], $0xffff;
	v54 =	vadd.s32 $0xC, v24;
	v63 =	vmul.f32 v63, v23  }
0x41c: {  	v60 =	vadd.s32 $0x6, v21;
	v48 =	vadd.f32 v48, v53;
	v50 =	vld.idx.msk [tilespmem:v50+s11+$0x0], $0xffff;
	v47 =	vmul.f32 v47, v20  }
0x41d: {  	v61 =	vld.idx.msk [tilespmem:v61+s11+$0x0], $0xffff;
	v56 =	vadd.s32 $0xD, v24;
	v33 =	vmul.f32 v33, v22;
	v52 =	vadd.f32 v57, v63  }
0x41e: {  	v48 =	vmul.f32 v48, v19;
	v57 =	vld.idx.msk [tilespmem:v58+s11+$0x0], $0xffff;
	v63 =	vadd.s32 $0x30, v15;
	v47 =	vadd.f32 v51, v47  }
0x41f: {  	v58 =	vld.idx.msk [tilespmem:v62+s11+$0x0], $0xffff;
	v33 =	vadd.f32 v49, v33;
	v62 =	vmul.f32 v52, v23;
	v52 =	vadd.s32 $0xA, v24  }
0x420: {  	v51 =	vadd.s32 $0x7, v21;
	v46 =	vadd.f32 v46, v48;
	v54 =	vld.idx.msk [tilespmem:v54+s11+$0x0], $0xffff;
	v47 =	vmul.f32 v47, v20  }
0x421: {  	v53 =	vld.idx.msk [tilespmem:v60+s11+$0x0], $0xffff;
	v60 =	vadd.s32 $0xB, v24;
	v33 =	vmul.f32 v33, v22;
	v49 =	vadd.f32 v50, v62  }
0x422: {  	v56 =	vld.idx.msk [tilespmem:v56+s11+$0x0], $0xffff;
	v46 =	vmul.f32 v46, v19;
	v47 =	vadd.f32 v61, v47;
	v61 =	vadd.s32 $0x4, v21  }
0x423: {  	v62 =	vadd.s32 $0x8, v24;
	v57 =	vadd.f32 v57, v33;
	v33 =	vld.idx.msk [tilespmem:v63+s11+$0x0], $0xffff;
	v49 =	vmul.f32 v49, v23  }
0x424: {  	v46 =	vadd.f32 v58, v46;
	v58 =	vadd.s32 $0x5, v21;
	v47 =	vmul.f32 v47, v20;
	v52 =	vld.idx.msk [tilespmem:v52+s11+$0x0], $0xffff  }
0x425: {  	v51 =	vld.idx.msk [tilespmem:v51+s11+$0x0], $0xffff;
	v57 =	vmul.f32 v57, v22;
	v63 =	vadd.f32 v54, v49;
	v54 =	vadd.s32 $0x9, v24  }
0x426: {  	v30 =	vadd.s32 v4, v30;
	v50 =	vld.idx.msk [tilespmem:v60+s11+$0x0], $0xffff;
	v47 =	vadd.f32 v53, v47;
	v53 =	vor.u32 $0x2, v21  }
0x427: {  	v60 =	vadd.s32 $0x6, v24;
	v49 =	vadd.f32 v56, v57;
	v55 =	vld.idx.msk [tilespmem:v61+s11+$0x0], $0xffff;
	v48 =	vmul.f32 v63, v23  }
0x428: {  	v29 =	vmul.u32 $0x12C, v29;
	v46 =	vmul.f32 v46, v19;
	v62 =	vld.idx.msk [tilespmem:v62+s11+$0x0], $0xffff;
	v61 =	vor.u32 $0x3, v21  }
0x429: {  	v63 =	vadd.s32 $0x7, v24;
	v58 =	vld.idx.msk [tilespmem:v58+s11+$0x0], $0xffff;
	v49 =	vmul.f32 v49, v22;
	v48 =	vadd.f32 v52, v48  }
0x42a: {  	v29 =	vadd.s32 v29, v30;
	v46 =	vadd.f32 v51, v46;
	v47 =	vmul.f32 v47, v20;
	v54 =	vld.idx.msk [tilespmem:v54+s11+$0x0], $0xffff  }
0x42b: {  	v49 =	vadd.f32 v50, v49;
	v50 =	vadd.s32 $0x4, v24;
	v53 =	vld.idx.msk [tilespmem:v53+s11+$0x0], $0xffff;
	v48 =	vmul.f32 v48, v23  }
0x42c: {  	v56 =	vld.idx.msk [tilespmem:v60+s11+$0x0], $0xffff;
	v46 =	vmul.f32 v46, v19;
	v47 =	vadd.f32 v55, v47;
	v55 =	vor.u32 $0x1, v21  }
0x42d: {  	v57 =	vadd.s32 $0x5, v24;
	v51 =	vld.idx.msk [tilespmem:v61+s11+$0x0], $0xffff;
	v49 =	vmul.f32 v49, v22;
	v48 =	vadd.f32 v62, v48  }
0x42e: {  	v44 =	vmul.f32 v44, v10;
	v60 =	vadd.f32 v58, v46;
	v62 =	vld.idx.msk [tilespmem:v63+s11+$0x0], $0xffff;
	v61 =	vmul.f32 v47, v20  }
0x42f: {  	v52 =	vld.idx.msk [tilespmem:v21+s11+$0x0], $0xffff;
	v63 =	vor.u32 $0x2, v24;
	v49 =	vadd.f32 v54, v49;
	v48 =	vmul.f32 v48, v23  }
0x430: {  	v58 =	vadd.s32 $0x31, v15;
	v30 =	vmul.f32 v60, v19;
	v50 =	vld.idx.msk [tilespmem:v50+s11+$0x0], $0xffff;
	v46 =	vadd.f32 v53, v61  }
0x431: {  	v53 =	vld.idx.msk [tilespmem:v55+s11+$0x0], $0xffff;
	v48 =	vadd.f32 v56, v48;
	v49 =	vmul.f32 v49, v22;
	v55 =	vor.u32 $0x3, v24  }
0x432: {  	v57 =	vld.idx.msk [tilespmem:v57+s11+$0x0], $0xffff;
	v60 =	vmul.u32 $0x3, v40;
	v40 =	vmul.u32 $0x12C, v43;
	v56 =	vadd.s32 $0x2E, v15  }
0x433: {  	v59 =	vld.idx.msk [tilespmem:v29+s12+$0x0], $0xffff;
	v51 =	vadd.f32 v51, v30;
	v61 =	vadd.f32 v62, v49;
	v62 =	vmul.f32 v48, v23  }
0x434: {  	v30 =	vadd.s32 v4, v60;
	v60 =	vor.u32 $0x1, v24;
	v46 =	vmul.f32 v46, v20;
	v63 =	vld.idx.msk [tilespmem:v63+s11+$0x0], $0xffff  }
0x435: {  	v30 =	vadd.s32 v40, v30;
	v40 =	vld.idx.msk [tilespmem:v58+s11+$0x0], $0xffff;
	v47 =	vadd.f32 v50, v62;
	v61 =	vmul.f32 v61, v22  }
0x436: {  	v54 =	vadd.s32 $0x2F, v15;
	v51 =	vmul.f32 v51, v19;
	v46 =	vadd.f32 v52, v46;
	v62 =	vld.idx.msk [tilespmem:v55+s11+$0x0], $0xffff  }
0x437: {  	v43 =	vld.idx.msk [tilespmem:v56+s11+$0x0], $0xffff;
	v55 =	vadd.s32 $0x2C, v15;
	v50 =	vadd.f32 v57, v61;
	v47 =	vmul.f32 v47, v23  }
0x438: {  	v51 =	vadd.f32 v53, v51;
	v46 =	vadd.f32 v59, v46;
	v53 =	vadd.s32 $0x26, v21;
	v56 =	vld.idx.msk [tilespmem:v24+s11+$0x0], $0xffff  }
0x439: {  	v49 =	vld.idx.msk [tilespmem:v60+s11+$0x0], $0xffff;
	v57 =	vadd.s32 $0x27, v21;
	v47 =	vadd.f32 v63, v47;
	v63 =	vmul.f32 v50, v22  }
0x43a: {  	v60 =	vmul.f32 v41, v11;
	v61 =	vld.idx.msk [tilespmem:v30+s12+$0x0], $0xffff;
	v46 =	vadd.f32 v46, v51;
	v51 =	vadd.s32 $0x24, v21  }
0x43b: {  	v41 =	vld.idx.msk [tilespmem:v54+s11+$0x0], $0xffff;
	v48 =	vadd.f32 v62, v63;
	v62 =	vadd.s32 $0x25, v21;
	v47 =	vmul.f32 v47, v23  }
0x43c: {  	v45 =	vmul.f32 v45, v12;
	v54 =	vadd.s32 $0x23, v21;
	v50 =	vadd.f32 v42, v60;
	[tilespmem:s22+$0xFFFFE1D0] =	vst v46;
	v42 =	vld.idx.msk [tilespmem:v55+s11+$0x0], $0xffff  }
0x43d: {  	v46 =	vadd.s32 $0x22, v21;
	v53 =	vld.idx.msk [tilespmem:v53+s11+$0x0], $0xffff;
	v47 =	vadd.f32 v56, v47;
	v48 =	vmul.f32 v48, v22  }
0x43e: {  	v39 =	vadd.f32 v39, v45;
	v60 =	vadd.s32 $0x20, v21;
	v63 =	vmul.f32 v50, v11;
	v59 =	vld.idx.msk [tilespmem:v57+s11+$0x0], $0xffff  }
0x43f: {  	v48 =	vadd.f32 v49, v48;
	v49 =	vld.idx.msk [tilespmem:v51+s11+$0x0], $0xffff;
	v47 =	vadd.f32 v61, v47;
	v61 =	vadd.s32 $0x26, v24  }
0x440: {  	v32 =	vadd.f32 v32, v44;
	v37 =	vadd.f32 v37, v63;
	v45 =	vld.idx.msk [tilespmem:v62+s11+$0x0], $0xffff;
	v62 =	vadd.s32 $0x27, v24  }
0x441: {  	v39 =	vmul.f32 v39, v12;
	v44 =	vld.idx.msk [tilespmem:v54+s11+$0x0], $0xffff;
	v63 =	vadd.s32 $0x24, v24;
	v47 =	vadd.f32 v47, v48  }
0x442: {  	v54 =	vadd.s32 $0x25, v24;
	v46 =	vld.idx.msk [tilespmem:v46+s11+$0x0], $0xffff;
	v37 =	vmul.f32 v37, v11  }
0x443: {  	v36 =	vadd.f32 v36, v39;
	v58 =	vadd.s32 $0x21, v21;
	v57 =	vmul.f32 v53, v20;
	v53 =	vld.idx.msk [tilespmem:v60+s11+$0x0], $0xffff;
	[tilespmem:s22+$0xFFFFE1E0] =	vst v47  }
0x444: {  	v60 =	vadd.s32 $0x1E, v21;
	v35 =	vadd.f32 v35, v37;
	v59 =	vmul.f32 v59, v19;
	v51 =	vld.idx.msk [tilespmem:v61+s11+$0x0], $0xffff  }
0x445: {  	v36 =	vmul.f32 v36, v12;
	v52 =	vadd.s32 $0x22, v24;
	v39 =	vadd.f32 v49, v57;
	v61 =	vld.idx.msk [tilespmem:v62+s11+$0x0], $0xffff  }
0x446: {  	v48 =	vadd.s32 $0x23, v24;
	v62 =	vmul.f32 v35, v11;
	v37 =	vadd.f32 v45, v59;
	v45 =	vld.idx.msk [tilespmem:v63+s11+$0x0], $0xffff  }
0x447: {  	v57 =	vadd.s32 $0x1F, v21;
	v54 =	vld.idx.msk [tilespmem:v54+s11+$0x0], $0xffff;
	v35 =	vadd.f32 v34, v36;
	v63 =	vmul.f32 v39, v20  }
0x448: {  	v34 =	vadd.f32 v38, v62;
	v37 =	vmul.f32 v37, v19;
	v38 =	vld.idx.msk [tilespmem:v58+s11+$0x0], $0xffff;
	v58 =	vadd.s32 $0x1C, v21  }
0x449: {  	v36 =	vadd.f32 v46, v63;
	v46 =	vld.idx.msk [tilespmem:v60+s11+$0x0], $0xffff;
	v60 =	vadd.s32 $0x20, v24;
	v59 =	vmul.f32 v51, v23  }
0x44a: {  	v62 =	vld.idx.msk [tilespmem:v52+s11+$0x0], $0xffff;
	v52 =	vadd.s32 $0x21, v24;
	v37 =	vadd.f32 v44, v37  }
0x44b: {  	v48 =	vld.idx.msk [tilespmem:v48+s11+$0x0], $0xffff;
	v63 =	vadd.s32 $0x1D, v21;
	v36 =	vmul.f32 v36, v20;
	v45 =	vadd.f32 v45, v59  }
0x44c: {  	v39 =	vld.idx.msk [tilespmem:v57+s11+$0x0], $0xffff;
	v57 =	vadd.s32 $0x1A, v21;
	v61 =	vmul.f32 v61, v22;
	v37 =	vmul.f32 v37, v19  }
0x44d: {  	v36 =	vadd.f32 v53, v36;
	v47 =	vld.idx.msk [tilespmem:v58+s11+$0x0], $0xffff;
	v58 =	vadd.s32 $0x1E, v24;
	v45 =	vmul.f32 v45, v23  }
0x44e: {  	v44 =	vadd.f32 v54, v61;
	v61 =	vadd.s32 $0x1F, v24;
	v37 =	vadd.f32 v38, v37;
	v60 =	vld.idx.msk [tilespmem:v60+s11+$0x0], $0xffff  }
0x44f: {  	v52 =	vld.idx.msk [tilespmem:v52+s11+$0x0], $0xffff;
	v36 =	vmul.f32 v36, v20;
	v45 =	vadd.f32 v62, v45;
	v62 =	vadd.s32 $0x1B, v21  }
0x450: {  	v50 =	vld.idx.msk [tilespmem:v63+s11+$0x0], $0xffff;
	v63 =	vadd.s32 $0x18, v21;
	v59 =	vmul.f32 v44, v22;
	v37 =	vmul.f32 v37, v19  }
0x451: {  	v36 =	vadd.f32 v46, v36;
	v46 =	vld.idx.msk [tilespmem:v57+s11+$0x0], $0xffff;
	v57 =	vadd.s32 $0x1C, v24;
	v45 =	vmul.f32 v45, v23  }
0x452: {  	v38 =	vadd.f32 v48, v59;
	v59 =	vadd.s32 $0x1D, v24;
	v37 =	vadd.f32 v39, v37;
	v58 =	vld.idx.msk [tilespmem:v58+s11+$0x0], $0xffff  }
0x453: {  	v51 =	vld.idx.msk [tilespmem:v61+s11+$0x0], $0xffff;
	v36 =	vmul.f32 v36, v20;
	v44 =	vadd.f32 v60, v45;
	v60 =	vadd.s32 $0x19, v21  }
0x454: {  	v61 =	vadd.s32 $0x16, v21;
	v38 =	vmul.f32 v38, v22;
	v37 =	vmul.f32 v37, v19;
	v49 =	vld.idx.msk [tilespmem:v62+s11+$0x0], $0xffff  }
0x455: {  	v36 =	vadd.f32 v47, v36;
	v47 =	vld.idx.msk [tilespmem:v63+s11+$0x0], $0xffff;
	v62 =	vadd.s32 $0x1A, v24;
	v44 =	vmul.f32 v44, v23  }
0x456: {  	v38 =	vadd.f32 v52, v38;
	v37 =	vadd.f32 v50, v37;
	v63 =	vld.idx.msk [tilespmem:v57+s11+$0x0], $0xffff;
	v57 =	vadd.s32 $0x1B, v24  }
0x457: {  	v53 =	vld.idx.msk [tilespmem:v59+s11+$0x0], $0xffff;
	v36 =	vmul.f32 v36, v20;
	v39 =	vadd.f32 v58, v44;
	v58 =	vadd.s32 $0x17, v21  }
0x458: {  	v59 =	vadd.s32 $0x14, v21;
	v38 =	vmul.f32 v38, v22;
	v45 =	vld.idx.msk [tilespmem:v60+s11+$0x0], $0xffff  }
0x459: {  	v37 =	vmul.f32 v37, v19;
	v36 =	vadd.f32 v46, v36;
	v46 =	vld.idx.msk [tilespmem:v61+s11+$0x0], $0xffff;
	v60 =	vadd.s32 $0x18, v24  }
0x45a: {  	v38 =	vadd.f32 v51, v38;
	v61 =	vadd.s32 $0x19, v24;
	v39 =	vmul.f32 v39, v23;
	v48 =	vld.idx.msk [tilespmem:v62+s11+$0x0], $0xffff  }
0x45b: {  	v37 =	vadd.f32 v49, v37;
	v62 =	vadd.s32 $0x15, v21;
	v36 =	vmul.f32 v36, v20;
	v54 =	vld.idx.msk [tilespmem:v57+s11+$0x0], $0xffff  }
0x45c: {  	v38 =	vmul.f32 v38, v22;
	v39 =	vadd.f32 v63, v39;
	v63 =	vadd.s32 $0x1, v29;
	v44 =	vld.idx.msk [tilespmem:v58+s11+$0x0], $0xffff  }
0x45d: {  	v57 =	vadd.s32 $0x16, v24;
	v37 =	vmul.f32 v37, v19;
	v36 =	vadd.f32 v47, v36;
	v47 =	vld.idx.msk [tilespmem:v59+s11+$0x0], $0xffff  }
0x45e: {  	v38 =	vadd.f32 v53, v38;
	v59 =	vadd.s32 $0x17, v24;
	v39 =	vmul.f32 v39, v23;
	v58 =	vld.idx.msk [tilespmem:v60+s11+$0x0], $0xffff  }
0x45f: {  	v51 =	vadd.s32 $0x15, v24;
	v37 =	vadd.f32 v45, v37;
	v49 =	vld.idx.msk [tilespmem:v61+s11+$0x0], $0xffff;
	v36 =	vmul.f32 v36, v20  }
0x460: {  	v60 =	vadd.s32 $0x2D, v15;
	v38 =	vmul.f32 v38, v22;
	v50 =	vld.idx.msk [tilespmem:v62+s11+$0x0], $0xffff;
	v39 =	vadd.f32 v48, v39  }
0x461: {  	v61 =	vadd.s32 $0x2A, v15;
	v37 =	vmul.f32 v37, v19;
	v36 =	vadd.f32 v46, v36;
	v46 =	vld.idx.msk [tilespmem:v63+s12+$0x0], $0xffff  }
0x462: {  	v62 =	vadd.s32 $0x14, v24;
	v38 =	vadd.f32 v54, v38;
	v63 =	vld.idx.msk [tilespmem:v57+s11+$0x0], $0xffff;
	v39 =	vmul.f32 v39, v23  }
0x463: {  	v35 =	vmul.f32 v35, v12;
	v37 =	vadd.f32 v44, v37;
	v57 =	vld.idx.msk [tilespmem:v59+s11+$0x0], $0xffff;
	v59 =	vadd.s32 $0x2B, v15  }
0x464: {  	v51 =	vld.idx.msk [tilespmem:v51+s11+$0x0], $0xffff;
	v38 =	vmul.f32 v38, v22;
	v39 =	vadd.f32 v58, v39;
	v58 =	vadd.s32 $0x1, v30  }
0x465: {  	v36 =	vmul.f32 v36, v20;
	v48 =	vld.idx.msk [tilespmem:v60+s11+$0x0], $0xffff;
	v60 =	vadd.s32 $0x28, v15;
	v37 =	vmul.f32 v37, v19  }
0x466: {  	v35 =	vadd.f32 v33, v35;
	v54 =	vld.idx.msk [tilespmem:v61+s11+$0x0], $0xffff;
	v38 =	vadd.f32 v49, v38;
	v39 =	vmul.f32 v39, v23  }
0x467: {  	v62 =	vld.idx.msk [tilespmem:v62+s11+$0x0], $0xffff;
	v36 =	vadd.f32 v47, v36;
	v37 =	vadd.f32 v50, v37;
	v50 =	vadd.s32 $0x29, v15  }
0x468: {  	v61 =	vmul.f32 v38, v22;
	v33 =	vld.idx.msk [tilespmem:v59+s11+$0x0], $0xffff;
	v39 =	vadd.f32 v63, v39;
	v63 =	vadd.s32 $0x2, v17  }
0x469: {  	v34 =	vmul.f32 v34, v11;
	v55 =	vadd.f32 v46, v36;
	v59 =	vadd.s32 $0x3B, v21;
	v58 =	vld.idx.msk [tilespmem:v58+s12+$0x0], $0xffff  }
0x46a: {  	v15 =	vld.idx.msk [tilespmem:v60+s11+$0x0], $0xffff;
	v60 =	vadd.s32 $0x38, v21;
	v56 =	vadd.f32 v57, v61;
	v39 =	vmul.f32 v39, v23  }
0x46b: {  	v35 =	vmul.f32 v35, v12;
	v57 =	vadd.s32 $0x3A, v21;
	v37 =	vadd.f32 v55, v37  }
0x46c: {  	v36 =	vmul.f32 v56, v22;
	v17 =	vld.idx.msk [tilespmem:v50+s11+$0x0], $0xffff;
	v38 =	vadd.f32 v62, v39;
	v62 =	vadd.s32 $0x39, v21  }
0x46d: {  	v34 =	vadd.f32 v40, v34;
	v61 =	vmul.f32 v31, v9;
	[tilespmem:s22+$0x60] =	vst v37;
	v31 =	vld.idx.msk [tilespmem:v63+s12+$0x0], $0xffff;
	v63 =	vadd.s32 $0x36, v21  }
0x46e: {  	v50 =	vadd.s32 $0x3A, v24;
	v40 =	vld.idx.msk [tilespmem:v59+s11+$0x0], $0xffff;
	v36 =	vadd.f32 v51, v36;
	v38 =	vadd.f32 v58, v38  }
0x46f: {  	v10 =	vmul.f32 v32, v10;
	v35 =	vadd.f32 v43, v35;
	v51 =	vadd.s32 $0x3B, v24;
	v43 =	vld.idx.msk [tilespmem:v60+s11+$0x0], $0xffff  }
0x470: {  	v52 =	vadd.s32 $0x38, v24;
	v44 =	vld.idx.msk [tilespmem:v57+s11+$0x0], $0xffff;
	v36 =	vadd.f32 v38, v36  }
0x471: {  	v10 =	vadd.f32 v26, v10;
	v53 =	vmul.f32 v34, v11;
	v59 =	vadd.s32 $0x34, v21;
	v34 =	vld.idx.msk [tilespmem:v62+s11+$0x0], $0xffff  }
0x472: {  	v28 =	vadd.f32 v28, v61;
	v56 =	vmul.f32 v35, v12;
	v57 =	vadd.s32 $0x39, v24;
	v35 =	vld.idx.msk [tilespmem:v63+s11+$0x0], $0xffff;
	[tilespmem:s22+$0x70] =	vst v36  }
0x473: {  	v10 =	vadd.f32 v25, v10;
	v30 =	vadd.s32 $0x2, v30;
	v55 =	vadd.s32 $0x37, v21;
	v60 =	vld.idx.msk [tilespmem:v50+s11+$0x0], $0xffff  }
0x474: {  	v9 =	vmul.f32 v28, v9;
	v58 =	vadd.f32 v41, v53;
	v63 =	vadd.s32 $0x36, v24;
	v62 =	vld.idx.msk [tilespmem:v51+s11+$0x0], $0xffff  }
0x475: {  	v61 =	vadd.f32 v42, v56;
	v56 =	vadd.s32 $0x34, v24;
	v53 =	vadd.s32 $0x37, v24;
	v38 =	vld.idx.msk [tilespmem:v52+s11+$0x0], $0xffff  }
0x476: {  	v9 =	vadd.f32 v27, v9;
	v26 =	vmul.f32 v58, v11;
	v58 =	vadd.s32 $0x35, v24;
	v32 =	vld.idx.msk [tilespmem:v59+s11+$0x0], $0xffff  }
0x477: {  	v40 =	vmul.f32 v40, v19;
	v59 =	vadd.s32 $0x30, v21;
	v49 =	vmul.f32 v44, v20;
	v36 =	vld.idx.msk [tilespmem:v57+s11+$0x0], $0xffff  }
0x478: {  	v26 =	vadd.f32 v48, v26;
	v50 =	vadd.s32 $0x35, v21;
	v52 =	vld.idx.msk [tilespmem:v55+s11+$0x0], $0xffff;
	v37 =	vmul.f32 v60, v23  }
0x479: {  	v51 =	vmul.f32 v61, v12;
	v55 =	vadd.s32 $0x32, v21;
	v42 =	vadd.f32 v43, v49;
	v41 =	vld.idx.msk [tilespmem:v63+s11+$0x0], $0xffff  }
0x47a: {  	v57 =	vadd.s32 $0x33, v21;
	v39 =	vld.idx.msk [tilespmem:v53+s11+$0x0], $0xffff;
	v28 =	vmul.f32 v62, v22;
	v37 =	vadd.f32 v38, v37  }
0x47b: {  	v45 =	vld.idx.msk [tilespmem:v56+s11+$0x0], $0xffff;
	v25 =	vadd.f32 v54, v51;
	v34 =	vadd.f32 v34, v40;
	v42 =	vmul.f32 v42, v20  }
0x47c: {  	v51 =	vld.idx.msk [tilespmem:v59+s11+$0x0], $0xffff;
	v62 =	vadd.s32 $0x32, v24;
	v28 =	vadd.f32 v36, v28;
	v61 =	vmul.f32 v37, v23  }
0x47d: {  	v53 =	vadd.s32 $0x2F, v21;
	v44 =	vld.idx.msk [tilespmem:v50+s11+$0x0], $0xffff;
	v34 =	vmul.f32 v34, v19;
	v35 =	vadd.f32 v35, v42  }
0x47e: {  	v48 =	vadd.s32 $0x33, v24;
	v60 =	vld.idx.msk [tilespmem:v55+s11+$0x0], $0xffff;
	v28 =	vmul.f32 v28, v22;
	v36 =	vadd.f32 v41, v61  }
0x47f: {  	v49 =	vadd.s32 $0x2E, v21;
	v50 =	vld.idx.msk [tilespmem:v58+s11+$0x0], $0xffff;
	v27 =	vadd.f32 v52, v34;
	v35 =	vmul.f32 v35, v20  }
0x480: {  	v46 =	vld.idx.msk [tilespmem:v57+s11+$0x0], $0xffff;
	v52 =	vadd.s32 $0x30, v24;
	v28 =	vadd.f32 v39, v28;
	v36 =	vmul.f32 v36, v23  }
0x481: {  	v63 =	vadd.s32 $0x31, v21;
	v27 =	vmul.f32 v27, v19;
	v32 =	vadd.f32 v32, v35;
	v37 =	vld.idx.msk [tilespmem:v62+s11+$0x0], $0xffff  }
0x482: {  	v54 =	vadd.s32 $0x31, v24;
	v40 =	vld.idx.msk [tilespmem:v53+s11+$0x0], $0xffff;
	v28 =	vmul.f32 v28, v22;
	v36 =	vadd.f32 v45, v36  }
0x483: {  	v55 =	vadd.s32 $0x2C, v21;
	v27 =	vadd.f32 v44, v27;
	v41 =	vld.idx.msk [tilespmem:v48+s11+$0x0], $0xffff;
	v32 =	vmul.f32 v32, v20  }
0x484: {  	v57 =	vadd.s32 $0x2E, v24;
	v34 =	vld.idx.msk [tilespmem:v49+s11+$0x0], $0xffff;
	v28 =	vadd.f32 v50, v28;
	v56 =	vmul.f32 v36, v23  }
0x485: {  	v58 =	vadd.s32 $0x2D, v21;
	v39 =	vld.idx.msk [tilespmem:v52+s11+$0x0], $0xffff;
	v27 =	vmul.f32 v27, v19;
	v32 =	vadd.f32 v60, v32  }
0x486: {  	v59 =	vadd.s32 $0x2F, v24;
	v43 =	vld.idx.msk [tilespmem:v63+s11+$0x0], $0xffff;
	v28 =	vmul.f32 v28, v22;
	v35 =	vadd.f32 v37, v56  }
0x487: {  	v49 =	vadd.s32 $0x2A, v24;
	v27 =	vadd.f32 v46, v27;
	v45 =	vld.idx.msk [tilespmem:v54+s11+$0x0], $0xffff;
	v32 =	vmul.f32 v32, v20  }
0x488: {  	v42 =	vld.idx.msk [tilespmem:v55+s11+$0x0], $0xffff;
	v61 =	vadd.s32 $0x2C, v24;
	v28 =	vadd.f32 v41, v28;
	v35 =	vmul.f32 v35, v23  }
0x489: {  	v62 =	vadd.s32 $0x2B, v21;
	v27 =	vmul.f32 v27, v19;
	v36 =	vld.idx.msk [tilespmem:v57+s11+$0x0], $0xffff;
	v32 =	vadd.f32 v51, v32  }
0x48a: {  	v63 =	vadd.s32 $0x2D, v24;
	v44 =	vld.idx.msk [tilespmem:v58+s11+$0x0], $0xffff;
	v28 =	vmul.f32 v28, v22;
	v35 =	vadd.f32 v39, v35  }
0x48b: {  	v60 =	vadd.s32 $0x2A, v21;
	v27 =	vadd.f32 v43, v27;
	v37 =	vld.idx.msk [tilespmem:v59+s11+$0x0], $0xffff;
	v32 =	vmul.f32 v32, v20  }
0x48c: {  	v48 =	vadd.s32 $0x28, v21;
	v53 =	vld.idx.msk [tilespmem:v49+s11+$0x0], $0xffff;
	v28 =	vadd.f32 v45, v28;
	v35 =	vmul.f32 v35, v23  }
0x48d: {  	v21 =	vadd.s32 $0x29, v21;
	v41 =	vld.idx.msk [tilespmem:v61+s11+$0x0], $0xffff;
	v27 =	vmul.f32 v27, v19;
	v32 =	vadd.f32 v34, v32  }
0x48e: {  	v50 =	vld.idx.msk [tilespmem:v62+s11+$0x0], $0xffff;
	v51 =	vadd.s32 $0x2B, v24;
	v28 =	vmul.f32 v28, v22;
	v35 =	vadd.f32 v36, v35  }
0x48f: {  	v29 =	vadd.s32 $0x2, v29;
	v27 =	vadd.f32 v40, v27;
	v39 =	vld.idx.msk [tilespmem:v63+s11+$0x0], $0xffff;
	v32 =	vmul.f32 v32, v20  }
0x490: {  	v52 =	vadd.s32 $0x28, v24;
	v38 =	vld.idx.msk [tilespmem:v60+s11+$0x0], $0xffff;
	v28 =	vadd.f32 v37, v28;
	v35 =	vmul.f32 v35, v23  }
0x491: {  	v26 =	vmul.f32 v26, v11;
	v62 =	vld.idx.msk [tilespmem:v30+s12+$0x0], $0xffff;
	v27 =	vmul.f32 v27, v19;
	v32 =	vadd.f32 v42, v32  }
0x492: {  	v24 =	vadd.s32 $0x29, v24;
	v21 =	vld.idx.msk [tilespmem:v21+s11+$0x0], $0xffff;
	v28 =	vmul.f32 v28, v22;
	v35 =	vadd.f32 v41, v35  }
0x493: {  	v26 =	vadd.f32 v33, v26;
	v54 =	vld.idx.msk [tilespmem:v51+s11+$0x0], $0xffff;
	v27 =	vadd.f32 v44, v27;
	v32 =	vmul.f32 v32, v20  }
0x494: {  	v12 =	vmul.f32 v25, v12;
	v34 =	vld.idx.msk [tilespmem:v48+s11+$0x0], $0xffff;
	v55 =	vadd.f32 v39, v28;
	v57 =	vmul.f32 v35, v23  }
0x495: {  	v11 =	vmul.f32 v26, v11;
	v59 =	vld.idx.msk [tilespmem:v52+s11+$0x0], $0xffff;
	v27 =	vmul.f32 v27, v19;
	v58 =	vadd.f32 v38, v32  }
0x496: {  	v12 =	vadd.f32 v15, v12;
	v56 =	vld.idx.msk [tilespmem:v29+s12+$0x0], $0xffff;
	v25 =	vmul.f32 v55, v22;
	v60 =	vadd.f32 v53, v57  }
0x497: {  	v11 =	vadd.f32 v17, v11;
	v24 =	vld.idx.msk [tilespmem:v24+s11+$0x0], $0xffff;
	v61 =	vadd.f32 v50, v27;
	v20 =	vmul.f32 v58, v20  }
0x498: {  	v12 =	vadd.f32 v31, v12;
	v25 =	vadd.f32 v54, v25;
	v15 =	vmul.f32 v60, v23  }
0x499: {  	[tilespmem:s22+$0x1E90] =	vst v7;
	v7 =	vadd.f32 v10, v9;
	v10 =	vmul.f32 v61, v19;
	v9 =	vadd.f32 v34, v20  }
0x49a: {  	s21 =	sadd.s32 $0x10, s21;
	[tilespmem:s22+$0x1EA0] =	vst v8;
	v8 =	vadd.f32 v12, v11;
	v63 =	vmul.f32 v25, v22;
	v11 =	vadd.f32 v59, v15  }
0x49b: {  	p0 =	slt.u32 s21, $0x1D0;
	[tilespmem:s22+$0x1EB0] =	vst v13;
	v10 =	vadd.f32 v21, v10;
	v9 =	vadd.f32 v56, v9  }
.Ltmp0:
0x49c: {  	[tilespmem:s22+$0x1EC0] =	vst v14;
	v12 =	vadd.f32 v24, v63;
	v11 =	vadd.f32 v62, v11;
	(pc) =	sbr.rel @p0 .LBB2_2-.Ltmp0, $4  }
0x49d: {  	[tilespmem:s22+$0x1ED0] =	vst v7;
	v7 =	vadd.f32 v9, v10;
	v9 =	vadd.s32 $0x10, v16  }
0x49e: {  	[tilespmem:s22+$0x1EE0] =	vst v8;
	vm15 =	vgt.s32 v9, $0x1F3;
	v8 =	vadd.f32 v11, v12  }
0x49f: {  	[tilespmem:s22+$0x1EF0] =	vst v7;
	v7 =	vadd.s32 $0xFFFFFE1C, v16;
	v10 =	vsel vm15, $0x1, v1  }
0x4a0: {  	v6 =	vadd.s32 $0x200, v6;
	[tilespmem:s22+$0x1F00] =	vst v8;
	v8 =	vsel vm15, v7, v9;
	v7 =	vadd.s32 v10, v18;
	s22 =	sadd.s32 $0x100, s22  }
.LBB2_3:
0x4a1: {  	v9 =	vmul.u32 $0x199A, v8  }
0x4a2: {  	v10 =	vmul.u32 $0x199A, v7  }
0x4a3: {  	v12 =	vshra.s32 v9, $0xF  }
0x4a4: {  	v13 =	vshra.s32 v10, $0xF;
	v9 =	vmul.u32 $0x3C, v12  }
0x4a5: {  	v10 =	vmul.u32 $0x1770, v13  }
0x4a6: {  	v9 =	vadd.s32 v3, v9  }
0x4a7: {  	v14 =	vor.u32 $0x1, v6;
	v11 =	vadd.s32 v10, v9  }
0x4a8: {  	v15 =	vadd.s32 $0x12, v11  }
0x4a9: {  	v16 =	vadd.s32 $0x13, v11  }
0x4aa: {  	v17 =	vadd.s32 $0x10, v11  }
0x4ab: {  	v10 =	vld.idx.msk [tilespmem:v6+s2+$0x0], $0xffff  }
0x4ac: {  	v9 =	vld.idx.msk [tilespmem:v14+s2+$0x0], $0xffff;
	v44 =	vadd.s32 $0x11, v11  }
0x4ad: {  	v15 =	vld.idx.msk [tilespmem:v15+s11+$0x0], $0xffff  }
0x4ae: {  	v18 =	vadd.s32 $0xE, v11;
	v16 =	vld.idx.msk [tilespmem:v16+s11+$0x0], $0xffff  }
0x4af: {  	v17 =	vld.idx.msk [tilespmem:v17+s11+$0x0], $0xffff  }
0x4b0: {  	v19 =	vadd.s32 $0xF, v11  }
0x4b1: {  	v14 =	vld.idx.msk [tilespmem:v44+s11+$0x0], $0xffff  }
0x4b2: {  	v20 =	vadd.s32 $0xC, v11;
	v15 =	vmul.f32 v15, v10  }
0x4b3: {  	v18 =	vld.idx.msk [tilespmem:v18+s11+$0x0], $0xffff  }
0x4b4: {  	v45 =	vadd.s32 $0xD, v11;
	v16 =	vmul.f32 v16, v9;
	v15 =	vadd.f32 v17, v15  }
0x4b5: {  	v19 =	vld.idx.msk [tilespmem:v19+s11+$0x0], $0xffff  }
0x4b6: {  	v46 =	vadd.s32 $0xA, v11;
	v14 =	vadd.f32 v14, v16;
	v15 =	vmul.f32 v15, v10  }
0x4b7: {  	v20 =	vld.idx.msk [tilespmem:v20+s11+$0x0], $0xffff  }
0x4b8: {  	v47 =	vadd.s32 $0xB, v11;
	v14 =	vmul.f32 v14, v9;
	v15 =	vadd.f32 v18, v15  }
0x4b9: {  	v17 =	vld.idx.msk [tilespmem:v45+s11+$0x0], $0xffff  }
0x4ba: {  	v48 =	vadd.s32 $0x8, v11;
	v14 =	vadd.f32 v19, v14;
	v15 =	vmul.f32 v15, v10  }
0x4bb: {  	v16 =	vld.idx.msk [tilespmem:v46+s11+$0x0], $0xffff  }
0x4bc: {  	v49 =	vadd.s32 $0x9, v11;
	v14 =	vmul.f32 v14, v9;
	v15 =	vadd.f32 v20, v15  }
0x4bd: {  	v18 =	vld.idx.msk [tilespmem:v47+s11+$0x0], $0xffff  }
0x4be: {  	v50 =	vadd.s32 $0x6, v11;
	v14 =	vadd.f32 v17, v14;
	v15 =	vmul.f32 v15, v10  }
0x4bf: {  	v19 =	vld.idx.msk [tilespmem:v48+s11+$0x0], $0xffff  }
0x4c0: {  	v51 =	vadd.s32 $0x7, v11;
	v14 =	vmul.f32 v14, v9;
	v15 =	vadd.f32 v16, v15  }
0x4c1: {  	v20 =	vld.idx.msk [tilespmem:v49+s11+$0x0], $0xffff  }
0x4c2: {  	v52 =	vadd.s32 $0x4, v11;
	v14 =	vadd.f32 v18, v14;
	v15 =	vmul.f32 v15, v10  }
0x4c3: {  	v17 =	vld.idx.msk [tilespmem:v50+s11+$0x0], $0xffff  }
0x4c4: {  	v53 =	vadd.s32 $0x5, v11;
	v14 =	vmul.f32 v14, v9;
	v15 =	vadd.f32 v19, v15  }
0x4c5: {  	v16 =	vld.idx.msk [tilespmem:v51+s11+$0x0], $0xffff  }
0x4c6: {  	v54 =	vor.u32 $0x2, v11;
	v14 =	vadd.f32 v20, v14;
	v15 =	vmul.f32 v15, v10  }
0x4c7: {  	v12 =	vmul.u32 $0x3, v12;
	v18 =	vld.idx.msk [tilespmem:v52+s11+$0x0], $0xffff  }
0x4c8: {  	v55 =	vor.u32 $0x3, v11;
	v14 =	vmul.f32 v14, v9;
	v15 =	vadd.f32 v17, v15  }
0x4c9: {  	v13 =	vmul.u32 $0x12C, v13;
	v19 =	vld.idx.msk [tilespmem:v53+s11+$0x0], $0xffff  }
0x4ca: {  	v12 =	vadd.s32 v4, v12;
	v14 =	vadd.f32 v16, v14;
	v15 =	vmul.f32 v15, v10  }
0x4cb: {  	v12 =	vadd.s32 v13, v12;
	v56 =	vld.idx.msk [tilespmem:v54+s11+$0x0], $0xffff  }
0x4cc: {  	v57 =	vor.u32 $0x1, v11;
	v14 =	vmul.f32 v14, v9;
	v58 =	vadd.f32 v18, v15  }
0x4cd: {  	v59 =	vld.idx.msk [tilespmem:v55+s11+$0x0], $0xffff  }
0x4ce: {  	v14 =	vadd.f32 v19, v14;
	v13 =	vmul.f32 v58, v10  }
0x4cf: {  	v60 =	vld.idx.msk [tilespmem:v11+s11+$0x0], $0xffff  }
0x4d0: {  	v62 =	vld.idx.msk [tilespmem:v12+s12+$0x0], $0xffff;
	v14 =	vmul.f32 v14, v9;
	v13 =	vadd.f32 v56, v13  }
0x4d1: {  	v61 =	vld.idx.msk [tilespmem:v57+s11+$0x0], $0xffff  }
0x4d2: {  	v14 =	vadd.f32 v59, v14;
	v13 =	vmul.f32 v13, v10;
	_ =	sdelay $0x1  }
0x4d3: {  	v14 =	vmul.f32 v14, v9;
	v13 =	vadd.f32 v60, v13;
	_ =	sdelay $0x1  }
0x4d4: {  	v63 =	vadd.s32 $0x26, v11;
	v14 =	vadd.f32 v61, v14;
	v13 =	vadd.f32 v62, v13  }
0x4d5: {  	v20 =	vadd.s32 $0x27, v11  }
0x4d6: {  	v21 =	vadd.s32 $0x24, v11;
	v13 =	vadd.f32 v13, v14  }
0x4d7: {  	s21 =	sshra.s32 s20, $0x2  }
0x4d8: {  	v22 =	vadd.s32 $0x25, v11;
	[tilespmem:s21+$0xD880] =	vst v13  }
0x4d9: {  	v15 =	vld.idx.msk [tilespmem:v63+s11+$0x0], $0xffff  }
0x4da: {  	v23 =	vadd.s32 $0x22, v11;
	v16 =	vld.idx.msk [tilespmem:v20+s11+$0x0], $0xffff  }
0x4db: {  	v14 =	vld.idx.msk [tilespmem:v21+s11+$0x0], $0xffff  }
0x4dc: {  	v24 =	vadd.s32 $0x23, v11  }
0x4dd: {  	v13 =	vld.idx.msk [tilespmem:v22+s11+$0x0], $0xffff  }
0x4de: {  	v25 =	vadd.s32 $0x20, v11;
	v15 =	vmul.f32 v15, v10  }
0x4df: {  	v17 =	vld.idx.msk [tilespmem:v23+s11+$0x0], $0xffff  }
0x4e0: {  	v27 =	vadd.s32 $0x21, v11;
	v26 =	vmul.f32 v16, v9;
	v14 =	vadd.f32 v14, v15  }
0x4e1: {  	v18 =	vld.idx.msk [tilespmem:v24+s11+$0x0], $0xffff  }
0x4e2: {  	v28 =	vadd.s32 $0x1E, v11;
	v13 =	vadd.f32 v13, v26;
	v14 =	vmul.f32 v14, v10  }
0x4e3: {  	v19 =	vld.idx.msk [tilespmem:v25+s11+$0x0], $0xffff  }
0x4e4: {  	v29 =	vadd.s32 $0x1F, v11;
	v13 =	vmul.f32 v13, v9;
	v14 =	vadd.f32 v17, v14  }
0x4e5: {  	v16 =	vld.idx.msk [tilespmem:v27+s11+$0x0], $0xffff  }
0x4e6: {  	v30 =	vadd.s32 $0x1C, v11;
	v13 =	vadd.f32 v18, v13;
	v14 =	vmul.f32 v14, v10  }
0x4e7: {  	v15 =	vld.idx.msk [tilespmem:v28+s11+$0x0], $0xffff  }
0x4e8: {  	v31 =	vadd.s32 $0x1D, v11;
	v13 =	vmul.f32 v13, v9;
	v14 =	vadd.f32 v19, v14  }
0x4e9: {  	v17 =	vld.idx.msk [tilespmem:v29+s11+$0x0], $0xffff  }
0x4ea: {  	v32 =	vadd.s32 $0x1A, v11;
	v13 =	vadd.f32 v16, v13;
	v14 =	vmul.f32 v14, v10  }
0x4eb: {  	v18 =	vld.idx.msk [tilespmem:v30+s11+$0x0], $0xffff  }
0x4ec: {  	v33 =	vadd.s32 $0x1B, v11;
	v13 =	vmul.f32 v13, v9;
	v14 =	vadd.f32 v15, v14  }
0x4ed: {  	v19 =	vld.idx.msk [tilespmem:v31+s11+$0x0], $0xffff  }
0x4ee: {  	v34 =	vadd.s32 $0x18, v11;
	v13 =	vadd.f32 v17, v13;
	v14 =	vmul.f32 v14, v10  }
0x4ef: {  	v16 =	vld.idx.msk [tilespmem:v32+s11+$0x0], $0xffff  }
0x4f0: {  	v35 =	vadd.s32 $0x19, v11;
	v13 =	vmul.f32 v13, v9;
	v14 =	vadd.f32 v18, v14  }
0x4f1: {  	v15 =	vld.idx.msk [tilespmem:v33+s11+$0x0], $0xffff  }
0x4f2: {  	v36 =	vadd.s32 $0x16, v11;
	v13 =	vadd.f32 v19, v13;
	v14 =	vmul.f32 v14, v10  }
0x4f3: {  	v17 =	vld.idx.msk [tilespmem:v34+s11+$0x0], $0xffff  }
0x4f4: {  	v37 =	vadd.s32 $0x17, v11;
	v13 =	vmul.f32 v13, v9;
	v14 =	vadd.f32 v16, v14  }
0x4f5: {  	v18 =	vld.idx.msk [tilespmem:v35+s11+$0x0], $0xffff  }
0x4f6: {  	v38 =	vadd.s32 $0x14, v11;
	v13 =	vadd.f32 v15, v13;
	v14 =	vmul.f32 v14, v10  }
0x4f7: {  	v40 =	vadd.s32 $0x15, v11;
	v39 =	vld.idx.msk [tilespmem:v36+s11+$0x0], $0xffff  }
0x4f8: {  	v41 =	vadd.s32 $0x1, v12;
	v13 =	vmul.f32 v13, v9;
	v14 =	vadd.f32 v17, v14  }
0x4f9: {  	v16 =	vld.idx.msk [tilespmem:v37+s11+$0x0], $0xffff  }
0x4fa: {  	v13 =	vadd.f32 v18, v13;
	v14 =	vmul.f32 v14, v10  }
0x4fb: {  	v42 =	vld.idx.msk [tilespmem:v38+s11+$0x0], $0xffff  }
0x4fc: {  	v43 =	vld.idx.msk [tilespmem:v40+s11+$0x0], $0xffff;
	v13 =	vmul.f32 v13, v9;
	v14 =	vadd.f32 v39, v14  }
0x4fd: {  	v17 =	vld.idx.msk [tilespmem:v41+s12+$0x0], $0xffff  }
0x4fe: {  	v13 =	vadd.f32 v16, v13;
	v14 =	vmul.f32 v14, v10;
	_ =	sdelay $0x1  }
0x4ff: {  	v13 =	vmul.f32 v13, v9;
	v14 =	vadd.f32 v42, v14;
	_ =	sdelay $0x1  }
0x500: {  	v44 =	vadd.s32 $0x3A, v11;
	v13 =	vadd.f32 v43, v13;
	v14 =	vadd.f32 v17, v14  }
0x501: {  	v45 =	vadd.s32 $0x3B, v11  }
0x502: {  	v46 =	vadd.s32 $0x38, v11;
	v13 =	vadd.f32 v14, v13;
	_ =	sdelay $0x1  }
0x503: {  	v47 =	vadd.s32 $0x39, v11;
	[tilespmem:s21+$0xF710] =	vst v13  }
0x504: {  	v15 =	vld.idx.msk [tilespmem:v44+s11+$0x0], $0xffff  }
0x505: {  	v48 =	vadd.s32 $0x36, v11;
	v16 =	vld.idx.msk [tilespmem:v45+s11+$0x0], $0xffff  }
0x506: {  	v14 =	vld.idx.msk [tilespmem:v46+s11+$0x0], $0xffff  }
0x507: {  	v49 =	vadd.s32 $0x37, v11  }
0x508: {  	v13 =	vld.idx.msk [tilespmem:v47+s11+$0x0], $0xffff  }
0x509: {  	v50 =	vadd.s32 $0x34, v11;
	v15 =	vmul.f32 v15, v10  }
0x50a: {  	v17 =	vld.idx.msk [tilespmem:v48+s11+$0x0], $0xffff  }
0x50b: {  	v52 =	vadd.s32 $0x35, v11;
	v51 =	vmul.f32 v16, v9;
	v14 =	vadd.f32 v14, v15  }
0x50c: {  	v18 =	vld.idx.msk [tilespmem:v49+s11+$0x0], $0xffff  }
0x50d: {  	v53 =	vadd.s32 $0x32, v11;
	v13 =	vadd.f32 v13, v51;
	v14 =	vmul.f32 v14, v10  }
0x50e: {  	v19 =	vld.idx.msk [tilespmem:v50+s11+$0x0], $0xffff  }
0x50f: {  	v54 =	vadd.s32 $0x33, v11;
	v13 =	vmul.f32 v13, v9;
	v14 =	vadd.f32 v17, v14  }
0x510: {  	v16 =	vld.idx.msk [tilespmem:v52+s11+$0x0], $0xffff  }
0x511: {  	v55 =	vadd.s32 $0x30, v11;
	v13 =	vadd.f32 v18, v13;
	v14 =	vmul.f32 v14, v10  }
0x512: {  	v15 =	vld.idx.msk [tilespmem:v53+s11+$0x0], $0xffff  }
0x513: {  	v56 =	vadd.s32 $0x31, v11;
	v13 =	vmul.f32 v13, v9;
	v14 =	vadd.f32 v19, v14  }
0x514: {  	v17 =	vld.idx.msk [tilespmem:v54+s11+$0x0], $0xffff  }
0x515: {  	v57 =	vadd.s32 $0x2E, v11;
	v13 =	vadd.f32 v16, v13;
	v14 =	vmul.f32 v14, v10  }
0x516: {  	v18 =	vld.idx.msk [tilespmem:v55+s11+$0x0], $0xffff  }
0x517: {  	v58 =	vadd.s32 $0x2F, v11;
	v13 =	vmul.f32 v13, v9;
	v14 =	vadd.f32 v15, v14  }
0x518: {  	v19 =	vld.idx.msk [tilespmem:v56+s11+$0x0], $0xffff  }
0x519: {  	v59 =	vadd.s32 $0x2C, v11;
	v13 =	vadd.f32 v17, v13;
	v14 =	vmul.f32 v14, v10  }
0x51a: {  	v16 =	vld.idx.msk [tilespmem:v57+s11+$0x0], $0xffff  }
0x51b: {  	v60 =	vadd.s32 $0x2D, v11;
	v13 =	vmul.f32 v13, v9;
	v14 =	vadd.f32 v18, v14  }
0x51c: {  	v15 =	vld.idx.msk [tilespmem:v58+s11+$0x0], $0xffff  }
0x51d: {  	v61 =	vadd.s32 $0x2A, v11;
	v13 =	vadd.f32 v19, v13;
	v14 =	vmul.f32 v14, v10  }
0x51e: {  	v17 =	vld.idx.msk [tilespmem:v59+s11+$0x0], $0xffff  }
0x51f: {  	v62 =	vadd.s32 $0x2B, v11;
	v13 =	vmul.f32 v13, v9;
	v14 =	vadd.f32 v16, v14  }
0x520: {  	v18 =	vld.idx.msk [tilespmem:v60+s11+$0x0], $0xffff  }
0x521: {  	v63 =	vadd.s32 $0x28, v11;
	v13 =	vadd.f32 v15, v13;
	v14 =	vmul.f32 v14, v10  }
0x522: {  	v11 =	vadd.s32 $0x29, v11;
	v19 =	vld.idx.msk [tilespmem:v61+s11+$0x0], $0xffff  }
0x523: {  	v12 =	vadd.s32 $0x2, v12;
	v13 =	vmul.f32 v13, v9;
	v14 =	vadd.f32 v17, v14  }
0x524: {  	v16 =	vld.idx.msk [tilespmem:v62+s11+$0x0], $0xffff  }
0x525: {  	v13 =	vadd.f32 v18, v13;
	v14 =	vmul.f32 v14, v10  }
0x526: {  	v15 =	vld.idx.msk [tilespmem:v63+s11+$0x0], $0xffff  }
0x527: {  	v11 =	vld.idx.msk [tilespmem:v11+s11+$0x0], $0xffff;
	v13 =	vmul.f32 v13, v9;
	v14 =	vadd.f32 v19, v14  }
0x528: {  	v12 =	vld.idx.msk [tilespmem:v12+s12+$0x0], $0xffff  }
0x529: {  	v13 =	vadd.f32 v16, v13;
	v10 =	vmul.f32 v14, v10;
	_ =	sdelay $0x1  }
0x52a: {  	v9 =	vmul.f32 v13, v9;
	v10 =	vadd.f32 v15, v10  }
0x52b: {  	p0 =	sne.s32 s20, $0x200  }
.Ltmp1:
0x52c: {  	v9 =	vadd.f32 v11, v9;
	v10 =	vadd.f32 v12, v10;
	(pc) =	sbr.rel @p0 .LBB2_3-.Ltmp1, $4  }
0x52d: {  	v11 =	vadd.s32 $0x10, v8  }
0x52e: {  	vm0 =	vgt.s32 v11, $0x1F3;
	v9 =	vadd.f32 v10, v9  }
0x52f: {  	v8 =	vadd.s32 $0xFFFFFE1C, v8;
	v10 =	vsel vm0, $0x1, v1  }
0x530: {  	s20 =	sadd.s32 $0x40, s20;
	v6 =	vadd.s32 $0x20, v6;
	v8 =	vsel vm0, v8, v11;
	v7 =	vadd.s32 v10, v7;
	[tilespmem:s21+$0x115A0] =	vst v9  }
0x531: {  	[hbm4b:s7+s2] =	stream.linear.scatter [tilespmem:s15], [sflag:$0x4], $0x1E90, $0x38;
	[tilespmem:$0x11680] =	vst v63  }
0x532: {  	_ =	swait.ge [sflag:s16], $0x1E90  }
0x533: {  	[sflag:s16] =	ssyncset.done $0x0  }
0x534: {  	[sflag:s16] =	ssyncadd.s32 $0xFFFFE170  }
0x535: {  	[hbm4b:s8+s2] =	stream.linear.scatter [tilespmem:s17], [sflag:$0x4], $0x1E90, $0x38;
	[tilespmem:$0x11680] =	vst v63  }
0x536: {  	s19 =	sadd.s32 $0x1, s19;
	_ =	swait.ge [sflag:s16], $0x1E90  }
0x537: {  	p0 =	sne.s32 s19, s10;
	[sflag:s16] =	ssyncset.done $0x0  }
.Ltmp2:
0x538: {  	[sflag:s16] =	ssyncadd.s32 $0xFFFFE170;
	(pc) =	sbr.rel @p0 .LBB2_1-.Ltmp2, $4  }
0x539: {  	[hbm4b:s9+s2] =	stream.linear.scatter [tilespmem:s18], [sflag:$0x4], $0x1E90, $0x38;
	[tilespmem:$0x11680] =	vst v63  }
0x53a: {  	_ =	swait.ge [sflag:s16], $0x1E90  }
0x53b: {  	[sflag:s16] =	ssyncset.done $0x0  }
0x53c: {  	[sflag:s16] =	ssyncadd.s32 $0xFFFFE170  }
0x53d: {  	_ =	sfence.sel $0x180000  }
0x53e: {  	[bflag:$0x0] =	sbarrier.arrive $0xFFFF  }
0x53f: {  	p0 =	sne.s32 s0, $0x0;
	_ =	strace $0x90000047  }
0x540: {  	s0 =	sadd.s32 @!p0 $0x100000, s1;
	[bflag:$0x2] =	sbarrier.arrive $0xFFFF  }
0x541: {  	[sflag:s0] =	ssyncadd.tile.s32 @!p0 $0x1;
	_ =	shalt  }
.Lfunc_end2:
_tile_overlayer_lowered:
.L_overlay_start_2:
0x542: {  	(tag) =	ssettag $0x2  }
0x543: {  	s0 =	rddreg [dreg:$0x0];
	s2 =	stileid.u32  }
0x544: {  	s1 =	rddreg [dreg:$0x1];
	p0 =	sne.s32 s2, $0x0  }
0x545: {  	s3 =	rddreg [dreg:$0x2];
	[bflag:$0x3] =	sbarrier.arrive $0xFFFF;
	s2 =	simm.s32 @!p0 $0x1C04  }
0x546: {  	[timem:s3], [sflag:s2] =	dma.local @!p0 [hbm:s0], s1  }
0x547: {  	s0 =	simm.s32 @!p0 $0x4  }
0x548: {  	_ =	swait.ge @!p0 [sflag:s0], s1  }
0x549: {  	s1 =	ssub.s32 @!p0 $0x0, s1;
	[sflag:s0] =	ssyncset.done @!p0 $0x0  }
0x54a: {  	[sflag:s0] =	ssyncadd.s32 @!p0 s1  }
0x54b: {  	[bflag:$0x3] =	sbarrier.arrive $0xFFFF  }
0x54c: {  	_ =	shalt  }

</sc_bundles>
